<compile_context>
chip_gen: v7x
topology: tpu7x:2x2x1
jax: 0.10.2.dev20260603
libtpu: 0.0.44.dev20260713+nightly
codegen_flags: <defaults>
</compile_context>

<pallas_src>
import functools

import jax
import jax.numpy as jnp
from jax import lax
from jax.experimental import pallas as pl
from jax.experimental.pallas import tpu as pltpu
from jax.experimental.pallas import tpu_sc as plsc

_B = 4096
_L = 200
_D = 128
_NW = 32
_SEQ_PER_W = _B // _NW
_NCH = _D // 16
_NS = 4


def _sc_body(x_hbm, tab_hbm, out_hbm, tab_v, buf, insem, outsem):
    wid = lax.axis_index("s") * 2 + lax.axis_index("c")
    base = wid * _SEQ_PER_W
    pltpu.sync_copy(tab_hbm, tab_v)
    t0 = [tab_v[0, pl.ds(16 * j, 16)] for j in range(_NCH)]

    def in_cp(s, q):
        return pltpu.make_async_copy(x_hbm.at[base + s], buf.at[q], insem)

    def out_cp(s, q):
        return pltpu.make_async_copy(buf.at[q], out_hbm.at[base + s], outsem)

    def compute(q):
        bufp = buf.at[q]

        @plsc.parallel_loop(0, _L, 1, unroll=2)
        def _row(l):
            xs = [bufp[l, pl.ds(16 * j, 16)] for j in range(_NCH)]
            nz = xs[0] != 0.0
            for v in xs[1:]:
                nz = nz | (v != 0.0)
            cnt = plsc.all_reduce_population_count(nz)
            m = cnt > 0
            for j in range(_NCH):
                t = jnp.where(m, tab_v[l + 1, pl.ds(16 * j, 16)], t0[j])
                bufp[l, pl.ds(16 * j, 16)] = xs[j] + t

    for q in range(_NS - 1):
        in_cp(q, q).start()

    def seq_body(k, carry):
        for q in range(_NS):
            s = _NS * k + q
            in_cp(s, q).wait()
            compute(q)
            out_cp(s, q).start()
            if q == 0:
                @pl.when(k > 0)
                def _():
                    out_cp(s - 1, _NS - 1).wait()
            else:
                out_cp(s - 1, q - 1).wait()

            @pl.when(s + _NS - 1 < _SEQ_PER_W)
            def _():
                in_cp(s + _NS - 1, (q + _NS - 1) % _NS).start()
        return carry

    lax.fori_loop(0, _SEQ_PER_W // _NS, seq_body, 0)
    out_cp(_SEQ_PER_W - 1, (_SEQ_PER_W - 1) % _NS).wait()


def kernel(x, pos_table):
    B, L, D = x.shape
    mesh = plsc.VectorSubcoreMesh(core_axis_name="c", subcore_axis_name="s")
    run = functools.partial(
        pl.kernel,
        mesh=mesh,
        compiler_params=pltpu.CompilerParams(needs_layout_passes=False),
        out_type=jax.ShapeDtypeStruct((B, L, D), jnp.float32),
        scratch_types=[
            pltpu.VMEM((L + 1, D), jnp.float32),
            pltpu.VMEM((_NS, L, D), jnp.float32),
            pltpu.SemaphoreType.DMA,
            pltpu.SemaphoreType.DMA,
        ],
    )(_sc_body)
    return run(x, pos_table)

# --- scband reference (transcript-rebuilt; emitter-appended) ---
"""Pipeline reference for scband-inner-masked-position-embedding-24627342475330 (READ-ONLY COPY).

The authoritative reference and input builder live on the scoring server;
editing this copy changes nothing except your own understanding.
"""

import jax, jax.numpy as jnp
import numpy as np

MAXLEN = 200
EMBED_DIM = 128
B = 4096
L = 200

def setup_inputs(seed: int = 0) -> dict:
    key = jax.random.key(seed)
    k1, k2 = jax.random.split(key)
    x = jax.random.normal(k1, (B, L, EMBED_DIM), dtype=jnp.float32)
    # keras.layers.Embedding default init: uniform(-0.05, 0.05), table shape (maxlen+1, embed_dim)
    pos_table = jax.random.uniform(k2, (MAXLEN + 1, EMBED_DIM), minval=-0.05, maxval=0.05, dtype=jnp.float32)
    return {"x": x, "pos_table": pos_table}

def reference(x, pos_table):
    # maxlen = tf.shape(x)[-2]; positions = range(1, maxlen+1)
    seqlen = x.shape[-2]
    positions = jnp.arange(1, seqlen + 1, dtype=jnp.int32)  # [L]
    # mask: positions where the feature row is all-zero get index 0 (the masked/zero row)
    nz = jnp.count_nonzero(x, axis=2)  # [B, L] int
    positions = positions[None, :] * jnp.sign(nz).astype(jnp.int32)  # [B, L]
    # embedding lookup (gather)
    pos_emb = jnp.take(pos_table, positions, axis=0)  # [B, L, D]
    return x + pos_emb

if __name__ == "__main__":
    import jax
    _d = setup_inputs()
    print(jax.jit(kernel)(*tuple(_d.values())))

</pallas_src>

<mosaic_0001>
#map = affine_map<(d0, d1) -> (0, 0, 0)>
#map1 = affine_map<(d0, d1) -> (0, 0)>
module attributes {stable_mosaic.version = 14 : i64} {
  func.func @_sc_body(%arg0: i32, %arg1: i32, %arg2: memref<4096x200x128xf32, #tpu.memory_space<hbm>>, %arg3: memref<201x128xf32, #tpu.memory_space<hbm>>, %arg4: memref<4096x200x128xf32, #tpu.memory_space<hbm>>, %arg5: memref<201x128xf32, #tpu.memory_space<vmem>>, %arg6: memref<4x200x128xf32, #tpu.memory_space<vmem>>, %arg7: memref<!tpu.dma_semaphore, #tpu.memory_space<semaphore_mem>>, %arg8: memref<!tpu.dma_semaphore, #tpu.memory_space<semaphore_mem>>) attributes {dimension_semantics = [#tpu.dimension_semantics<core_parallel>, #tpu.dimension_semantics<subcore_parallel>], iteration_bounds = array<i64: 2, 16>, scalar_prefetch = 0 : i64, scratch_operands = 4 : i64, tpu.core_type = #tpu.core_type<sc_vector_subcore>, window_params = [{transform_indices = #map}, {transform_indices = #map1}, {transform_indices = #map}]} {
    %mul3A = arith.constant 2 : i32
    %mul3A_0 = arith.muli %arg1, %mul3A : i32
    %add3A = arith.addi %mul3A_0, %arg0 : i32
    %mul3A_1 = arith.constant 128 : i32
    %mul3A_2 = arith.muli %add3A, %mul3A_1 : i32
    "tpu.region"() ({
      %run_scoped3A = tpu.sem_alloc : memref<!tpu.dma_semaphore, #tpu.memory_space<semaphore_mem>>
      tpu.enqueue_dma source(%arg3 : memref<201x128xf32, #tpu.memory_space<hbm>>) target(%arg5 : memref<201x128xf32, #tpu.memory_space<vmem>>) target_semaphore(%run_scoped3A : memref<!tpu.dma_semaphore, #tpu.memory_space<semaphore_mem>>)
      tpu.wait_dma2 semaphore(%run_scoped3A : memref<!tpu.dma_semaphore, #tpu.memory_space<semaphore_mem>>) src(%arg3 : memref<201x128xf32, #tpu.memory_space<hbm>>) dst(%arg5 : memref<201x128xf32, #tpu.memory_space<vmem>>)
      tpu.yield
    }) : () -> ()
    %get3A = arith.constant 0 : i32
    %get3A_3 = arith.index_cast %get3A : i32 to index
    %get3A_4 = arith.constant 0 : index
    %get3A_5 = tpu.vector_load %arg5[%get3A_3, %get3A_4] {strides = array<i32>} : memref<201x128xf32, #tpu.memory_space<vmem>>, vector<16xf32>,
    %get3A_6 = arith.constant 0 : i32
    %get3A_7 = arith.index_cast %get3A_6 : i32 to index
    %get3A_8 = arith.constant 16 : index
    %get3A_9 = tpu.vector_load %arg5[%get3A_7, %get3A_8] {strides = array<i32>} : memref<201x128xf32, #tpu.memory_space<vmem>>, vector<16xf32>,
    %get3A_10 = arith.constant 0 : i32
    %get3A_11 = arith.index_cast %get3A_10 : i32 to index
    %get3A_12 = arith.constant 32 : index
    %get3A_13 = tpu.vector_load %arg5[%get3A_11, %get3A_12] {strides = array<i32>} : memref<201x128xf32, #tpu.memory_space<vmem>>, vector<16xf32>,
    %get3A_14 = arith.constant 0 : i32
    %get3A_15 = arith.index_cast %get3A_14 : i32 to index
    %get3A_16 = arith.constant 48 : index
    %get3A_17 = tpu.vector_load %arg5[%get3A_15, %get3A_16] {strides = array<i32>} : memref<201x128xf32, #tpu.memory_space<vmem>>, vector<16xf32>,
    %get3A_18 = arith.constant 0 : i32
    %get3A_19 = arith.index_cast %get3A_18 : i32 to index
    %get3A_20 = arith.constant 64 : index
    %get3A_21 = tpu.vector_load %arg5[%get3A_19, %get3A_20] {strides = array<i32>} : memref<201x128xf32, #tpu.memory_space<vmem>>, vector<16xf32>,
    %get3A_22 = arith.constant 0 : i32
    %get3A_23 = arith.index_cast %get3A_22 : i32 to index
    %get3A_24 = arith.constant 80 : index
    %get3A_25 = tpu.vector_load %arg5[%get3A_23, %get3A_24] {strides = array<i32>} : memref<201x128xf32, #tpu.memory_space<vmem>>, vector<16xf32>,
    %get3A_26 = arith.constant 0 : i32
    %get3A_27 = arith.index_cast %get3A_26 : i32 to index
    %get3A_28 = arith.constant 96 : index
    %get3A_29 = tpu.vector_load %arg5[%get3A_27, %get3A_28] {strides = array<i32>} : memref<201x128xf32, #tpu.memory_space<vmem>>, vector<16xf32>,
    %get3A_30 = arith.constant 0 : i32
    %get3A_31 = arith.index_cast %get3A_30 : i32 to index
    %get3A_32 = arith.constant 112 : index
    %get3A_33 = tpu.vector_load %arg5[%get3A_31, %get3A_32] {strides = array<i32>} : memref<201x128xf32, #tpu.memory_space<vmem>>, vector<16xf32>,
    %add3A_34 = arith.constant 0 : i32
    %add3A_35 = arith.addi %mul3A_2, %add3A_34 : i32
    %dma_start3A = arith.constant 0 : i32
    %dma_start3A_36 = arith.constant 0 : i32
    %dma_start3A_37 = arith.constant 0 : i32
    %dma_start3A_38 = tpu.memref_slice %arg6[%dma_start3A, %dma_start3A_36, %dma_start3A_37] : memref<4x200x128xf32, #tpu.memory_space<vmem>> -> memref<1x200x128xf32, #tpu.memory_space<vmem>>
    %dma_start3A_39 = tpu.memref_squeeze %dma_start3A_38 : memref<1x200x128xf32, #tpu.memory_space<vmem>> -> memref<200x128xf32, #tpu.memory_space<vmem>>
    %dma_start3A_40 = arith.constant 0 : i32
    %dma_start3A_41 = arith.constant 0 : i32
    %dma_start3A_42 = tpu.memref_slice %arg2[%add3A_35, %dma_start3A_40, %dma_start3A_41] : memref<4096x200x128xf32, #tpu.memory_space<hbm>> -> memref<1x200x128xf32, #tpu.memory_space<hbm>>
    %dma_start3A_43 = tpu.memref_squeeze %dma_start3A_42 : memref<1x200x128xf32, #tpu.memory_space<hbm>> -> memref<200x128xf32, #tpu.memory_space<hbm>>
    %dma_start3A_44 = arith.constant 0 : i32
    %dma_start3A_45 = arith.constant 0 : i32
    %dma_start3A_46 = tpu.memref_slice %arg6[%dma_start3A, %dma_start3A_44, %dma_start3A_45] : memref<4x200x128xf32, #tpu.memory_space<vmem>> -> memref<1x200x128xf32, #tpu.memory_space<vmem>>
    %dma_start3A_47 = tpu.memref_squeeze %dma_start3A_46 : memref<1x200x128xf32, #tpu.memory_space<vmem>> -> memref<200x128xf32, #tpu.memory_space<vmem>>
    %dma_start3A_48 = arith.constant 0 : i32
    %dma_start3A_49 = arith.constant 0 : i32
    %dma_start3A_50 = tpu.memref_slice %arg2[%add3A_35, %dma_start3A_48, %dma_start3A_49] : memref<4096x200x128xf32, #tpu.memory_space<hbm>> -> memref<1x200x128xf32, #tpu.memory_space<hbm>>
    %dma_start3A_51 = tpu.memref_squeeze %dma_start3A_50 : memref<1x200x128xf32, #tpu.memory_space<hbm>> -> memref<200x128xf32, #tpu.memory_space<hbm>>
    tpu.enqueue_dma source(%dma_start3A_51 : memref<200x128xf32, #tpu.memory_space<hbm>>) target(%dma_start3A_47 : memref<200x128xf32, #tpu.memory_space<vmem>>) target_semaphore(%arg7 : memref<!tpu.dma_semaphore, #tpu.memory_space<semaphore_mem>>)
    %add3A_52 = arith.constant 1 : i32
    %add3A_53 = arith.addi %mul3A_2, %add3A_52 : i32
    %dma_start3A_54 = arith.constant 1 : i32
    %dma_start3A_55 = arith.constant 0 : i32
    %dma_start3A_56 = arith.constant 0 : i32
    %dma_start3A_57 = tpu.memref_slice %arg6[%dma_start3A_54, %dma_start3A_55, %dma_start3A_56] : memref<4x200x128xf32, #tpu.memory_space<vmem>> -> memref<1x200x128xf32, #tpu.memory_space<vmem>>
    %dma_start3A_58 = tpu.memref_squeeze %dma_start3A_57 : memref<1x200x128xf32, #tpu.memory_space<vmem>> -> memref<200x128xf32, #tpu.memory_space<vmem>>
    %dma_start3A_59 = arith.constant 0 : i32
    %dma_start3A_60 = arith.constant 0 : i32
    %dma_start3A_61 = tpu.memref_slice %arg2[%add3A_53, %dma_start3A_59, %dma_start3A_60] : memref<4096x200x128xf32, #tpu.memory_space<hbm>> -> memref<1x200x128xf32, #tpu.memory_space<hbm>>
    %dma_start3A_62 = tpu.memref_squeeze %dma_start3A_61 : memref<1x200x128xf32, #tpu.memory_space<hbm>> -> memref<200x128xf32, #tpu.memory_space<hbm>>
    %dma_start3A_63 = arith.constant 0 : i32
    %dma_start3A_64 = arith.constant 0 : i32
    %dma_start3A_65 = tpu.memref_slice %arg6[%dma_start3A_54, %dma_start3A_63, %dma_start3A_64] : memref<4x200x128xf32, #tpu.memory_space<vmem>> -> memref<1x200x128xf32, #tpu.memory_space<vmem>>
    %dma_start3A_66 = tpu.memref_squeeze %dma_start3A_65 : memref<1x200x128xf32, #tpu.memory_space<vmem>> -> memref<200x128xf32, #tpu.memory_space<vmem>>
    %dma_start3A_67 = arith.constant 0 : i32
    %dma_start3A_68 = arith.constant 0 : i32
    %dma_start3A_69 = tpu.memref_slice %arg2[%add3A_53, %dma_start3A_67, %dma_start3A_68] : memref<4096x200x128xf32, #tpu.memory_space<hbm>> -> memref<1x200x128xf32, #tpu.memory_space<hbm>>
    %dma_start3A_70 = tpu.memref_squeeze %dma_start3A_69 : memref<1x200x128xf32, #tpu.memory_space<hbm>> -> memref<200x128xf32, #tpu.memory_space<hbm>>
    tpu.enqueue_dma source(%dma_start3A_70 : memref<200x128xf32, #tpu.memory_space<hbm>>) target(%dma_start3A_66 : memref<200x128xf32, #tpu.memory_space<vmem>>) target_semaphore(%arg7 : memref<!tpu.dma_semaphore, #tpu.memory_space<semaphore_mem>>)
    %add3A_71 = arith.constant 2 : i32
    %add3A_72 = arith.addi %mul3A_2, %add3A_71 : i32
    %dma_start3A_73 = arith.constant 2 : i32
    %dma_start3A_74 = arith.constant 0 : i32
    %dma_start3A_75 = arith.constant 0 : i32
    %dma_start3A_76 = tpu.memref_slice %arg6[%dma_start3A_73, %dma_start3A_74, %dma_start3A_75] : memref<4x200x128xf32, #tpu.memory_space<vmem>> -> memref<1x200x128xf32, #tpu.memory_space<vmem>>
    %dma_start3A_77 = tpu.memref_squeeze %dma_start3A_76 : memref<1x200x128xf32, #tpu.memory_space<vmem>> -> memref<200x128xf32, #tpu.memory_space<vmem>>
    %dma_start3A_78 = arith.constant 0 : i32
    %dma_start3A_79 = arith.constant 0 : i32
    %dma_start3A_80 = tpu.memref_slice %arg2[%add3A_72, %dma_start3A_78, %dma_start3A_79] : memref<4096x200x128xf32, #tpu.memory_space<hbm>> -> memref<1x200x128xf32, #tpu.memory_space<hbm>>
    %dma_start3A_81 = tpu.memref_squeeze %dma_start3A_80 : memref<1x200x128xf32, #tpu.memory_space<hbm>> -> memref<200x128xf32, #tpu.memory_space<hbm>>
    %dma_start3A_82 = arith.constant 0 : i32
    %dma_start3A_83 = arith.constant 0 : i32
    %dma_start3A_84 = tpu.memref_slice %arg6[%dma_start3A_73, %dma_start3A_82, %dma_start3A_83] : memref<4x200x128xf32, #tpu.memory_space<vmem>> -> memref<1x200x128xf32, #tpu.memory_space<vmem>>
    %dma_start3A_85 = tpu.memref_squeeze %dma_start3A_84 : memref<1x200x128xf32, #tpu.memory_space<vmem>> -> memref<200x128xf32, #tpu.memory_space<vmem>>
    %dma_start3A_86 = arith.constant 0 : i32
    %dma_start3A_87 = arith.constant 0 : i32
    %dma_start3A_88 = tpu.memref_slice %arg2[%add3A_72, %dma_start3A_86, %dma_start3A_87] : memref<4096x200x128xf32, #tpu.memory_space<hbm>> -> memref<1x200x128xf32, #tpu.memory_space<hbm>>
    %dma_start3A_89 = tpu.memref_squeeze %dma_start3A_88 : memref<1x200x128xf32, #tpu.memory_space<hbm>> -> memref<200x128xf32, #tpu.memory_space<hbm>>
    tpu.enqueue_dma source(%dma_start3A_89 : memref<200x128xf32, #tpu.memory_space<hbm>>) target(%dma_start3A_85 : memref<200x128xf32, #tpu.memory_space<vmem>>) target_semaphore(%arg7 : memref<!tpu.dma_semaphore, #tpu.memory_space<semaphore_mem>>)
    %scan3A = arith.constant 0 : i32
    %scan3A_90 = arith.constant 0 : i32
    %scan3A_91 = arith.constant 32 : i32
    %scan3A_92 = arith.addi %scan3A_90, %scan3A_91 : i32
    %scan3A_93 = arith.constant 1 : i32
    scf.for %scan3A_113 = %scan3A_90 to %scan3A_92 step %scan3A_93  : i32 {
      %mul3A_114 = arith.constant 4 : i32
      %mul3A_115 = arith.muli %mul3A_114, %scan3A_113 : i32
      %add3A_116 = arith.constant 0 : i32
      %add3A_117 = arith.addi %mul3A_115, %add3A_116 : i32
      %add3A_118 = arith.addi %mul3A_2, %add3A_117 : i32
      %dma_wait3A_119 = arith.constant 0 : i32
      %dma_wait3A_120 = arith.constant 0 : i32
      %dma_wait3A_121 = arith.constant 0 : i32
      %dma_wait3A_122 = tpu.memref_slice %arg6[%dma_wait3A_119, %dma_wait3A_120, %dma_wait3A_121] : memref<4x200x128xf32, #tpu.memory_space<vmem>> -> memref<1x200x128xf32, #tpu.memory_space<vmem>>
      %dma_wait3A_123 = tpu.memref_squeeze %dma_wait3A_122 : memref<1x200x128xf32, #tpu.memory_space<vmem>> -> memref<200x128xf32, #tpu.memory_space<vmem>>
      %dma_wait3A_124 = arith.constant 0 : i32
      %dma_wait3A_125 = arith.constant 0 : i32
      %dma_wait3A_126 = tpu.memref_slice %arg2[%add3A_118, %dma_wait3A_124, %dma_wait3A_125] : memref<4096x200x128xf32, #tpu.memory_space<hbm>> -> memref<1x200x128xf32, #tpu.memory_space<hbm>>
      %dma_wait3A_127 = tpu.memref_squeeze %dma_wait3A_126 : memref<1x200x128xf32, #tpu.memory_space<hbm>> -> memref<200x128xf32, #tpu.memory_space<hbm>>
      %dma_wait3A_128 = arith.constant 0 : i32
      %dma_wait3A_129 = arith.constant 0 : i32
      %dma_wait3A_130 = tpu.memref_slice %arg6[%dma_wait3A_119, %dma_wait3A_128, %dma_wait3A_129] : memref<4x200x128xf32, #tpu.memory_space<vmem>> -> memref<1x200x128xf32, #tpu.memory_space<vmem>>
      %dma_wait3A_131 = tpu.memref_squeeze %dma_wait3A_130 : memref<1x200x128xf32, #tpu.memory_space<vmem>> -> memref<200x128xf32, #tpu.memory_space<vmem>>
      %dma_wait3A_132 = arith.constant 0 : i32
      %dma_wait3A_133 = arith.constant 0 : i32
      %dma_wait3A_134 = tpu.memref_slice %arg2[%add3A_118, %dma_wait3A_132, %dma_wait3A_133] : memref<4096x200x128xf32, #tpu.memory_space<hbm>> -> memref<1x200x128xf32, #tpu.memory_space<hbm>>
      %dma_wait3A_135 = tpu.memref_squeeze %dma_wait3A_134 : memref<1x200x128xf32, #tpu.memory_space<hbm>> -> memref<200x128xf32, #tpu.memory_space<hbm>>
      tpu.wait_dma2 semaphore(%arg7 : memref<!tpu.dma_semaphore, #tpu.memory_space<semaphore_mem>>) src(%dma_wait3A_135 : memref<200x128xf32, #tpu.memory_space<hbm>>) dst(%dma_wait3A_131 : memref<200x128xf32, #tpu.memory_space<vmem>>)
      %parallel_loop3A = arith.constant 0 : i32
      %parallel_loop3A_136 = arith.constant 200 : i32
      %parallel_loop3A_137 = arith.constant 1 : i32
      %parallel_loop3A_138 = arith.constant 0 : i32
      scf.for %parallel_loop3A_385 = %parallel_loop3A to %parallel_loop3A_136 step %parallel_loop3A_137  : i32 {
        %parallel_loop3A_386 = arith.constant 0 : i32
        %parallel_loop3A_387 = arith.constant 0 : i32
        %parallel_loop3A_388 = tpu.memref_slice %arg6[%parallel_loop3A_138, %parallel_loop3A_386, %parallel_loop3A_387] : memref<4x200x128xf32, #tpu.memory_space<vmem>> -> memref<1x200x128xf32, #tpu.memory_space<vmem>>
        %parallel_loop3A_389 = tpu.memref_squeeze %parallel_loop3A_388 : memref<1x200x128xf32, #tpu.memory_space<vmem>> -> memref<200x128xf32, #tpu.memory_space<vmem>>
        %parallel_loop3A_390 = arith.index_cast %parallel_loop3A_385 : i32 to index
        %parallel_loop3A_391 = arith.constant 0 : index
        %parallel_loop3A_392 = tpu.vector_load %parallel_loop3A_389[%parallel_loop3A_390, %parallel_loop3A_391] {strides = array<i32>} : memref<200x128xf32, #tpu.memory_space<vmem>>, vector<16xf32>,
        %parallel_loop3A_393 = arith.constant 0 : i32
        %parallel_loop3A_394 = arith.constant 0 : i32
        %parallel_loop3A_395 = tpu.memref_slice %arg6[%parallel_loop3A_138, %parallel_loop3A_393, %parallel_loop3A_394] : memref<4x200x128xf32, #tpu.memory_space<vmem>> -> memref<1x200x128xf32, #tpu.memory_space<vmem>>
        %parallel_loop3A_396 = tpu.memref_squeeze %parallel_loop3A_395 : memref<1x200x128xf32, #tpu.memory_space<vmem>> -> memref<200x128xf32, #tpu.memory_space<vmem>>
        %parallel_loop3A_397 = arith.index_cast %parallel_loop3A_385 : i32 to index
        %parallel_loop3A_398 = arith.constant 16 : index
        %parallel_loop3A_399 = tpu.vector_load %parallel_loop3A_396[%parallel_loop3A_397, %parallel_loop3A_398] {strides = array<i32>} : memref<200x128xf32, #tpu.memory_space<vmem>>, vector<16xf32>,
        %parallel_loop3A_400 = arith.constant 0 : i32
        %parallel_loop3A_401 = arith.constant 0 : i32
        %parallel_loop3A_402 = tpu.memref_slice %arg6[%parallel_loop3A_138, %parallel_loop3A_400, %parallel_loop3A_401] : memref<4x200x128xf32, #tpu.memory_space<vmem>> -> memref<1x200x128xf32, #tpu.memory_space<vmem>>
        %parallel_loop3A_403 = tpu.memref_squeeze %parallel_loop3A_402 : memref<1x200x128xf32, #tpu.memory_space<vmem>> -> memref<200x128xf32, #tpu.memory_space<vmem>>
        %parallel_loop3A_404 = arith.index_cast %parallel_loop3A_385 : i32 to index
        %parallel_loop3A_405 = arith.constant 32 : index
        %parallel_loop3A_406 = tpu.vector_load %parallel_loop3A_403[%parallel_loop3A_404, %parallel_loop3A_405] {strides = array<i32>} : memref<200x128xf32, #tpu.memory_space<vmem>>, vector<16xf32>,
        %parallel_loop3A_407 = arith.constant 0 : i32
        %parallel_loop3A_408 = arith.constant 0 : i32
        %parallel_loop3A_409 = tpu.memref_slice %arg6[%parallel_loop3A_138, %parallel_loop3A_407, %parallel_loop3A_408] : memref<4x200x128xf32, #tpu.memory_space<vmem>> -> memref<1x200x128xf32, #tpu.memory_space<vmem>>
        %parallel_loop3A_410 = tpu.memref_squeeze %parallel_loop3A_409 : memref<1x200x128xf32, #tpu.memory_space<vmem>> -> memref<200x128xf32, #tpu.memory_space<vmem>>
        %parallel_loop3A_411 = arith.index_cast %parallel_loop3A_385 : i32 to index
        %parallel_loop3A_412 = arith.constant 48 : index
        %parallel_loop3A_413 = tpu.vector_load %parallel_loop3A_410[%parallel_loop3A_411, %parallel_loop3A_412] {strides = array<i32>} : memref<200x128xf32, #tpu.memory_space<vmem>>, vector<16xf32>,
        %parallel_loop3A_414 = arith.constant 0 : i32
        %parallel_loop3A_415 = arith.constant 0 : i32
        %parallel_loop3A_416 = tpu.memref_slice %arg6[%parallel_loop3A_138, %parallel_loop3A_414, %parallel_loop3A_415] : memref<4x200x128xf32, #tpu.memory_space<vmem>> -> memref<1x200x128xf32, #tpu.memory_space<vmem>>
        %parallel_loop3A_417 = tpu.memref_squeeze %parallel_loop3A_416 : memref<1x200x128xf32, #tpu.memory_space<vmem>> -> memref<200x128xf32, #tpu.memory_space<vmem>>
        %parallel_loop3A_418 = arith.index_cast %parallel_loop3A_385 : i32 to index
        %parallel_loop3A_419 = arith.constant 64 : index
        %parallel_loop3A_420 = tpu.vector_load %parallel_loop3A_417[%parallel_loop3A_418, %parallel_loop3A_419] {strides = array<i32>} : memref<200x128xf32, #tpu.memory_space<vmem>>, vector<16xf32>,
        %parallel_loop3A_421 = arith.constant 0 : i32
        %parallel_loop3A_422 = arith.constant 0 : i32
        %parallel_loop3A_423 = tpu.memref_slice %arg6[%parallel_loop3A_138, %parallel_loop3A_421, %parallel_loop3A_422] : memref<4x200x128xf32, #tpu.memory_space<vmem>> -> memref<1x200x128xf32, #tpu.memory_space<vmem>>
        %parallel_loop3A_424 = tpu.memref_squeeze %parallel_loop3A_423 : memref<1x200x128xf32, #tpu.memory_space<vmem>> -> memref<200x128xf32, #tpu.memory_space<vmem>>
        %parallel_loop3A_425 = arith.index_cast %parallel_loop3A_385 : i32 to index
        %parallel_loop3A_426 = arith.constant 80 : index
        %parallel_loop3A_427 = tpu.vector_load %parallel_loop3A_424[%parallel_loop3A_425, %parallel_loop3A_426] {strides = array<i32>} : memref<200x128xf32, #tpu.memory_space<vmem>>, vector<16xf32>,
        %parallel_loop3A_428 = arith.constant 0 : i32
        %parallel_loop3A_429 = arith.constant 0 : i32
        %parallel_loop3A_430 = tpu.memref_slice %arg6[%parallel_loop3A_138, %parallel_loop3A_428, %parallel_loop3A_429] : memref<4x200x128xf32, #tpu.memory_space<vmem>> -> memref<1x200x128xf32, #tpu.memory_space<vmem>>
        %parallel_loop3A_431 = tpu.memref_squeeze %parallel_loop3A_430 : memref<1x200x128xf32, #tpu.memory_space<vmem>> -> memref<200x128xf32, #tpu.memory_space<vmem>>
        %parallel_loop3A_432 = arith.index_cast %parallel_loop3A_385 : i32 to index
        %parallel_loop3A_433 = arith.constant 96 : index
        %parallel_loop3A_434 = tpu.vector_load %parallel_loop3A_431[%parallel_loop3A_432, %parallel_loop3A_433] {strides = array<i32>} : memref<200x128xf32, #tpu.memory_space<vmem>>, vector<16xf32>,
        %parallel_loop3A_435 = arith.constant 0 : i32
        %parallel_loop3A_436 = arith.constant 0 : i32
        %parallel_loop3A_437 = tpu.memref_slice %arg6[%parallel_loop3A_138, %parallel_loop3A_435, %parallel_loop3A_436] : memref<4x200x128xf32, #tpu.memory_space<vmem>> -> memref<1x200x128xf32, #tpu.memory_space<vmem>>
        %parallel_loop3A_438 = tpu.memref_squeeze %parallel_loop3A_437 : memref<1x200x128xf32, #tpu.memory_space<vmem>> -> memref<200x128xf32, #tpu.memory_space<vmem>>
        %parallel_loop3A_439 = arith.index_cast %parallel_loop3A_385 : i32 to index
        %parallel_loop3A_440 = arith.constant 112 : index
        %parallel_loop3A_441 = tpu.vector_load %parallel_loop3A_438[%parallel_loop3A_439, %parallel_loop3A_440] {strides = array<i32>} : memref<200x128xf32, #tpu.memory_space<vmem>>, vector<16xf32>,
        %parallel_loop3A_442 = arith.constant 0.000000e+00 : f32
        %parallel_loop3A_443 = vector.broadcast %parallel_loop3A_442 : f32 to vector<16xf32>
        %parallel_loop3A_444 = arith.cmpf one, %parallel_loop3A_392, %parallel_loop3A_443 : vector<16xf32>
        %parallel_loop3A_445 = arith.constant 0.000000e+00 : f32
        %parallel_loop3A_446 = vector.broadcast %parallel_loop3A_445 : f32 to vector<16xf32>
        %parallel_loop3A_447 = arith.cmpf one, %parallel_loop3A_399, %parallel_loop3A_446 : vector<16xf32>
        %parallel_loop3A_448 = arith.ori %parallel_loop3A_444, %parallel_loop3A_447 : vector<16xi1>
        %parallel_loop3A_449 = arith.constant 0.000000e+00 : f32
        %parallel_loop3A_450 = vector.broadcast %parallel_loop3A_449 : f32 to vector<16xf32>
        %parallel_loop3A_451 = arith.cmpf one, %parallel_loop3A_406, %parallel_loop3A_450 : vector<16xf32>
        %parallel_loop3A_452 = arith.ori %parallel_loop3A_448, %parallel_loop3A_451 : vector<16xi1>
        %parallel_loop3A_453 = arith.constant 0.000000e+00 : f32
        %parallel_loop3A_454 = vector.broadcast %parallel_loop3A_453 : f32 to vector<16xf32>
        %parallel_loop3A_455 = arith.cmpf one, %parallel_loop3A_413, %parallel_loop3A_454 : vector<16xf32>
        %parallel_loop3A_456 = arith.ori %parallel_loop3A_452, %parallel_loop3A_455 : vector<16xi1>
        %parallel_loop3A_457 = arith.constant 0.000000e+00 : f32
        %parallel_loop3A_458 = vector.broadcast %parallel_loop3A_457 : f32 to vector<16xf32>
        %parallel_loop3A_459 = arith.cmpf one, %parallel_loop3A_420, %parallel_loop3A_458 : vector<16xf32>
        %parallel_loop3A_460 = arith.ori %parallel_loop3A_456, %parallel_loop3A_459 : vector<16xi1>
        %parallel_loop3A_461 = arith.constant 0.000000e+00 : f32
        %parallel_loop3A_462 = vector.broadcast %parallel_loop3A_461 : f32 to vector<16xf32>
        %parallel_loop3A_463 = arith.cmpf one, %parallel_loop3A_427, %parallel_loop3A_462 : vector<16xf32>
        %parallel_loop3A_464 = arith.ori %parallel_loop3A_460, %parallel_loop3A_463 : vector<16xi1>
        %parallel_loop3A_465 = arith.constant 0.000000e+00 : f32
        %parallel_loop3A_466 = vector.broadcast %parallel_loop3A_465 : f32 to vector<16xf32>
        %parallel_loop3A_467 = arith.cmpf one, %parallel_loop3A_434, %parallel_loop3A_466 : vector<16xf32>
        %parallel_loop3A_468 = arith.ori %parallel_loop3A_464, %parallel_loop3A_467 : vector<16xi1>
        %parallel_loop3A_469 = arith.constant 0.000000e+00 : f32
        %parallel_loop3A_470 = vector.broadcast %parallel_loop3A_469 : f32 to vector<16xf32>
        %parallel_loop3A_471 = arith.cmpf one, %parallel_loop3A_441, %parallel_loop3A_470 : vector<16xf32>
        %parallel_loop3A_472 = arith.ori %parallel_loop3A_468, %parallel_loop3A_471 : vector<16xi1>
        %parallel_loop3A_473 = tpu.all_reduce %parallel_loop3A_472 {dim = 0 : i64, kind = #tpu.reduction_kind<sum>} : vector<16xi1> -> vector<16xi32>
        %parallel_loop3A_474 = arith.constant 0 : i32
        %parallel_loop3A_475 = vector.broadcast %parallel_loop3A_474 : i32 to vector<16xi32>
        %parallel_loop3A_476 = arith.cmpi sgt, %parallel_loop3A_473, %parallel_loop3A_475 : vector<16xi32>
        %parallel_loop3A_477 = arith.constant 1 : i32
        %parallel_loop3A_478 = arith.addi %parallel_loop3A_385, %parallel_loop3A_477 : i32
        %parallel_loop3A_479 = arith.index_cast %parallel_loop3A_478 : i32 to index
        %parallel_loop3A_480 = arith.constant 0 : index
        %parallel_loop3A_481 = tpu.vector_load %arg5[%parallel_loop3A_479, %parallel_loop3A_480] {strides = array<i32>} : memref<201x128xf32, #tpu.memory_space<vmem>>, vector<16xf32>,
        %parallel_loop3A_482 = arith.select %parallel_loop3A_476, %parallel_loop3A_481, %get3A_5 : vector<16xi1>, vector<16xf32>
        %parallel_loop3A_483 = arith.addf %parallel_loop3A_392, %parallel_loop3A_482 : vector<16xf32>
        %parallel_loop3A_484 = arith.constant 0 : i32
        %parallel_loop3A_485 = arith.constant 0 : i32
        %parallel_loop3A_486 = tpu.memref_slice %arg6[%parallel_loop3A_138, %parallel_loop3A_484, %parallel_loop3A_485] : memref<4x200x128xf32, #tpu.memory_space<vmem>> -> memref<1x200x128xf32, #tpu.memory_space<vmem>>
        %parallel_loop3A_487 = tpu.memref_squeeze %parallel_loop3A_486 : memref<1x200x128xf32, #tpu.memory_space<vmem>> -> memref<200x128xf32, #tpu.memory_space<vmem>>
        %parallel_loop3A_488 = arith.index_cast %parallel_loop3A_385 : i32 to index
        %parallel_loop3A_489 = arith.constant 0 : index
        %parallel_loop3A_490 = tpu.vector_load %parallel_loop3A_487[%parallel_loop3A_488, %parallel_loop3A_489] {strides = array<i32>} : memref<200x128xf32, #tpu.memory_space<vmem>>, vector<16xf32>,
        tpu.vector_store %parallel_loop3A_487[%parallel_loop3A_488, %parallel_loop3A_489], %parallel_loop3A_483 {strides = array<i32>} : memref<200x128xf32, #tpu.memory_space<vmem>>, vector<16xf32>,
        %parallel_loop3A_491 = arith.constant 1 : i32
        %parallel_loop3A_492 = arith.addi %parallel_loop3A_385, %parallel_loop3A_491 : i32
        %parallel_loop3A_493 = arith.index_cast %parallel_loop3A_492 : i32 to index
        %parallel_loop3A_494 = arith.constant 16 : index
        %parallel_loop3A_495 = tpu.vector_load %arg5[%parallel_loop3A_493, %parallel_loop3A_494] {strides = array<i32>} : memref<201x128xf32, #tpu.memory_space<vmem>>, vector<16xf32>,
        %parallel_loop3A_496 = arith.select %parallel_loop3A_476, %parallel_loop3A_495, %get3A_9 : vector<16xi1>, vector<16xf32>
        %parallel_loop3A_497 = arith.addf %parallel_loop3A_399, %parallel_loop3A_496 : vector<16xf32>
        %parallel_loop3A_498 = arith.constant 0 : i32
        %parallel_loop3A_499 = arith.constant 0 : i32
        %parallel_loop3A_500 = tpu.memref_slice %arg6[%parallel_loop3A_138, %parallel_loop3A_498, %parallel_loop3A_499] : memref<4x200x128xf32, #tpu.memory_space<vmem>> -> memref<1x200x128xf32, #tpu.memory_space<vmem>>
        %parallel_loop3A_501 = tpu.memref_squeeze %parallel_loop3A_500 : memref<1x200x128xf32, #tpu.memory_space<vmem>> -> memref<200x128xf32, #tpu.memory_space<vmem>>
        %parallel_loop3A_502 = arith.index_cast %parallel_loop3A_385 : i32 to index
        %parallel_loop3A_503 = arith.constant 16 : index
        %parallel_loop3A_504 = tpu.vector_load %parallel_loop3A_501[%parallel_loop3A_502, %parallel_loop3A_503] {strides = array<i32>} : memref<200x128xf32, #tpu.memory_space<vmem>>, vector<16xf32>,
        tpu.vector_store %parallel_loop3A_501[%parallel_loop3A_502, %parallel_loop3A_503], %parallel_loop3A_497 {strides = array<i32>} : memref<200x128xf32, #tpu.memory_space<vmem>>, vector<16xf32>,
        %parallel_loop3A_505 = arith.constant 1 : i32
        %parallel_loop3A_506 = arith.addi %parallel_loop3A_385, %parallel_loop3A_505 : i32
        %parallel_loop3A_507 = arith.index_cast %parallel_loop3A_506 : i32 to index
        %parallel_loop3A_508 = arith.constant 32 : index
        %parallel_loop3A_509 = tpu.vector_load %arg5[%parallel_loop3A_507, %parallel_loop3A_508] {strides = array<i32>} : memref<201x128xf32, #tpu.memory_space<vmem>>, vector<16xf32>,
        %parallel_loop3A_510 = arith.select %parallel_loop3A_476, %parallel_loop3A_509, %get3A_13 : vector<16xi1>, vector<16xf32>
        %parallel_loop3A_511 = arith.addf %parallel_loop3A_406, %parallel_loop3A_510 : vector<16xf32>
        %parallel_loop3A_512 = arith.constant 0 : i32
        %parallel_loop3A_513 = arith.constant 0 : i32
        %parallel_loop3A_514 = tpu.memref_slice %arg6[%parallel_loop3A_138, %parallel_loop3A_512, %parallel_loop3A_513] : memref<4x200x128xf32, #tpu.memory_space<vmem>> -> memref<1x200x128xf32, #tpu.memory_space<vmem>>
        %parallel_loop3A_515 = tpu.memref_squeeze %parallel_loop3A_514 : memref<1x200x128xf32, #tpu.memory_space<vmem>> -> memref<200x128xf32, #tpu.memory_space<vmem>>
        %parallel_loop3A_516 = arith.index_cast %parallel_loop3A_385 : i32 to index
        %parallel_loop3A_517 = arith.constant 32 : index
        %parallel_loop3A_518 = tpu.vector_load %parallel_loop3A_515[%parallel_loop3A_516, %parallel_loop3A_517] {strides = array<i32>} : memref<200x128xf32, #tpu.memory_space<vmem>>, vector<16xf32>,
        tpu.vector_store %parallel_loop3A_515[%parallel_loop3A_516, %parallel_loop3A_517], %parallel_loop3A_511 {strides = array<i32>} : memref<200x128xf32, #tpu.memory_space<vmem>>, vector<16xf32>,
        %parallel_loop3A_519 = arith.constant 1 : i32
        %parallel_loop3A_520 = arith.addi %parallel_loop3A_385, %parallel_loop3A_519 : i32
        %parallel_loop3A_521 = arith.index_cast %parallel_loop3A_520 : i32 to index
        %parallel_loop3A_522 = arith.constant 48 : index
        %parallel_loop3A_523 = tpu.vector_load %arg5[%parallel_loop3A_521, %parallel_loop3A_522] {strides = array<i32>} : memref<201x128xf32, #tpu.memory_space<vmem>>, vector<16xf32>,
        %parallel_loop3A_524 = arith.select %parallel_loop3A_476, %parallel_loop3A_523, %get3A_17 : vector<16xi1>, vector<16xf32>
        %parallel_loop3A_525 = arith.addf %parallel_loop3A_413, %parallel_loop3A_524 : vector<16xf32>
        %parallel_loop3A_526 = arith.constant 0 : i32
        %parallel_loop3A_527 = arith.constant 0 : i32
        %parallel_loop3A_528 = tpu.memref_slice %arg6[%parallel_loop3A_138, %parallel_loop3A_526, %parallel_loop3A_527] : memref<4x200x128xf32, #tpu.memory_space<vmem>> -> memref<1x200x128xf32, #tpu.memory_space<vmem>>
        %parallel_loop3A_529 = tpu.memref_squeeze %parallel_loop3A_528 : memref<1x200x128xf32, #tpu.memory_space<vmem>> -> memref<200x128xf32, #tpu.memory_space<vmem>>
        %parallel_loop3A_530 = arith.index_cast %parallel_loop3A_385 : i32 to index
        %parallel_loop3A_531 = arith.constant 48 : index
        %parallel_loop3A_532 = tpu.vector_load %parallel_loop3A_529[%parallel_loop3A_530, %parallel_loop3A_531] {strides = array<i32>} : memref<200x128xf32, #tpu.memory_space<vmem>>, vector<16xf32>,
        tpu.vector_store %parallel_loop3A_529[%parallel_loop3A_530, %parallel_loop3A_531], %parallel_loop3A_525 {strides = array<i32>} : memref<200x128xf32, #tpu.memory_space<vmem>>, vector<16xf32>,
        %parallel_loop3A_533 = arith.constant 1 : i32
        %parallel_loop3A_534 = arith.addi %parallel_loop3A_385, %parallel_loop3A_533 : i32
        %parallel_loop3A_535 = arith.index_cast %parallel_loop3A_534 : i32 to index
        %parallel_loop3A_536 = arith.constant 64 : index
        %parallel_loop3A_537 = tpu.vector_load %arg5[%parallel_loop3A_535, %parallel_loop3A_536] {strides = array<i32>} : memref<201x128xf32, #tpu.memory_space<vmem>>, vector<16xf32>,
        %parallel_loop3A_538 = arith.select %parallel_loop3A_476, %parallel_loop3A_537, %get3A_21 : vector<16xi1>, vector<16xf32>
        %parallel_loop3A_539 = arith.addf %parallel_loop3A_420, %parallel_loop3A_538 : vector<16xf32>
        %parallel_loop3A_540 = arith.constant 0 : i32
        %parallel_loop3A_541 = arith.constant 0 : i32
        %parallel_loop3A_542 = tpu.memref_slice %arg6[%parallel_loop3A_138, %parallel_loop3A_540, %parallel_loop3A_541] : memref<4x200x128xf32, #tpu.memory_space<vmem>> -> memref<1x200x128xf32, #tpu.memory_space<vmem>>
        %parallel_loop3A_543 = tpu.memref_squeeze %parallel_loop3A_542 : memref<1x200x128xf32, #tpu.memory_space<vmem>> -> memref<200x128xf32, #tpu.memory_space<vmem>>
        %parallel_loop3A_544 = arith.index_cast %parallel_loop3A_385 : i32 to index
        %parallel_loop3A_545 = arith.constant 64 : index
        %parallel_loop3A_546 = tpu.vector_load %parallel_loop3A_543[%parallel_loop3A_544, %parallel_loop3A_545] {strides = array<i32>} : memref<200x128xf32, #tpu.memory_space<vmem>>, vector<16xf32>,
        tpu.vector_store %parallel_loop3A_543[%parallel_loop3A_544, %parallel_loop3A_545], %parallel_loop3A_539 {strides = array<i32>} : memref<200x128xf32, #tpu.memory_space<vmem>>, vector<16xf32>,
        %parallel_loop3A_547 = arith.constant 1 : i32
        %parallel_loop3A_548 = arith.addi %parallel_loop3A_385, %parallel_loop3A_547 : i32
        %parallel_loop3A_549 = arith.index_cast %parallel_loop3A_548 : i32 to index
        %parallel_loop3A_550 = arith.constant 80 : index
        %parallel_loop3A_551 = tpu.vector_load %arg5[%parallel_loop3A_549, %parallel_loop3A_550] {strides = array<i32>} : memref<201x128xf32, #tpu.memory_space<vmem>>, vector<16xf32>,
        %parallel_loop3A_552 = arith.select %parallel_loop3A_476, %parallel_loop3A_551, %get3A_25 : vector<16xi1>, vector<16xf32>
        %parallel_loop3A_553 = arith.addf %parallel_loop3A_427, %parallel_loop3A_552 : vector<16xf32>
        %parallel_loop3A_554 = arith.constant 0 : i32
        %parallel_loop3A_555 = arith.constant 0 : i32
        %parallel_loop3A_556 = tpu.memref_slice %arg6[%parallel_loop3A_138, %parallel_loop3A_554, %parallel_loop3A_555] : memref<4x200x128xf32, #tpu.memory_space<vmem>> -> memref<1x200x128xf32, #tpu.memory_space<vmem>>
        %parallel_loop3A_557 = tpu.memref_squeeze %parallel_loop3A_556 : memref<1x200x128xf32, #tpu.memory_space<vmem>> -> memref<200x128xf32, #tpu.memory_space<vmem>>
        %parallel_loop3A_558 = arith.index_cast %parallel_loop3A_385 : i32 to index
        %parallel_loop3A_559 = arith.constant 80 : index
        %parallel_loop3A_560 = tpu.vector_load %parallel_loop3A_557[%parallel_loop3A_558, %parallel_loop3A_559] {strides = array<i32>} : memref<200x128xf32, #tpu.memory_space<vmem>>, vector<16xf32>,
        tpu.vector_store %parallel_loop3A_557[%parallel_loop3A_558, %parallel_loop3A_559], %parallel_loop3A_553 {strides = array<i32>} : memref<200x128xf32, #tpu.memory_space<vmem>>, vector<16xf32>,
        %parallel_loop3A_561 = arith.constant 1 : i32
        %parallel_loop3A_562 = arith.addi %parallel_loop3A_385, %parallel_loop3A_561 : i32
        %parallel_loop3A_563 = arith.index_cast %parallel_loop3A_562 : i32 to index
        %parallel_loop3A_564 = arith.constant 96 : index
        %parallel_loop3A_565 = tpu.vector_load %arg5[%parallel_loop3A_563, %parallel_loop3A_564] {strides = array<i32>} : memref<201x128xf32, #tpu.memory_space<vmem>>, vector<16xf32>,
        %parallel_loop3A_566 = arith.select %parallel_loop3A_476, %parallel_loop3A_565, %get3A_29 : vector<16xi1>, vector<16xf32>
        %parallel_loop3A_567 = arith.addf %parallel_loop3A_434, %parallel_loop3A_566 : vector<16xf32>
        %parallel_loop3A_568 = arith.constant 0 : i32
        %parallel_loop3A_569 = arith.constant 0 : i32
        %parallel_loop3A_570 = tpu.memref_slice %arg6[%parallel_loop3A_138, %parallel_loop3A_568, %parallel_loop3A_569] : memref<4x200x128xf32, #tpu.memory_space<vmem>> -> memref<1x200x128xf32, #tpu.memory_space<vmem>>
        %parallel_loop3A_571 = tpu.memref_squeeze %parallel_loop3A_570 : memref<1x200x128xf32, #tpu.memory_space<vmem>> -> memref<200x128xf32, #tpu.memory_space<vmem>>
        %parallel_loop3A_572 = arith.index_cast %parallel_loop3A_385 : i32 to index
        %parallel_loop3A_573 = arith.constant 96 : index
        %parallel_loop3A_574 = tpu.vector_load %parallel_loop3A_571[%parallel_loop3A_572, %parallel_loop3A_573] {strides = array<i32>} : memref<200x128xf32, #tpu.memory_space<vmem>>, vector<16xf32>,
        tpu.vector_store %parallel_loop3A_571[%parallel_loop3A_572, %parallel_loop3A_573], %parallel_loop3A_567 {strides = array<i32>} : memref<200x128xf32, #tpu.memory_space<vmem>>, vector<16xf32>,
        %parallel_loop3A_575 = arith.constant 1 : i32
        %parallel_loop3A_576 = arith.addi %parallel_loop3A_385, %parallel_loop3A_575 : i32
        %parallel_loop3A_577 = arith.index_cast %parallel_loop3A_576 : i32 to index
        %parallel_loop3A_578 = arith.constant 112 : index
        %parallel_loop3A_579 = tpu.vector_load %arg5[%parallel_loop3A_577, %parallel_loop3A_578] {strides = array<i32>} : memref<201x128xf32, #tpu.memory_space<vmem>>, vector<16xf32>,
        %parallel_loop3A_580 = arith.select %parallel_loop3A_476, %parallel_loop3A_579, %get3A_33 : vector<16xi1>, vector<16xf32>
        %parallel_loop3A_581 = arith.addf %parallel_loop3A_441, %parallel_loop3A_580 : vector<16xf32>
        %parallel_loop3A_582 = arith.constant 0 : i32
        %parallel_loop3A_583 = arith.constant 0 : i32
        %parallel_loop3A_584 = tpu.memref_slice %arg6[%parallel_loop3A_138, %parallel_loop3A_582, %parallel_loop3A_583] : memref<4x200x128xf32, #tpu.memory_space<vmem>> -> memref<1x200x128xf32, #tpu.memory_space<vmem>>
        %parallel_loop3A_585 = tpu.memref_squeeze %parallel_loop3A_584 : memref<1x200x128xf32, #tpu.memory_space<vmem>> -> memref<200x128xf32, #tpu.memory_space<vmem>>
        %parallel_loop3A_586 = arith.index_cast %parallel_loop3A_385 : i32 to index
        %parallel_loop3A_587 = arith.constant 112 : index
        %parallel_loop3A_588 = tpu.vector_load %parallel_loop3A_585[%parallel_loop3A_586, %parallel_loop3A_587] {strides = array<i32>} : memref<200x128xf32, #tpu.memory_space<vmem>>, vector<16xf32>,
        tpu.vector_store %parallel_loop3A_585[%parallel_loop3A_586, %parallel_loop3A_587], %parallel_loop3A_581 {strides = array<i32>} : memref<200x128xf32, #tpu.memory_space<vmem>>, vector<16xf32>,
      } {sc.loop_unroll_factor = 2 : i64, sc.parallel_access}
      %add3A_139 = arith.addi %mul3A_2, %add3A_117 : i32
      %dma_start3A_140 = arith.constant 0 : i32
      %dma_start3A_141 = arith.constant 0 : i32
      %dma_start3A_142 = arith.constant 0 : i32
      %dma_start3A_143 = tpu.memref_slice %arg6[%dma_start3A_140, %dma_start3A_141, %dma_start3A_142] : memref<4x200x128xf32, #tpu.memory_space<vmem>> -> memref<1x200x128xf32, #tpu.memory_space<vmem>>
      %dma_start3A_144 = tpu.memref_squeeze %dma_start3A_143 : memref<1x200x128xf32, #tpu.memory_space<vmem>> -> memref<200x128xf32, #tpu.memory_space<vmem>>
      %dma_start3A_145 = arith.constant 0 : i32
      %dma_start3A_146 = arith.constant 0 : i32
      %dma_start3A_147 = tpu.memref_slice %arg4[%add3A_139, %dma_start3A_145, %dma_start3A_146] : memref<4096x200x128xf32, #tpu.memory_space<hbm>> -> memref<1x200x128xf32, #tpu.memory_space<hbm>>
      %dma_start3A_148 = tpu.memref_squeeze %dma_start3A_147 : memref<1x200x128xf32, #tpu.memory_space<hbm>> -> memref<200x128xf32, #tpu.memory_space<hbm>>
      %dma_start3A_149 = arith.constant 0 : i32
      %dma_start3A_150 = arith.constant 0 : i32
      %dma_start3A_151 = tpu.memref_slice %arg4[%add3A_139, %dma_start3A_149, %dma_start3A_150] : memref<4096x200x128xf32, #tpu.memory_space<hbm>> -> memref<1x200x128xf32, #tpu.memory_space<hbm>>
      %dma_start3A_152 = tpu.memref_squeeze %dma_start3A_151 : memref<1x200x128xf32, #tpu.memory_space<hbm>> -> memref<200x128xf32, #tpu.memory_space<hbm>>
      %dma_start3A_153 = arith.constant 0 : i32
      %dma_start3A_154 = arith.constant 0 : i32
      %dma_start3A_155 = tpu.memref_slice %arg6[%dma_start3A_140, %dma_start3A_153, %dma_start3A_154] : memref<4x200x128xf32, #tpu.memory_space<vmem>> -> memref<1x200x128xf32, #tpu.memory_space<vmem>>
      %dma_start3A_156 = tpu.memref_squeeze %dma_start3A_155 : memref<1x200x128xf32, #tpu.memory_space<vmem>> -> memref<200x128xf32, #tpu.memory_space<vmem>>
      tpu.enqueue_dma source(%dma_start3A_156 : memref<200x128xf32, #tpu.memory_space<vmem>>) target(%dma_start3A_152 : memref<200x128xf32, #tpu.memory_space<hbm>>) target_semaphore(%arg8 : memref<!tpu.dma_semaphore, #tpu.memory_space<semaphore_mem>>)
      %gt3A = arith.constant 0 : i32
      %gt3A_157 = arith.cmpi sgt, %scan3A_113, %gt3A : i32
      %convert_element_type3A = arith.extui %gt3A_157 : i1 to i32
      %cond3A = arith.constant 0 : i32
      %cond3A_158 = arith.cmpi ne, %convert_element_type3A, %cond3A : i32
      scf.if %cond3A_158 {
        %sub3A_385 = arith.constant 1 : i32
        %sub3A_386 = arith.subi %add3A_117, %sub3A_385 : i32
        %add3A_387 = arith.addi %mul3A_2, %sub3A_386 : i32
        %dma_wait3A_388 = arith.constant 3 : i32
        %dma_wait3A_389 = arith.constant 0 : i32
        %dma_wait3A_390 = arith.constant 0 : i32
        %dma_wait3A_391 = tpu.memref_slice %arg6[%dma_wait3A_388, %dma_wait3A_389, %dma_wait3A_390] : memref<4x200x128xf32, #tpu.memory_space<vmem>> -> memref<1x200x128xf32, #tpu.memory_space<vmem>>
        %dma_wait3A_392 = tpu.memref_squeeze %dma_wait3A_391 : memref<1x200x128xf32, #tpu.memory_space<vmem>> -> memref<200x128xf32, #tpu.memory_space<vmem>>
        %dma_wait3A_393 = arith.constant 0 : i32
        %dma_wait3A_394 = arith.constant 0 : i32
        %dma_wait3A_395 = tpu.memref_slice %arg4[%add3A_387, %dma_wait3A_393, %dma_wait3A_394] : memref<4096x200x128xf32, #tpu.memory_space<hbm>> -> memref<1x200x128xf32, #tpu.memory_space<hbm>>
        %dma_wait3A_396 = tpu.memref_squeeze %dma_wait3A_395 : memref<1x200x128xf32, #tpu.memory_space<hbm>> -> memref<200x128xf32, #tpu.memory_space<hbm>>
        %dma_wait3A_397 = arith.constant 0 : i32
        %dma_wait3A_398 = arith.constant 0 : i32
        %dma_wait3A_399 = tpu.memref_slice %arg4[%add3A_387, %dma_wait3A_397, %dma_wait3A_398] : memref<4096x200x128xf32, #tpu.memory_space<hbm>> -> memref<1x200x128xf32, #tpu.memory_space<hbm>>
        %dma_wait3A_400 = tpu.memref_squeeze %dma_wait3A_399 : memref<1x200x128xf32, #tpu.memory_space<hbm>> -> memref<200x128xf32, #tpu.memory_space<hbm>>
        %dma_wait3A_401 = arith.constant 0 : i32
        %dma_wait3A_402 = arith.constant 0 : i32
        %dma_wait3A_403 = tpu.memref_slice %arg6[%dma_wait3A_388, %dma_wait3A_401, %dma_wait3A_402] : memref<4x200x128xf32, #tpu.memory_space<vmem>> -> memref<1x200x128xf32, #tpu.memory_space<vmem>>
        %dma_wait3A_404 = tpu.memref_squeeze %dma_wait3A_403 : memref<1x200x128xf32, #tpu.memory_space<vmem>> -> memref<200x128xf32, #tpu.memory_space<vmem>>
        tpu.wait_dma2 semaphore(%arg8 : memref<!tpu.dma_semaphore, #tpu.memory_space<semaphore_mem>>) src(%dma_wait3A_404 : memref<200x128xf32, #tpu.memory_space<vmem>>) dst(%dma_wait3A_400 : memref<200x128xf32, #tpu.memory_space<hbm>>)
      } else {
      }
      %add3A_159 = arith.constant 4 : i32
      %add3A_160 = arith.addi %add3A_117, %add3A_159 : i32
      %sub3A = arith.constant 1 : i32
      %sub3A_161 = arith.subi %add3A_160, %sub3A : i32
      %lt3A = arith.constant 128 : i32
      %lt3A_162 = arith.cmpi slt, %sub3A_161, %lt3A : i32
      %convert_element_type3A_163 = arith.extui %lt3A_162 : i1 to i32
      %cond3A_164 = arith.constant 0 : i32
      %cond3A_165 = arith.cmpi ne, %convert_element_type3A_163, %cond3A_164 : i32
      scf.if %cond3A_165 {
        %add3A_385 = arith.constant 4 : i32
        %add3A_386 = arith.addi %add3A_117, %add3A_385 : i32
        %sub3A_387 = arith.constant 1 : i32
        %sub3A_388 = arith.subi %add3A_386, %sub3A_387 : i32
        %add3A_389 = arith.addi %mul3A_2, %sub3A_388 : i32
        %dma_start3A_390 = arith.constant 3 : i32
        %dma_start3A_391 = arith.constant 0 : i32
        %dma_start3A_392 = arith.constant 0 : i32
        %dma_start3A_393 = tpu.memref_slice %arg6[%dma_start3A_390, %dma_start3A_391, %dma_start3A_392] : memref<4x200x128xf32, #tpu.memory_space<vmem>> -> memref<1x200x128xf32, #tpu.memory_space<vmem>>
        %dma_start3A_394 = tpu.memref_squeeze %dma_start3A_393 : memref<1x200x128xf32, #tpu.memory_space<vmem>> -> memref<200x128xf32, #tpu.memory_space<vmem>>
        %dma_start3A_395 = arith.constant 0 : i32
        %dma_start3A_396 = arith.constant 0 : i32
        %dma_start3A_397 = tpu.memref_slice %arg2[%add3A_389, %dma_start3A_395, %dma_start3A_396] : memref<4096x200x128xf32, #tpu.memory_space<hbm>> -> memref<1x200x128xf32, #tpu.memory_space<hbm>>
        %dma_start3A_398 = tpu.memref_squeeze %dma_start3A_397 : memref<1x200x128xf32, #tpu.memory_space<hbm>> -> memref<200x128xf32, #tpu.memory_space<hbm>>
        %dma_start3A_399 = arith.constant 0 : i32
        %dma_start3A_400 = arith.constant 0 : i32
        %dma_start3A_401 = tpu.memref_slice %arg6[%dma_start3A_390, %dma_start3A_399, %dma_start3A_400] : memref<4x200x128xf32, #tpu.memory_space<vmem>> -> memref<1x200x128xf32, #tpu.memory_space<vmem>>
        %dma_start3A_402 = tpu.memref_squeeze %dma_start3A_401 : memref<1x200x128xf32, #tpu.memory_space<vmem>> -> memref<200x128xf32, #tpu.memory_space<vmem>>
        %dma_start3A_403 = arith.constant 0 : i32
        %dma_start3A_404 = arith.constant 0 : i32
        %dma_start3A_405 = tpu.memref_slice %arg2[%add3A_389, %dma_start3A_403, %dma_start3A_404] : memref<4096x200x128xf32, #tpu.memory_space<hbm>> -> memref<1x200x128xf32, #tpu.memory_space<hbm>>
        %dma_start3A_406 = tpu.memref_squeeze %dma_start3A_405 : memref<1x200x128xf32, #tpu.memory_space<hbm>> -> memref<200x128xf32, #tpu.memory_space<hbm>>
        tpu.enqueue_dma source(%dma_start3A_406 : memref<200x128xf32, #tpu.memory_space<hbm>>) target(%dma_start3A_402 : memref<200x128xf32, #tpu.memory_space<vmem>>) target_semaphore(%arg7 : memref<!tpu.dma_semaphore, #tpu.memory_space<semaphore_mem>>)
      } else {
      }
      %mul3A_166 = arith.constant 4 : i32
      %mul3A_167 = arith.muli %mul3A_166, %scan3A_113 : i32
      %add3A_168 = arith.constant 1 : i32
      %add3A_169 = arith.addi %mul3A_167, %add3A_168 : i32
      %add3A_170 = arith.addi %mul3A_2, %add3A_169 : i32
      %dma_wait3A_171 = arith.constant 1 : i32
      %dma_wait3A_172 = arith.constant 0 : i32
      %dma_wait3A_173 = arith.constant 0 : i32
      %dma_wait3A_174 = tpu.memref_slice %arg6[%dma_wait3A_171, %dma_wait3A_172, %dma_wait3A_173] : memref<4x200x128xf32, #tpu.memory_space<vmem>> -> memref<1x200x128xf32, #tpu.memory_space<vmem>>
      %dma_wait3A_175 = tpu.memref_squeeze %dma_wait3A_174 : memref<1x200x128xf32, #tpu.memory_space<vmem>> -> memref<200x128xf32, #tpu.memory_space<vmem>>
      %dma_wait3A_176 = arith.constant 0 : i32
      %dma_wait3A_177 = arith.constant 0 : i32
      %dma_wait3A_178 = tpu.memref_slice %arg2[%add3A_170, %dma_wait3A_176, %dma_wait3A_177] : memref<4096x200x128xf32, #tpu.memory_space<hbm>> -> memref<1x200x128xf32, #tpu.memory_space<hbm>>
      %dma_wait3A_179 = tpu.memref_squeeze %dma_wait3A_178 : memref<1x200x128xf32, #tpu.memory_space<hbm>> -> memref<200x128xf32, #tpu.memory_space<hbm>>
      %dma_wait3A_180 = arith.constant 0 : i32
      %dma_wait3A_181 = arith.constant 0 : i32
      %dma_wait3A_182 = tpu.memref_slice %arg6[%dma_wait3A_171, %dma_wait3A_180, %dma_wait3A_181] : memref<4x200x128xf32, #tpu.memory_space<vmem>> -> memref<1x200x128xf32, #tpu.memory_space<vmem>>
      %dma_wait3A_183 = tpu.memref_squeeze %dma_wait3A_182 : memref<1x200x128xf32, #tpu.memory_space<vmem>> -> memref<200x128xf32, #tpu.memory_space<vmem>>
      %dma_wait3A_184 = arith.constant 0 : i32
      %dma_wait3A_185 = arith.constant 0 : i32
      %dma_wait3A_186 = tpu.memref_slice %arg2[%add3A_170, %dma_wait3A_184, %dma_wait3A_185] : memref<4096x200x128xf32, #tpu.memory_space<hbm>> -> memref<1x200x128xf32, #tpu.memory_space<hbm>>
      %dma_wait3A_187 = tpu.memref_squeeze %dma_wait3A_186 : memref<1x200x128xf32, #tpu.memory_space<hbm>> -> memref<200x128xf32, #tpu.memory_space<hbm>>
      tpu.wait_dma2 semaphore(%arg7 : memref<!tpu.dma_semaphore, #tpu.memory_space<semaphore_mem>>) src(%dma_wait3A_187 : memref<200x128xf32, #tpu.memory_space<hbm>>) dst(%dma_wait3A_183 : memref<200x128xf32, #tpu.memory_space<vmem>>)
      %parallel_loop3A_188 = arith.constant 0 : i32
      %parallel_loop3A_189 = arith.constant 200 : i32
      %parallel_loop3A_190 = arith.constant 1 : i32
      %parallel_loop3A_191 = arith.constant 1 : i32
      scf.for %parallel_loop3A_385 = %parallel_loop3A_188 to %parallel_loop3A_189 step %parallel_loop3A_190  : i32 {
        %parallel_loop3A_386 = arith.constant 0 : i32
        %parallel_loop3A_387 = arith.constant 0 : i32
        %parallel_loop3A_388 = tpu.memref_slice %arg6[%parallel_loop3A_191, %parallel_loop3A_386, %parallel_loop3A_387] : memref<4x200x128xf32, #tpu.memory_space<vmem>> -> memref<1x200x128xf32, #tpu.memory_space<vmem>>
        %parallel_loop3A_389 = tpu.memref_squeeze %parallel_loop3A_388 : memref<1x200x128xf32, #tpu.memory_space<vmem>> -> memref<200x128xf32, #tpu.memory_space<vmem>>
        %parallel_loop3A_390 = arith.index_cast %parallel_loop3A_385 : i32 to index
        %parallel_loop3A_391 = arith.constant 0 : index
        %parallel_loop3A_392 = tpu.vector_load %parallel_loop3A_389[%parallel_loop3A_390, %parallel_loop3A_391] {strides = array<i32>} : memref<200x128xf32, #tpu.memory_space<vmem>>, vector<16xf32>,
        %parallel_loop3A_393 = arith.constant 0 : i32
        %parallel_loop3A_394 = arith.constant 0 : i32
        %parallel_loop3A_395 = tpu.memref_slice %arg6[%parallel_loop3A_191, %parallel_loop3A_393, %parallel_loop3A_394] : memref<4x200x128xf32, #tpu.memory_space<vmem>> -> memref<1x200x128xf32, #tpu.memory_space<vmem>>
        %parallel_loop3A_396 = tpu.memref_squeeze %parallel_loop3A_395 : memref<1x200x128xf32, #tpu.memory_space<vmem>> -> memref<200x128xf32, #tpu.memory_space<vmem>>
        %parallel_loop3A_397 = arith.index_cast %parallel_loop3A_385 : i32 to index
        %parallel_loop3A_398 = arith.constant 16 : index
        %parallel_loop3A_399 = tpu.vector_load %parallel_loop3A_396[%parallel_loop3A_397, %parallel_loop3A_398] {strides = array<i32>} : memref<200x128xf32, #tpu.memory_space<vmem>>, vector<16xf32>,
        %parallel_loop3A_400 = arith.constant 0 : i32
        %parallel_loop3A_401 = arith.constant 0 : i32
        %parallel_loop3A_402 = tpu.memref_slice %arg6[%parallel_loop3A_191, %parallel_loop3A_400, %parallel_loop3A_401] : memref<4x200x128xf32, #tpu.memory_space<vmem>> -> memref<1x200x128xf32, #tpu.memory_space<vmem>>
        %parallel_loop3A_403 = tpu.memref_squeeze %parallel_loop3A_402 : memref<1x200x128xf32, #tpu.memory_space<vmem>> -> memref<200x128xf32, #tpu.memory_space<vmem>>
        %parallel_loop3A_404 = arith.index_cast %parallel_loop3A_385 : i32 to index
        %parallel_loop3A_405 = arith.constant 32 : index
        %parallel_loop3A_406 = tpu.vector_load %parallel_loop3A_403[%parallel_loop3A_404, %parallel_loop3A_405] {strides = array<i32>} : memref<200x128xf32, #tpu.memory_space<vmem>>, vector<16xf32>,
        %parallel_loop3A_407 = arith.constant 0 : i32
        %parallel_loop3A_408 = arith.constant 0 : i32
        %parallel_loop3A_409 = tpu.memref_slice %arg6[%parallel_loop3A_191, %parallel_loop3A_407, %parallel_loop3A_408] : memref<4x200x128xf32, #tpu.memory_space<vmem>> -> memref<1x200x128xf32, #tpu.memory_space<vmem>>
        %parallel_loop3A_410 = tpu.memref_squeeze %parallel_loop3A_409 : memref<1x200x128xf32, #tpu.memory_space<vmem>> -> memref<200x128xf32, #tpu.memory_space<vmem>>
        %parallel_loop3A_411 = arith.index_cast %parallel_loop3A_385 : i32 to index
        %parallel_loop3A_412 = arith.constant 48 : index
        %parallel_loop3A_413 = tpu.vector_load %parallel_loop3A_410[%parallel_loop3A_411, %parallel_loop3A_412] {strides = array<i32>} : memref<200x128xf32, #tpu.memory_space<vmem>>, vector<16xf32>,
        %parallel_loop3A_414 = arith.constant 0 : i32
        %parallel_loop3A_415 = arith.constant 0 : i32
        %parallel_loop3A_416 = tpu.memref_slice %arg6[%parallel_loop3A_191, %parallel_loop3A_414, %parallel_loop3A_415] : memref<4x200x128xf32, #tpu.memory_space<vmem>> -> memref<1x200x128xf32, #tpu.memory_space<vmem>>
        %parallel_loop3A_417 = tpu.memref_squeeze %parallel_loop3A_416 : memref<1x200x128xf32, #tpu.memory_space<vmem>> -> memref<200x128xf32, #tpu.memory_space<vmem>>
        %parallel_loop3A_418 = arith.index_cast %parallel_loop3A_385 : i32 to index
        %parallel_loop3A_419 = arith.constant 64 : index
        %parallel_loop3A_420 = tpu.vector_load %parallel_loop3A_417[%parallel_loop3A_418, %parallel_loop3A_419] {strides = array<i32>} : memref<200x128xf32, #tpu.memory_space<vmem>>, vector<16xf32>,
        %parallel_loop3A_421 = arith.constant 0 : i32
        %parallel_loop3A_422 = arith.constant 0 : i32
        %parallel_loop3A_423 = tpu.memref_slice %arg6[%parallel_loop3A_191, %parallel_loop3A_421, %parallel_loop3A_422] : memref<4x200x128xf32, #tpu.memory_space<vmem>> -> memref<1x200x128xf32, #tpu.memory_space<vmem>>
        %parallel_loop3A_424 = tpu.memref_squeeze %parallel_loop3A_423 : memref<1x200x128xf32, #tpu.memory_space<vmem>> -> memref<200x128xf32, #tpu.memory_space<vmem>>
        %parallel_loop3A_425 = arith.index_cast %parallel_loop3A_385 : i32 to index
        %parallel_loop3A_426 = arith.constant 80 : index
        %parallel_loop3A_427 = tpu.vector_load %parallel_loop3A_424[%parallel_loop3A_425, %parallel_loop3A_426] {strides = array<i32>} : memref<200x128xf32, #tpu.memory_space<vmem>>, vector<16xf32>,
        %parallel_loop3A_428 = arith.constant 0 : i32
        %parallel_loop3A_429 = arith.constant 0 : i32
        %parallel_loop3A_430 = tpu.memref_slice %arg6[%parallel_loop3A_191, %parallel_loop3A_428, %parallel_loop3A_429] : memref<4x200x128xf32, #tpu.memory_space<vmem>> -> memref<1x200x128xf32, #tpu.memory_space<vmem>>
        %parallel_loop3A_431 = tpu.memref_squeeze %parallel_loop3A_430 : memref<1x200x128xf32, #tpu.memory_space<vmem>> -> memref<200x128xf32, #tpu.memory_space<vmem>>
        %parallel_loop3A_432 = arith.index_cast %parallel_loop3A_385 : i32 to index
        %parallel_loop3A_433 = arith.constant 96 : index
        %parallel_loop3A_434 = tpu.vector_load %parallel_loop3A_431[%parallel_loop3A_432, %parallel_loop3A_433] {strides = array<i32>} : memref<200x128xf32, #tpu.memory_space<vmem>>, vector<16xf32>,
        %parallel_loop3A_435 = arith.constant 0 : i32
        %parallel_loop3A_436 = arith.constant 0 : i32
        %parallel_loop3A_437 = tpu.memref_slice %arg6[%parallel_loop3A_191, %parallel_loop3A_435, %parallel_loop3A_436] : memref<4x200x128xf32, #tpu.memory_space<vmem>> -> memref<1x200x128xf32, #tpu.memory_space<vmem>>
        %parallel_loop3A_438 = tpu.memref_squeeze %parallel_loop3A_437 : memref<1x200x128xf32, #tpu.memory_space<vmem>> -> memref<200x128xf32, #tpu.memory_space<vmem>>
        %parallel_loop3A_439 = arith.index_cast %parallel_loop3A_385 : i32 to index
        %parallel_loop3A_440 = arith.constant 112 : index
        %parallel_loop3A_441 = tpu.vector_load %parallel_loop3A_438[%parallel_loop3A_439, %parallel_loop3A_440] {strides = array<i32>} : memref<200x128xf32, #tpu.memory_space<vmem>>, vector<16xf32>,
        %parallel_loop3A_442 = arith.constant 0.000000e+00 : f32
        %parallel_loop3A_443 = vector.broadcast %parallel_loop3A_442 : f32 to vector<16xf32>
        %parallel_loop3A_444 = arith.cmpf one, %parallel_loop3A_392, %parallel_loop3A_443 : vector<16xf32>
        %parallel_loop3A_445 = arith.constant 0.000000e+00 : f32
        %parallel_loop3A_446 = vector.broadcast %parallel_loop3A_445 : f32 to vector<16xf32>
        %parallel_loop3A_447 = arith.cmpf one, %parallel_loop3A_399, %parallel_loop3A_446 : vector<16xf32>
        %parallel_loop3A_448 = arith.ori %parallel_loop3A_444, %parallel_loop3A_447 : vector<16xi1>
        %parallel_loop3A_449 = arith.constant 0.000000e+00 : f32
        %parallel_loop3A_450 = vector.broadcast %parallel_loop3A_449 : f32 to vector<16xf32>
        %parallel_loop3A_451 = arith.cmpf one, %parallel_loop3A_406, %parallel_loop3A_450 : vector<16xf32>
        %parallel_loop3A_452 = arith.ori %parallel_loop3A_448, %parallel_loop3A_451 : vector<16xi1>
        %parallel_loop3A_453 = arith.constant 0.000000e+00 : f32
        %parallel_loop3A_454 = vector.broadcast %parallel_loop3A_453 : f32 to vector<16xf32>
        %parallel_loop3A_455 = arith.cmpf one, %parallel_loop3A_413, %parallel_loop3A_454 : vector<16xf32>
        %parallel_loop3A_456 = arith.ori %parallel_loop3A_452, %parallel_loop3A_455 : vector<16xi1>
        %parallel_loop3A_457 = arith.constant 0.000000e+00 : f32
        %parallel_loop3A_458 = vector.broadcast %parallel_loop3A_457 : f32 to vector<16xf32>
        %parallel_loop3A_459 = arith.cmpf one, %parallel_loop3A_420, %parallel_loop3A_458 : vector<16xf32>
        %parallel_loop3A_460 = arith.ori %parallel_loop3A_456, %parallel_loop3A_459 : vector<16xi1>
        %parallel_loop3A_461 = arith.constant 0.000000e+00 : f32
        %parallel_loop3A_462 = vector.broadcast %parallel_loop3A_461 : f32 to vector<16xf32>
        %parallel_loop3A_463 = arith.cmpf one, %parallel_loop3A_427, %parallel_loop3A_462 : vector<16xf32>
        %parallel_loop3A_464 = arith.ori %parallel_loop3A_460, %parallel_loop3A_463 : vector<16xi1>
        %parallel_loop3A_465 = arith.constant 0.000000e+00 : f32
        %parallel_loop3A_466 = vector.broadcast %parallel_loop3A_465 : f32 to vector<16xf32>
        %parallel_loop3A_467 = arith.cmpf one, %parallel_loop3A_434, %parallel_loop3A_466 : vector<16xf32>
        %parallel_loop3A_468 = arith.ori %parallel_loop3A_464, %parallel_loop3A_467 : vector<16xi1>
        %parallel_loop3A_469 = arith.constant 0.000000e+00 : f32
        %parallel_loop3A_470 = vector.broadcast %parallel_loop3A_469 : f32 to vector<16xf32>
        %parallel_loop3A_471 = arith.cmpf one, %parallel_loop3A_441, %parallel_loop3A_470 : vector<16xf32>
        %parallel_loop3A_472 = arith.ori %parallel_loop3A_468, %parallel_loop3A_471 : vector<16xi1>
        %parallel_loop3A_473 = tpu.all_reduce %parallel_loop3A_472 {dim = 0 : i64, kind = #tpu.reduction_kind<sum>} : vector<16xi1> -> vector<16xi32>
        %parallel_loop3A_474 = arith.constant 0 : i32
        %parallel_loop3A_475 = vector.broadcast %parallel_loop3A_474 : i32 to vector<16xi32>
        %parallel_loop3A_476 = arith.cmpi sgt, %parallel_loop3A_473, %parallel_loop3A_475 : vector<16xi32>
        %parallel_loop3A_477 = arith.constant 1 : i32
        %parallel_loop3A_478 = arith.addi %parallel_loop3A_385, %parallel_loop3A_477 : i32
        %parallel_loop3A_479 = arith.index_cast %parallel_loop3A_478 : i32 to index
        %parallel_loop3A_480 = arith.constant 0 : index
        %parallel_loop3A_481 = tpu.vector_load %arg5[%parallel_loop3A_479, %parallel_loop3A_480] {strides = array<i32>} : memref<201x128xf32, #tpu.memory_space<vmem>>, vector<16xf32>,
        %parallel_loop3A_482 = arith.select %parallel_loop3A_476, %parallel_loop3A_481, %get3A_5 : vector<16xi1>, vector<16xf32>
        %parallel_loop3A_483 = arith.addf %parallel_loop3A_392, %parallel_loop3A_482 : vector<16xf32>
        %parallel_loop3A_484 = arith.constant 0 : i32
        %parallel_loop3A_485 = arith.constant 0 : i32
        %parallel_loop3A_486 = tpu.memref_slice %arg6[%parallel_loop3A_191, %parallel_loop3A_484, %parallel_loop3A_485] : memref<4x200x128xf32, #tpu.memory_space<vmem>> -> memref<1x200x128xf32, #tpu.memory_space<vmem>>
        %parallel_loop3A_487 = tpu.memref_squeeze %parallel_loop3A_486 : memref<1x200x128xf32, #tpu.memory_space<vmem>> -> memref<200x128xf32, #tpu.memory_space<vmem>>
        %parallel_loop3A_488 = arith.index_cast %parallel_loop3A_385 : i32 to index
        %parallel_loop3A_489 = arith.constant 0 : index
        %parallel_loop3A_490 = tpu.vector_load %parallel_loop3A_487[%parallel_loop3A_488, %parallel_loop3A_489] {strides = array<i32>} : memref<200x128xf32, #tpu.memory_space<vmem>>, vector<16xf32>,
        tpu.vector_store %parallel_loop3A_487[%parallel_loop3A_488, %parallel_loop3A_489], %parallel_loop3A_483 {strides = array<i32>} : memref<200x128xf32, #tpu.memory_space<vmem>>, vector<16xf32>,
        %parallel_loop3A_491 = arith.constant 1 : i32
        %parallel_loop3A_492 = arith.addi %parallel_loop3A_385, %parallel_loop3A_491 : i32
        %parallel_loop3A_493 = arith.index_cast %parallel_loop3A_492 : i32 to index
        %parallel_loop3A_494 = arith.constant 16 : index
        %parallel_loop3A_495 = tpu.vector_load %arg5[%parallel_loop3A_493, %parallel_loop3A_494] {strides = array<i32>} : memref<201x128xf32, #tpu.memory_space<vmem>>, vector<16xf32>,
        %parallel_loop3A_496 = arith.select %parallel_loop3A_476, %parallel_loop3A_495, %get3A_9 : vector<16xi1>, vector<16xf32>
        %parallel_loop3A_497 = arith.addf %parallel_loop3A_399, %parallel_loop3A_496 : vector<16xf32>
        %parallel_loop3A_498 = arith.constant 0 : i32
        %parallel_loop3A_499 = arith.constant 0 : i32
        %parallel_loop3A_500 = tpu.memref_slice %arg6[%parallel_loop3A_191, %parallel_loop3A_498, %parallel_loop3A_499] : memref<4x200x128xf32, #tpu.memory_space<vmem>> -> memref<1x200x128xf32, #tpu.memory_space<vmem>>
        %parallel_loop3A_501 = tpu.memref_squeeze %parallel_loop3A_500 : memref<1x200x128xf32, #tpu.memory_space<vmem>> -> memref<200x128xf32, #tpu.memory_space<vmem>>
        %parallel_loop3A_502 = arith.index_cast %parallel_loop3A_385 : i32 to index
        %parallel_loop3A_503 = arith.constant 16 : index
        %parallel_loop3A_504 = tpu.vector_load %parallel_loop3A_501[%parallel_loop3A_502, %parallel_loop3A_503] {strides = array<i32>} : memref<200x128xf32, #tpu.memory_space<vmem>>, vector<16xf32>,
        tpu.vector_store %parallel_loop3A_501[%parallel_loop3A_502, %parallel_loop3A_503], %parallel_loop3A_497 {strides = array<i32>} : memref<200x128xf32, #tpu.memory_space<vmem>>, vector<16xf32>,
        %parallel_loop3A_505 = arith.constant 1 : i32
        %parallel_loop3A_506 = arith.addi %parallel_loop3A_385, %parallel_loop3A_505 : i32
        %parallel_loop3A_507 = arith.index_cast %parallel_loop3A_506 : i32 to index
        %parallel_loop3A_508 = arith.constant 32 : index
        %parallel_loop3A_509 = tpu.vector_load %arg5[%parallel_loop3A_507, %parallel_loop3A_508] {strides = array<i32>} : memref<201x128xf32, #tpu.memory_space<vmem>>, vector<16xf32>,
        %parallel_loop3A_510 = arith.select %parallel_loop3A_476, %parallel_loop3A_509, %get3A_13 : vector<16xi1>, vector<16xf32>
        %parallel_loop3A_511 = arith.addf %parallel_loop3A_406, %parallel_loop3A_510 : vector<16xf32>
        %parallel_loop3A_512 = arith.constant 0 : i32
        %parallel_loop3A_513 = arith.constant 0 : i32
        %parallel_loop3A_514 = tpu.memref_slice %arg6[%parallel_loop3A_191, %parallel_loop3A_512, %parallel_loop3A_513] : memref<4x200x128xf32, #tpu.memory_space<vmem>> -> memref<1x200x128xf32, #tpu.memory_space<vmem>>
        %parallel_loop3A_515 = tpu.memref_squeeze %parallel_loop3A_514 : memref<1x200x128xf32, #tpu.memory_space<vmem>> -> memref<200x128xf32, #tpu.memory_space<vmem>>
        %parallel_loop3A_516 = arith.index_cast %parallel_loop3A_385 : i32 to index
        %parallel_loop3A_517 = arith.constant 32 : index
        %parallel_loop3A_518 = tpu.vector_load %parallel_loop3A_515[%parallel_loop3A_516, %parallel_loop3A_517] {strides = array<i32>} : memref<200x128xf32, #tpu.memory_space<vmem>>, vector<16xf32>,
        tpu.vector_store %parallel_loop3A_515[%parallel_loop3A_516, %parallel_loop3A_517], %parallel_loop3A_511 {strides = array<i32>} : memref<200x128xf32, #tpu.memory_space<vmem>>, vector<16xf32>,
        %parallel_loop3A_519 = arith.constant 1 : i32
        %parallel_loop3A_520 = arith.addi %parallel_loop3A_385, %parallel_loop3A_519 : i32
        %parallel_loop3A_521 = arith.index_cast %parallel_loop3A_520 : i32 to index
        %parallel_loop3A_522 = arith.constant 48 : index
        %parallel_loop3A_523 = tpu.vector_load %arg5[%parallel_loop3A_521, %parallel_loop3A_522] {strides = array<i32>} : memref<201x128xf32, #tpu.memory_space<vmem>>, vector<16xf32>,
        %parallel_loop3A_524 = arith.select %parallel_loop3A_476, %parallel_loop3A_523, %get3A_17 : vector<16xi1>, vector<16xf32>
        %parallel_loop3A_525 = arith.addf %parallel_loop3A_413, %parallel_loop3A_524 : vector<16xf32>
        %parallel_loop3A_526 = arith.constant 0 : i32
        %parallel_loop3A_527 = arith.constant 0 : i32
        %parallel_loop3A_528 = tpu.memref_slice %arg6[%parallel_loop3A_191, %parallel_loop3A_526, %parallel_loop3A_527] : memref<4x200x128xf32, #tpu.memory_space<vmem>> -> memref<1x200x128xf32, #tpu.memory_space<vmem>>
        %parallel_loop3A_529 = tpu.memref_squeeze %parallel_loop3A_528 : memref<1x200x128xf32, #tpu.memory_space<vmem>> -> memref<200x128xf32, #tpu.memory_space<vmem>>
        %parallel_loop3A_530 = arith.index_cast %parallel_loop3A_385 : i32 to index
        %parallel_loop3A_531 = arith.constant 48 : index
        %parallel_loop3A_532 = tpu.vector_load %parallel_loop3A_529[%parallel_loop3A_530, %parallel_loop3A_531] {strides = array<i32>} : memref<200x128xf32, #tpu.memory_space<vmem>>, vector<16xf32>,
        tpu.vector_store %parallel_loop3A_529[%parallel_loop3A_530, %parallel_loop3A_531], %parallel_loop3A_525 {strides = array<i32>} : memref<200x128xf32, #tpu.memory_space<vmem>>, vector<16xf32>,
        %parallel_loop3A_533 = arith.constant 1 : i32
        %parallel_loop3A_534 = arith.addi %parallel_loop3A_385, %parallel_loop3A_533 : i32
        %parallel_loop3A_535 = arith.index_cast %parallel_loop3A_534 : i32 to index
        %parallel_loop3A_536 = arith.constant 64 : index
        %parallel_loop3A_537 = tpu.vector_load %arg5[%parallel_loop3A_535, %parallel_loop3A_536] {strides = array<i32>} : memref<201x128xf32, #tpu.memory_space<vmem>>, vector<16xf32>,
        %parallel_loop3A_538 = arith.select %parallel_loop3A_476, %parallel_loop3A_537, %get3A_21 : vector<16xi1>, vector<16xf32>
        %parallel_loop3A_539 = arith.addf %parallel_loop3A_420, %parallel_loop3A_538 : vector<16xf32>
        %parallel_loop3A_540 = arith.constant 0 : i32
        %parallel_loop3A_541 = arith.constant 0 : i32
        %parallel_loop3A_542 = tpu.memref_slice %arg6[%parallel_loop3A_191, %parallel_loop3A_540, %parallel_loop3A_541] : memref<4x200x128xf32, #tpu.memory_space<vmem>> -> memref<1x200x128xf32, #tpu.memory_space<vmem>>
        %parallel_loop3A_543 = tpu.memref_squeeze %parallel_loop3A_542 : memref<1x200x128xf32, #tpu.memory_space<vmem>> -> memref<200x128xf32, #tpu.memory_space<vmem>>
        %parallel_loop3A_544 = arith.index_cast %parallel_loop3A_385 : i32 to index
        %parallel_loop3A_545 = arith.constant 64 : index
        %parallel_loop3A_546 = tpu.vector_load %parallel_loop3A_543[%parallel_loop3A_544, %parallel_loop3A_545] {strides = array<i32>} : memref<200x128xf32, #tpu.memory_space<vmem>>, vector<16xf32>,
        tpu.vector_store %parallel_loop3A_543[%parallel_loop3A_544, %parallel_loop3A_545], %parallel_loop3A_539 {strides = array<i32>} : memref<200x128xf32, #tpu.memory_space<vmem>>, vector<16xf32>,
        %parallel_loop3A_547 = arith.constant 1 : i32
        %parallel_loop3A_548 = arith.addi %parallel_loop3A_385, %parallel_loop3A_547 : i32
        %parallel_loop3A_549 = arith.index_cast %parallel_loop3A_548 : i32 to index
        %parallel_loop3A_550 = arith.constant 80 : index
        %parallel_loop3A_551 = tpu.vector_load %arg5[%parallel_loop3A_549, %parallel_loop3A_550] {strides = array<i32>} : memref<201x128xf32, #tpu.memory_space<vmem>>, vector<16xf32>,
        %parallel_loop3A_552 = arith.select %parallel_loop3A_476, %parallel_loop3A_551, %get3A_25 : vector<16xi1>, vector<16xf32>
        %parallel_loop3A_553 = arith.addf %parallel_loop3A_427, %parallel_loop3A_552 : vector<16xf32>
        %parallel_loop3A_554 = arith.constant 0 : i32
        %parallel_loop3A_555 = arith.constant 0 : i32
        %parallel_loop3A_556 = tpu.memref_slice %arg6[%parallel_loop3A_191, %parallel_loop3A_554, %parallel_loop3A_555] : memref<4x200x128xf32, #tpu.memory_space<vmem>> -> memref<1x200x128xf32, #tpu.memory_space<vmem>>
        %parallel_loop3A_557 = tpu.memref_squeeze %parallel_loop3A_556 : memref<1x200x128xf32, #tpu.memory_space<vmem>> -> memref<200x128xf32, #tpu.memory_space<vmem>>
        %parallel_loop3A_558 = arith.index_cast %parallel_loop3A_385 : i32 to index
        %parallel_loop3A_559 = arith.constant 80 : index
        %parallel_loop3A_560 = tpu.vector_load %parallel_loop3A_557[%parallel_loop3A_558, %parallel_loop3A_559] {strides = array<i32>} : memref<200x128xf32, #tpu.memory_space<vmem>>, vector<16xf32>,
        tpu.vector_store %parallel_loop3A_557[%parallel_loop3A_558, %parallel_loop3A_559], %parallel_loop3A_553 {strides = array<i32>} : memref<200x128xf32, #tpu.memory_space<vmem>>, vector<16xf32>,
        %parallel_loop3A_561 = arith.constant 1 : i32
        %parallel_loop3A_562 = arith.addi %parallel_loop3A_385, %parallel_loop3A_561 : i32
        %parallel_loop3A_563 = arith.index_cast %parallel_loop3A_562 : i32 to index
        %parallel_loop3A_564 = arith.constant 96 : index
        %parallel_loop3A_565 = tpu.vector_load %arg5[%parallel_loop3A_563, %parallel_loop3A_564] {strides = array<i32>} : memref<201x128xf32, #tpu.memory_space<vmem>>, vector<16xf32>,
        %parallel_loop3A_566 = arith.select %parallel_loop3A_476, %parallel_loop3A_565, %get3A_29 : vector<16xi1>, vector<16xf32>
        %parallel_loop3A_567 = arith.addf %parallel_loop3A_434, %parallel_loop3A_566 : vector<16xf32>
        %parallel_loop3A_568 = arith.constant 0 : i32
        %parallel_loop3A_569 = arith.constant 0 : i32
        %parallel_loop3A_570 = tpu.memref_slice %arg6[%parallel_loop3A_191, %parallel_loop3A_568, %parallel_loop3A_569] : memref<4x200x128xf32, #tpu.memory_space<vmem>> -> memref<1x200x128xf32, #tpu.memory_space<vmem>>
        %parallel_loop3A_571 = tpu.memref_squeeze %parallel_loop3A_570 : memref<1x200x128xf32, #tpu.memory_space<vmem>> -> memref<200x128xf32, #tpu.memory_space<vmem>>
        %parallel_loop3A_572 = arith.index_cast %parallel_loop3A_385 : i32 to index
        %parallel_loop3A_573 = arith.constant 96 : index
        %parallel_loop3A_574 = tpu.vector_load %parallel_loop3A_571[%parallel_loop3A_572, %parallel_loop3A_573] {strides = array<i32>} : memref<200x128xf32, #tpu.memory_space<vmem>>, vector<16xf32>,
        tpu.vector_store %parallel_loop3A_571[%parallel_loop3A_572, %parallel_loop3A_573], %parallel_loop3A_567 {strides = array<i32>} : memref<200x128xf32, #tpu.memory_space<vmem>>, vector<16xf32>,
        %parallel_loop3A_575 = arith.constant 1 : i32
        %parallel_loop3A_576 = arith.addi %parallel_loop3A_385, %parallel_loop3A_575 : i32
        %parallel_loop3A_577 = arith.index_cast %parallel_loop3A_576 : i32 to index
        %parallel_loop3A_578 = arith.constant 112 : index
        %parallel_loop3A_579 = tpu.vector_load %arg5[%parallel_loop3A_577, %parallel_loop3A_578] {strides = array<i32>} : memref<201x128xf32, #tpu.memory_space<vmem>>, vector<16xf32>,
        %parallel_loop3A_580 = arith.select %parallel_loop3A_476, %parallel_loop3A_579, %get3A_33 : vector<16xi1>, vector<16xf32>
        %parallel_loop3A_581 = arith.addf %parallel_loop3A_441, %parallel_loop3A_580 : vector<16xf32>
        %parallel_loop3A_582 = arith.constant 0 : i32
        %parallel_loop3A_583 = arith.constant 0 : i32
        %parallel_loop3A_584 = tpu.memref_slice %arg6[%parallel_loop3A_191, %parallel_loop3A_582, %parallel_loop3A_583] : memref<4x200x128xf32, #tpu.memory_space<vmem>> -> memref<1x200x128xf32, #tpu.memory_space<vmem>>
        %parallel_loop3A_585 = tpu.memref_squeeze %parallel_loop3A_584 : memref<1x200x128xf32, #tpu.memory_space<vmem>> -> memref<200x128xf32, #tpu.memory_space<vmem>>
        %parallel_loop3A_586 = arith.index_cast %parallel_loop3A_385 : i32 to index
        %parallel_loop3A_587 = arith.constant 112 : index
        %parallel_loop3A_588 = tpu.vector_load %parallel_loop3A_585[%parallel_loop3A_586, %parallel_loop3A_587] {strides = array<i32>} : memref<200x128xf32, #tpu.memory_space<vmem>>, vector<16xf32>,
        tpu.vector_store %parallel_loop3A_585[%parallel_loop3A_586, %parallel_loop3A_587], %parallel_loop3A_581 {strides = array<i32>} : memref<200x128xf32, #tpu.memory_space<vmem>>, vector<16xf32>,
      } {sc.loop_unroll_factor = 2 : i64, sc.parallel_access}
      %add3A_192 = arith.addi %mul3A_2, %add3A_169 : i32
      %dma_start3A_193 = arith.constant 1 : i32
      %dma_start3A_194 = arith.constant 0 : i32
      %dma_start3A_195 = arith.constant 0 : i32
      %dma_start3A_196 = tpu.memref_slice %arg6[%dma_start3A_193, %dma_start3A_194, %dma_start3A_195] : memref<4x200x128xf32, #tpu.memory_space<vmem>> -> memref<1x200x128xf32, #tpu.memory_space<vmem>>
      %dma_start3A_197 = tpu.memref_squeeze %dma_start3A_196 : memref<1x200x128xf32, #tpu.memory_space<vmem>> -> memref<200x128xf32, #tpu.memory_space<vmem>>
      %dma_start3A_198 = arith.constant 0 : i32
      %dma_start3A_199 = arith.constant 0 : i32
      %dma_start3A_200 = tpu.memref_slice %arg4[%add3A_192, %dma_start3A_198, %dma_start3A_199] : memref<4096x200x128xf32, #tpu.memory_space<hbm>> -> memref<1x200x128xf32, #tpu.memory_space<hbm>>
      %dma_start3A_201 = tpu.memref_squeeze %dma_start3A_200 : memref<1x200x128xf32, #tpu.memory_space<hbm>> -> memref<200x128xf32, #tpu.memory_space<hbm>>
      %dma_start3A_202 = arith.constant 0 : i32
      %dma_start3A_203 = arith.constant 0 : i32
      %dma_start3A_204 = tpu.memref_slice %arg4[%add3A_192, %dma_start3A_202, %dma_start3A_203] : memref<4096x200x128xf32, #tpu.memory_space<hbm>> -> memref<1x200x128xf32, #tpu.memory_space<hbm>>
      %dma_start3A_205 = tpu.memref_squeeze %dma_start3A_204 : memref<1x200x128xf32, #tpu.memory_space<hbm>> -> memref<200x128xf32, #tpu.memory_space<hbm>>
      %dma_start3A_206 = arith.constant 0 : i32
      %dma_start3A_207 = arith.constant 0 : i32
      %dma_start3A_208 = tpu.memref_slice %arg6[%dma_start3A_193, %dma_start3A_206, %dma_start3A_207] : memref<4x200x128xf32, #tpu.memory_space<vmem>> -> memref<1x200x128xf32, #tpu.memory_space<vmem>>
      %dma_start3A_209 = tpu.memref_squeeze %dma_start3A_208 : memref<1x200x128xf32, #tpu.memory_space<vmem>> -> memref<200x128xf32, #tpu.memory_space<vmem>>
      tpu.enqueue_dma source(%dma_start3A_209 : memref<200x128xf32, #tpu.memory_space<vmem>>) target(%dma_start3A_205 : memref<200x128xf32, #tpu.memory_space<hbm>>) target_semaphore(%arg8 : memref<!tpu.dma_semaphore, #tpu.memory_space<semaphore_mem>>)
      %sub3A_210 = arith.constant 1 : i32
      %sub3A_211 = arith.subi %add3A_169, %sub3A_210 : i32
      %add3A_212 = arith.addi %mul3A_2, %sub3A_211 : i32
      %dma_wait3A_213 = arith.constant 0 : i32
      %dma_wait3A_214 = arith.constant 0 : i32
      %dma_wait3A_215 = arith.constant 0 : i32
      %dma_wait3A_216 = tpu.memref_slice %arg6[%dma_wait3A_213, %dma_wait3A_214, %dma_wait3A_215] : memref<4x200x128xf32, #tpu.memory_space<vmem>> -> memref<1x200x128xf32, #tpu.memory_space<vmem>>
      %dma_wait3A_217 = tpu.memref_squeeze %dma_wait3A_216 : memref<1x200x128xf32, #tpu.memory_space<vmem>> -> memref<200x128xf32, #tpu.memory_space<vmem>>
      %dma_wait3A_218 = arith.constant 0 : i32
      %dma_wait3A_219 = arith.constant 0 : i32
      %dma_wait3A_220 = tpu.memref_slice %arg4[%add3A_212, %dma_wait3A_218, %dma_wait3A_219] : memref<4096x200x128xf32, #tpu.memory_space<hbm>> -> memref<1x200x128xf32, #tpu.memory_space<hbm>>
      %dma_wait3A_221 = tpu.memref_squeeze %dma_wait3A_220 : memref<1x200x128xf32, #tpu.memory_space<hbm>> -> memref<200x128xf32, #tpu.memory_space<hbm>>
      %dma_wait3A_222 = arith.constant 0 : i32
      %dma_wait3A_223 = arith.constant 0 : i32
      %dma_wait3A_224 = tpu.memref_slice %arg4[%add3A_212, %dma_wait3A_222, %dma_wait3A_223] : memref<4096x200x128xf32, #tpu.memory_space<hbm>> -> memref<1x200x128xf32, #tpu.memory_space<hbm>>
      %dma_wait3A_225 = tpu.memref_squeeze %dma_wait3A_224 : memref<1x200x128xf32, #tpu.memory_space<hbm>> -> memref<200x128xf32, #tpu.memory_space<hbm>>
      %dma_wait3A_226 = arith.constant 0 : i32
      %dma_wait3A_227 = arith.constant 0 : i32
      %dma_wait3A_228 = tpu.memref_slice %arg6[%dma_wait3A_213, %dma_wait3A_226, %dma_wait3A_227] : memref<4x200x128xf32, #tpu.memory_space<vmem>> -> memref<1x200x128xf32, #tpu.memory_space<vmem>>
      %dma_wait3A_229 = tpu.memref_squeeze %dma_wait3A_228 : memref<1x200x128xf32, #tpu.memory_space<vmem>> -> memref<200x128xf32, #tpu.memory_space<vmem>>
      tpu.wait_dma2 semaphore(%arg8 : memref<!tpu.dma_semaphore, #tpu.memory_space<semaphore_mem>>) src(%dma_wait3A_229 : memref<200x128xf32, #tpu.memory_space<vmem>>) dst(%dma_wait3A_225 : memref<200x128xf32, #tpu.memory_space<hbm>>)
      %add3A_230 = arith.constant 4 : i32
      %add3A_231 = arith.addi %add3A_169, %add3A_230 : i32
      %sub3A_232 = arith.constant 1 : i32
      %sub3A_233 = arith.subi %add3A_231, %sub3A_232 : i32
      %lt3A_234 = arith.constant 128 : i32
      %lt3A_235 = arith.cmpi slt, %sub3A_233, %lt3A_234 : i32
      %convert_element_type3A_236 = arith.extui %lt3A_235 : i1 to i32
      %cond3A_237 = arith.constant 0 : i32
      %cond3A_238 = arith.cmpi ne, %convert_element_type3A_236, %cond3A_237 : i32
      scf.if %cond3A_238 {
        %add3A_385 = arith.constant 4 : i32
        %add3A_386 = arith.addi %add3A_169, %add3A_385 : i32
        %sub3A_387 = arith.constant 1 : i32
        %sub3A_388 = arith.subi %add3A_386, %sub3A_387 : i32
        %add3A_389 = arith.addi %mul3A_2, %sub3A_388 : i32
        %dma_start3A_390 = arith.constant 0 : i32
        %dma_start3A_391 = arith.constant 0 : i32
        %dma_start3A_392 = arith.constant 0 : i32
        %dma_start3A_393 = tpu.memref_slice %arg6[%dma_start3A_390, %dma_start3A_391, %dma_start3A_392] : memref<4x200x128xf32, #tpu.memory_space<vmem>> -> memref<1x200x128xf32, #tpu.memory_space<vmem>>
        %dma_start3A_394 = tpu.memref_squeeze %dma_start3A_393 : memref<1x200x128xf32, #tpu.memory_space<vmem>> -> memref<200x128xf32, #tpu.memory_space<vmem>>
        %dma_start3A_395 = arith.constant 0 : i32
        %dma_start3A_396 = arith.constant 0 : i32
        %dma_start3A_397 = tpu.memref_slice %arg2[%add3A_389, %dma_start3A_395, %dma_start3A_396] : memref<4096x200x128xf32, #tpu.memory_space<hbm>> -> memref<1x200x128xf32, #tpu.memory_space<hbm>>
        %dma_start3A_398 = tpu.memref_squeeze %dma_start3A_397 : memref<1x200x128xf32, #tpu.memory_space<hbm>> -> memref<200x128xf32, #tpu.memory_space<hbm>>
        %dma_start3A_399 = arith.constant 0 : i32
        %dma_start3A_400 = arith.constant 0 : i32
        %dma_start3A_401 = tpu.memref_slice %arg6[%dma_start3A_390, %dma_start3A_399, %dma_start3A_400] : memref<4x200x128xf32, #tpu.memory_space<vmem>> -> memref<1x200x128xf32, #tpu.memory_space<vmem>>
        %dma_start3A_402 = tpu.memref_squeeze %dma_start3A_401 : memref<1x200x128xf32, #tpu.memory_space<vmem>> -> memref<200x128xf32, #tpu.memory_space<vmem>>
        %dma_start3A_403 = arith.constant 0 : i32
        %dma_start3A_404 = arith.constant 0 : i32
        %dma_start3A_405 = tpu.memref_slice %arg2[%add3A_389, %dma_start3A_403, %dma_start3A_404] : memref<4096x200x128xf32, #tpu.memory_space<hbm>> -> memref<1x200x128xf32, #tpu.memory_space<hbm>>
        %dma_start3A_406 = tpu.memref_squeeze %dma_start3A_405 : memref<1x200x128xf32, #tpu.memory_space<hbm>> -> memref<200x128xf32, #tpu.memory_space<hbm>>
        tpu.enqueue_dma source(%dma_start3A_406 : memref<200x128xf32, #tpu.memory_space<hbm>>) target(%dma_start3A_402 : memref<200x128xf32, #tpu.memory_space<vmem>>) target_semaphore(%arg7 : memref<!tpu.dma_semaphore, #tpu.memory_space<semaphore_mem>>)
      } else {
      }
      %mul3A_239 = arith.constant 4 : i32
      %mul3A_240 = arith.muli %mul3A_239, %scan3A_113 : i32
      %add3A_241 = arith.constant 2 : i32
      %add3A_242 = arith.addi %mul3A_240, %add3A_241 : i32
      %add3A_243 = arith.addi %mul3A_2, %add3A_242 : i32
      %dma_wait3A_244 = arith.constant 2 : i32
      %dma_wait3A_245 = arith.constant 0 : i32
      %dma_wait3A_246 = arith.constant 0 : i32
      %dma_wait3A_247 = tpu.memref_slice %arg6[%dma_wait3A_244, %dma_wait3A_245, %dma_wait3A_246] : memref<4x200x128xf32, #tpu.memory_space<vmem>> -> memref<1x200x128xf32, #tpu.memory_space<vmem>>
      %dma_wait3A_248 = tpu.memref_squeeze %dma_wait3A_247 : memref<1x200x128xf32, #tpu.memory_space<vmem>> -> memref<200x128xf32, #tpu.memory_space<vmem>>
      %dma_wait3A_249 = arith.constant 0 : i32
      %dma_wait3A_250 = arith.constant 0 : i32
      %dma_wait3A_251 = tpu.memref_slice %arg2[%add3A_243, %dma_wait3A_249, %dma_wait3A_250] : memref<4096x200x128xf32, #tpu.memory_space<hbm>> -> memref<1x200x128xf32, #tpu.memory_space<hbm>>
      %dma_wait3A_252 = tpu.memref_squeeze %dma_wait3A_251 : memref<1x200x128xf32, #tpu.memory_space<hbm>> -> memref<200x128xf32, #tpu.memory_space<hbm>>
      %dma_wait3A_253 = arith.constant 0 : i32
      %dma_wait3A_254 = arith.constant 0 : i32
      %dma_wait3A_255 = tpu.memref_slice %arg6[%dma_wait3A_244, %dma_wait3A_253, %dma_wait3A_254] : memref<4x200x128xf32, #tpu.memory_space<vmem>> -> memref<1x200x128xf32, #tpu.memory_space<vmem>>
      %dma_wait3A_256 = tpu.memref_squeeze %dma_wait3A_255 : memref<1x200x128xf32, #tpu.memory_space<vmem>> -> memref<200x128xf32, #tpu.memory_space<vmem>>
      %dma_wait3A_257 = arith.constant 0 : i32
      %dma_wait3A_258 = arith.constant 0 : i32
      %dma_wait3A_259 = tpu.memref_slice %arg2[%add3A_243, %dma_wait3A_257, %dma_wait3A_258] : memref<4096x200x128xf32, #tpu.memory_space<hbm>> -> memref<1x200x128xf32, #tpu.memory_space<hbm>>
      %dma_wait3A_260 = tpu.memref_squeeze %dma_wait3A_259 : memref<1x200x128xf32, #tpu.memory_space<hbm>> -> memref<200x128xf32, #tpu.memory_space<hbm>>
      tpu.wait_dma2 semaphore(%arg7 : memref<!tpu.dma_semaphore, #tpu.memory_space<semaphore_mem>>) src(%dma_wait3A_260 : memref<200x128xf32, #tpu.memory_space<hbm>>) dst(%dma_wait3A_256 : memref<200x128xf32, #tpu.memory_space<vmem>>)
      %parallel_loop3A_261 = arith.constant 0 : i32
      %parallel_loop3A_262 = arith.constant 200 : i32
      %parallel_loop3A_263 = arith.constant 1 : i32
      %parallel_loop3A_264 = arith.constant 2 : i32
      scf.for %parallel_loop3A_385 = %parallel_loop3A_261 to %parallel_loop3A_262 step %parallel_loop3A_263  : i32 {
        %parallel_loop3A_386 = arith.constant 0 : i32
        %parallel_loop3A_387 = arith.constant 0 : i32
        %parallel_loop3A_388 = tpu.memref_slice %arg6[%parallel_loop3A_264, %parallel_loop3A_386, %parallel_loop3A_387] : memref<4x200x128xf32, #tpu.memory_space<vmem>> -> memref<1x200x128xf32, #tpu.memory_space<vmem>>
        %parallel_loop3A_389 = tpu.memref_squeeze %parallel_loop3A_388 : memref<1x200x128xf32, #tpu.memory_space<vmem>> -> memref<200x128xf32, #tpu.memory_space<vmem>>
        %parallel_loop3A_390 = arith.index_cast %parallel_loop3A_385 : i32 to index
        %parallel_loop3A_391 = arith.constant 0 : index
        %parallel_loop3A_392 = tpu.vector_load %parallel_loop3A_389[%parallel_loop3A_390, %parallel_loop3A_391] {strides = array<i32>} : memref<200x128xf32, #tpu.memory_space<vmem>>, vector<16xf32>,
        %parallel_loop3A_393 = arith.constant 0 : i32
        %parallel_loop3A_394 = arith.constant 0 : i32
        %parallel_loop3A_395 = tpu.memref_slice %arg6[%parallel_loop3A_264, %parallel_loop3A_393, %parallel_loop3A_394] : memref<4x200x128xf32, #tpu.memory_space<vmem>> -> memref<1x200x128xf32, #tpu.memory_space<vmem>>
        %parallel_loop3A_396 = tpu.memref_squeeze %parallel_loop3A_395 : memref<1x200x128xf32, #tpu.memory_space<vmem>> -> memref<200x128xf32, #tpu.memory_space<vmem>>
        %parallel_loop3A_397 = arith.index_cast %parallel_loop3A_385 : i32 to index
        %parallel_loop3A_398 = arith.constant 16 : index
        %parallel_loop3A_399 = tpu.vector_load %parallel_loop3A_396[%parallel_loop3A_397, %parallel_loop3A_398] {strides = array<i32>} : memref<200x128xf32, #tpu.memory_space<vmem>>, vector<16xf32>,
        %parallel_loop3A_400 = arith.constant 0 : i32
        %parallel_loop3A_401 = arith.constant 0 : i32
        %parallel_loop3A_402 = tpu.memref_slice %arg6[%parallel_loop3A_264, %parallel_loop3A_400, %parallel_loop3A_401] : memref<4x200x128xf32, #tpu.memory_space<vmem>> -> memref<1x200x128xf32, #tpu.memory_space<vmem>>
        %parallel_loop3A_403 = tpu.memref_squeeze %parallel_loop3A_402 : memref<1x200x128xf32, #tpu.memory_space<vmem>> -> memref<200x128xf32, #tpu.memory_space<vmem>>
        %parallel_loop3A_404 = arith.index_cast %parallel_loop3A_385 : i32 to index
        %parallel_loop3A_405 = arith.constant 32 : index
        %parallel_loop3A_406 = tpu.vector_load %parallel_loop3A_403[%parallel_loop3A_404, %parallel_loop3A_405] {strides = array<i32>} : memref<200x128xf32, #tpu.memory_space<vmem>>, vector<16xf32>,
        %parallel_loop3A_407 = arith.constant 0 : i32
        %parallel_loop3A_408 = arith.constant 0 : i32
        %parallel_loop3A_409 = tpu.memref_slice %arg6[%parallel_loop3A_264, %parallel_loop3A_407, %parallel_loop3A_408] : memref<4x200x128xf32, #tpu.memory_space<vmem>> -> memref<1x200x128xf32, #tpu.memory_space<vmem>>
        %parallel_loop3A_410 = tpu.memref_squeeze %parallel_loop3A_409 : memref<1x200x128xf32, #tpu.memory_space<vmem>> -> memref<200x128xf32, #tpu.memory_space<vmem>>
        %parallel_loop3A_411 = arith.index_cast %parallel_loop3A_385 : i32 to index
        %parallel_loop3A_412 = arith.constant 48 : index
        %parallel_loop3A_413 = tpu.vector_load %parallel_loop3A_410[%parallel_loop3A_411, %parallel_loop3A_412] {strides = array<i32>} : memref<200x128xf32, #tpu.memory_space<vmem>>, vector<16xf32>,
        %parallel_loop3A_414 = arith.constant 0 : i32
        %parallel_loop3A_415 = arith.constant 0 : i32
        %parallel_loop3A_416 = tpu.memref_slice %arg6[%parallel_loop3A_264, %parallel_loop3A_414, %parallel_loop3A_415] : memref<4x200x128xf32, #tpu.memory_space<vmem>> -> memref<1x200x128xf32, #tpu.memory_space<vmem>>
        %parallel_loop3A_417 = tpu.memref_squeeze %parallel_loop3A_416 : memref<1x200x128xf32, #tpu.memory_space<vmem>> -> memref<200x128xf32, #tpu.memory_space<vmem>>
        %parallel_loop3A_418 = arith.index_cast %parallel_loop3A_385 : i32 to index
        %parallel_loop3A_419 = arith.constant 64 : index
        %parallel_loop3A_420 = tpu.vector_load %parallel_loop3A_417[%parallel_loop3A_418, %parallel_loop3A_419] {strides = array<i32>} : memref<200x128xf32, #tpu.memory_space<vmem>>, vector<16xf32>,
        %parallel_loop3A_421 = arith.constant 0 : i32
        %parallel_loop3A_422 = arith.constant 0 : i32
        %parallel_loop3A_423 = tpu.memref_slice %arg6[%parallel_loop3A_264, %parallel_loop3A_421, %parallel_loop3A_422] : memref<4x200x128xf32, #tpu.memory_space<vmem>> -> memref<1x200x128xf32, #tpu.memory_space<vmem>>
        %parallel_loop3A_424 = tpu.memref_squeeze %parallel_loop3A_423 : memref<1x200x128xf32, #tpu.memory_space<vmem>> -> memref<200x128xf32, #tpu.memory_space<vmem>>
        %parallel_loop3A_425 = arith.index_cast %parallel_loop3A_385 : i32 to index
        %parallel_loop3A_426 = arith.constant 80 : index
        %parallel_loop3A_427 = tpu.vector_load %parallel_loop3A_424[%parallel_loop3A_425, %parallel_loop3A_426] {strides = array<i32>} : memref<200x128xf32, #tpu.memory_space<vmem>>, vector<16xf32>,
        %parallel_loop3A_428 = arith.constant 0 : i32
        %parallel_loop3A_429 = arith.constant 0 : i32
        %parallel_loop3A_430 = tpu.memref_slice %arg6[%parallel_loop3A_264, %parallel_loop3A_428, %parallel_loop3A_429] : memref<4x200x128xf32, #tpu.memory_space<vmem>> -> memref<1x200x128xf32, #tpu.memory_space<vmem>>
        %parallel_loop3A_431 = tpu.memref_squeeze %parallel_loop3A_430 : memref<1x200x128xf32, #tpu.memory_space<vmem>> -> memref<200x128xf32, #tpu.memory_space<vmem>>
        %parallel_loop3A_432 = arith.index_cast %parallel_loop3A_385 : i32 to index
        %parallel_loop3A_433 = arith.constant 96 : index
        %parallel_loop3A_434 = tpu.vector_load %parallel_loop3A_431[%parallel_loop3A_432, %parallel_loop3A_433] {strides = array<i32>} : memref<200x128xf32, #tpu.memory_space<vmem>>, vector<16xf32>,
        %parallel_loop3A_435 = arith.constant 0 : i32
        %parallel_loop3A_436 = arith.constant 0 : i32
        %parallel_loop3A_437 = tpu.memref_slice %arg6[%parallel_loop3A_264, %parallel_loop3A_435, %parallel_loop3A_436] : memref<4x200x128xf32, #tpu.memory_space<vmem>> -> memref<1x200x128xf32, #tpu.memory_space<vmem>>
        %parallel_loop3A_438 = tpu.memref_squeeze %parallel_loop3A_437 : memref<1x200x128xf32, #tpu.memory_space<vmem>> -> memref<200x128xf32, #tpu.memory_space<vmem>>
        %parallel_loop3A_439 = arith.index_cast %parallel_loop3A_385 : i32 to index
        %parallel_loop3A_440 = arith.constant 112 : index
        %parallel_loop3A_441 = tpu.vector_load %parallel_loop3A_438[%parallel_loop3A_439, %parallel_loop3A_440] {strides = array<i32>} : memref<200x128xf32, #tpu.memory_space<vmem>>, vector<16xf32>,
        %parallel_loop3A_442 = arith.constant 0.000000e+00 : f32
        %parallel_loop3A_443 = vector.broadcast %parallel_loop3A_442 : f32 to vector<16xf32>
        %parallel_loop3A_444 = arith.cmpf one, %parallel_loop3A_392, %parallel_loop3A_443 : vector<16xf32>
        %parallel_loop3A_445 = arith.constant 0.000000e+00 : f32
        %parallel_loop3A_446 = vector.broadcast %parallel_loop3A_445 : f32 to vector<16xf32>
        %parallel_loop3A_447 = arith.cmpf one, %parallel_loop3A_399, %parallel_loop3A_446 : vector<16xf32>
        %parallel_loop3A_448 = arith.ori %parallel_loop3A_444, %parallel_loop3A_447 : vector<16xi1>
        %parallel_loop3A_449 = arith.constant 0.000000e+00 : f32
        %parallel_loop3A_450 = vector.broadcast %parallel_loop3A_449 : f32 to vector<16xf32>
        %parallel_loop3A_451 = arith.cmpf one, %parallel_loop3A_406, %parallel_loop3A_450 : vector<16xf32>
        %parallel_loop3A_452 = arith.ori %parallel_loop3A_448, %parallel_loop3A_451 : vector<16xi1>
        %parallel_loop3A_453 = arith.constant 0.000000e+00 : f32
        %parallel_loop3A_454 = vector.broadcast %parallel_loop3A_453 : f32 to vector<16xf32>
        %parallel_loop3A_455 = arith.cmpf one, %parallel_loop3A_413, %parallel_loop3A_454 : vector<16xf32>
        %parallel_loop3A_456 = arith.ori %parallel_loop3A_452, %parallel_loop3A_455 : vector<16xi1>
        %parallel_loop3A_457 = arith.constant 0.000000e+00 : f32
        %parallel_loop3A_458 = vector.broadcast %parallel_loop3A_457 : f32 to vector<16xf32>
        %parallel_loop3A_459 = arith.cmpf one, %parallel_loop3A_420, %parallel_loop3A_458 : vector<16xf32>
        %parallel_loop3A_460 = arith.ori %parallel_loop3A_456, %parallel_loop3A_459 : vector<16xi1>
        %parallel_loop3A_461 = arith.constant 0.000000e+00 : f32
        %parallel_loop3A_462 = vector.broadcast %parallel_loop3A_461 : f32 to vector<16xf32>
        %parallel_loop3A_463 = arith.cmpf one, %parallel_loop3A_427, %parallel_loop3A_462 : vector<16xf32>
        %parallel_loop3A_464 = arith.ori %parallel_loop3A_460, %parallel_loop3A_463 : vector<16xi1>
        %parallel_loop3A_465 = arith.constant 0.000000e+00 : f32
        %parallel_loop3A_466 = vector.broadcast %parallel_loop3A_465 : f32 to vector<16xf32>
        %parallel_loop3A_467 = arith.cmpf one, %parallel_loop3A_434, %parallel_loop3A_466 : vector<16xf32>
        %parallel_loop3A_468 = arith.ori %parallel_loop3A_464, %parallel_loop3A_467 : vector<16xi1>
        %parallel_loop3A_469 = arith.constant 0.000000e+00 : f32
        %parallel_loop3A_470 = vector.broadcast %parallel_loop3A_469 : f32 to vector<16xf32>
        %parallel_loop3A_471 = arith.cmpf one, %parallel_loop3A_441, %parallel_loop3A_470 : vector<16xf32>
        %parallel_loop3A_472 = arith.ori %parallel_loop3A_468, %parallel_loop3A_471 : vector<16xi1>
        %parallel_loop3A_473 = tpu.all_reduce %parallel_loop3A_472 {dim = 0 : i64, kind = #tpu.reduction_kind<sum>} : vector<16xi1> -> vector<16xi32>
        %parallel_loop3A_474 = arith.constant 0 : i32
        %parallel_loop3A_475 = vector.broadcast %parallel_loop3A_474 : i32 to vector<16xi32>
        %parallel_loop3A_476 = arith.cmpi sgt, %parallel_loop3A_473, %parallel_loop3A_475 : vector<16xi32>
        %parallel_loop3A_477 = arith.constant 1 : i32
        %parallel_loop3A_478 = arith.addi %parallel_loop3A_385, %parallel_loop3A_477 : i32
        %parallel_loop3A_479 = arith.index_cast %parallel_loop3A_478 : i32 to index
        %parallel_loop3A_480 = arith.constant 0 : index
        %parallel_loop3A_481 = tpu.vector_load %arg5[%parallel_loop3A_479, %parallel_loop3A_480] {strides = array<i32>} : memref<201x128xf32, #tpu.memory_space<vmem>>, vector<16xf32>,
        %parallel_loop3A_482 = arith.select %parallel_loop3A_476, %parallel_loop3A_481, %get3A_5 : vector<16xi1>, vector<16xf32>
        %parallel_loop3A_483 = arith.addf %parallel_loop3A_392, %parallel_loop3A_482 : vector<16xf32>
        %parallel_loop3A_484 = arith.constant 0 : i32
        %parallel_loop3A_485 = arith.constant 0 : i32
        %parallel_loop3A_486 = tpu.memref_slice %arg6[%parallel_loop3A_264, %parallel_loop3A_484, %parallel_loop3A_485] : memref<4x200x128xf32, #tpu.memory_space<vmem>> -> memref<1x200x128xf32, #tpu.memory_space<vmem>>
        %parallel_loop3A_487 = tpu.memref_squeeze %parallel_loop3A_486 : memref<1x200x128xf32, #tpu.memory_space<vmem>> -> memref<200x128xf32, #tpu.memory_space<vmem>>
        %parallel_loop3A_488 = arith.index_cast %parallel_loop3A_385 : i32 to index
        %parallel_loop3A_489 = arith.constant 0 : index
        %parallel_loop3A_490 = tpu.vector_load %parallel_loop3A_487[%parallel_loop3A_488, %parallel_loop3A_489] {strides = array<i32>} : memref<200x128xf32, #tpu.memory_space<vmem>>, vector<16xf32>,
        tpu.vector_store %parallel_loop3A_487[%parallel_loop3A_488, %parallel_loop3A_489], %parallel_loop3A_483 {strides = array<i32>} : memref<200x128xf32, #tpu.memory_space<vmem>>, vector<16xf32>,
        %parallel_loop3A_491 = arith.constant 1 : i32
        %parallel_loop3A_492 = arith.addi %parallel_loop3A_385, %parallel_loop3A_491 : i32
        %parallel_loop3A_493 = arith.index_cast %parallel_loop3A_492 : i32 to index
        %parallel_loop3A_494 = arith.constant 16 : index
        %parallel_loop3A_495 = tpu.vector_load %arg5[%parallel_loop3A_493, %parallel_loop3A_494] {strides = array<i32>} : memref<201x128xf32, #tpu.memory_space<vmem>>, vector<16xf32>,
        %parallel_loop3A_496 = arith.select %parallel_loop3A_476, %parallel_loop3A_495, %get3A_9 : vector<16xi1>, vector<16xf32>
        %parallel_loop3A_497 = arith.addf %parallel_loop3A_399, %parallel_loop3A_496 : vector<16xf32>
        %parallel_loop3A_498 = arith.constant 0 : i32
        %parallel_loop3A_499 = arith.constant 0 : i32
        %parallel_loop3A_500 = tpu.memref_slice %arg6[%parallel_loop3A_264, %parallel_loop3A_498, %parallel_loop3A_499] : memref<4x200x128xf32, #tpu.memory_space<vmem>> -> memref<1x200x128xf32, #tpu.memory_space<vmem>>
        %parallel_loop3A_501 = tpu.memref_squeeze %parallel_loop3A_500 : memref<1x200x128xf32, #tpu.memory_space<vmem>> -> memref<200x128xf32, #tpu.memory_space<vmem>>
        %parallel_loop3A_502 = arith.index_cast %parallel_loop3A_385 : i32 to index
        %parallel_loop3A_503 = arith.constant 16 : index
        %parallel_loop3A_504 = tpu.vector_load %parallel_loop3A_501[%parallel_loop3A_502, %parallel_loop3A_503] {strides = array<i32>} : memref<200x128xf32, #tpu.memory_space<vmem>>, vector<16xf32>,
        tpu.vector_store %parallel_loop3A_501[%parallel_loop3A_502, %parallel_loop3A_503], %parallel_loop3A_497 {strides = array<i32>} : memref<200x128xf32, #tpu.memory_space<vmem>>, vector<16xf32>,
        %parallel_loop3A_505 = arith.constant 1 : i32
        %parallel_loop3A_506 = arith.addi %parallel_loop3A_385, %parallel_loop3A_505 : i32
        %parallel_loop3A_507 = arith.index_cast %parallel_loop3A_506 : i32 to index
        %parallel_loop3A_508 = arith.constant 32 : index
        %parallel_loop3A_509 = tpu.vector_load %arg5[%parallel_loop3A_507, %parallel_loop3A_508] {strides = array<i32>} : memref<201x128xf32, #tpu.memory_space<vmem>>, vector<16xf32>,
        %parallel_loop3A_510 = arith.select %parallel_loop3A_476, %parallel_loop3A_509, %get3A_13 : vector<16xi1>, vector<16xf32>
        %parallel_loop3A_511 = arith.addf %parallel_loop3A_406, %parallel_loop3A_510 : vector<16xf32>
        %parallel_loop3A_512 = arith.constant 0 : i32
        %parallel_loop3A_513 = arith.constant 0 : i32
        %parallel_loop3A_514 = tpu.memref_slice %arg6[%parallel_loop3A_264, %parallel_loop3A_512, %parallel_loop3A_513] : memref<4x200x128xf32, #tpu.memory_space<vmem>> -> memref<1x200x128xf32, #tpu.memory_space<vmem>>
        %parallel_loop3A_515 = tpu.memref_squeeze %parallel_loop3A_514 : memref<1x200x128xf32, #tpu.memory_space<vmem>> -> memref<200x128xf32, #tpu.memory_space<vmem>>
        %parallel_loop3A_516 = arith.index_cast %parallel_loop3A_385 : i32 to index
        %parallel_loop3A_517 = arith.constant 32 : index
        %parallel_loop3A_518 = tpu.vector_load %parallel_loop3A_515[%parallel_loop3A_516, %parallel_loop3A_517] {strides = array<i32>} : memref<200x128xf32, #tpu.memory_space<vmem>>, vector<16xf32>,
        tpu.vector_store %parallel_loop3A_515[%parallel_loop3A_516, %parallel_loop3A_517], %parallel_loop3A_511 {strides = array<i32>} : memref<200x128xf32, #tpu.memory_space<vmem>>, vector<16xf32>,
        %parallel_loop3A_519 = arith.constant 1 : i32
        %parallel_loop3A_520 = arith.addi %parallel_loop3A_385, %parallel_loop3A_519 : i32
        %parallel_loop3A_521 = arith.index_cast %parallel_loop3A_520 : i32 to index
        %parallel_loop3A_522 = arith.constant 48 : index
        %parallel_loop3A_523 = tpu.vector_load %arg5[%parallel_loop3A_521, %parallel_loop3A_522] {strides = array<i32>} : memref<201x128xf32, #tpu.memory_space<vmem>>, vector<16xf32>,
        %parallel_loop3A_524 = arith.select %parallel_loop3A_476, %parallel_loop3A_523, %get3A_17 : vector<16xi1>, vector<16xf32>
        %parallel_loop3A_525 = arith.addf %parallel_loop3A_413, %parallel_loop3A_524 : vector<16xf32>
        %parallel_loop3A_526 = arith.constant 0 : i32
        %parallel_loop3A_527 = arith.constant 0 : i32
        %parallel_loop3A_528 = tpu.memref_slice %arg6[%parallel_loop3A_264, %parallel_loop3A_526, %parallel_loop3A_527] : memref<4x200x128xf32, #tpu.memory_space<vmem>> -> memref<1x200x128xf32, #tpu.memory_space<vmem>>
        %parallel_loop3A_529 = tpu.memref_squeeze %parallel_loop3A_528 : memref<1x200x128xf32, #tpu.memory_space<vmem>> -> memref<200x128xf32, #tpu.memory_space<vmem>>
        %parallel_loop3A_530 = arith.index_cast %parallel_loop3A_385 : i32 to index
        %parallel_loop3A_531 = arith.constant 48 : index
        %parallel_loop3A_532 = tpu.vector_load %parallel_loop3A_529[%parallel_loop3A_530, %parallel_loop3A_531] {strides = array<i32>} : memref<200x128xf32, #tpu.memory_space<vmem>>, vector<16xf32>,
        tpu.vector_store %parallel_loop3A_529[%parallel_loop3A_530, %parallel_loop3A_531], %parallel_loop3A_525 {strides = array<i32>} : memref<200x128xf32, #tpu.memory_space<vmem>>, vector<16xf32>,
        %parallel_loop3A_533 = arith.constant 1 : i32
        %parallel_loop3A_534 = arith.addi %parallel_loop3A_385, %parallel_loop3A_533 : i32
        %parallel_loop3A_535 = arith.index_cast %parallel_loop3A_534 : i32 to index
        %parallel_loop3A_536 = arith.constant 64 : index
        %parallel_loop3A_537 = tpu.vector_load %arg5[%parallel_loop3A_535, %parallel_loop3A_536] {strides = array<i32>} : memref<201x128xf32, #tpu.memory_space<vmem>>, vector<16xf32>,
        %parallel_loop3A_538 = arith.select %parallel_loop3A_476, %parallel_loop3A_537, %get3A_21 : vector<16xi1>, vector<16xf32>
        %parallel_loop3A_539 = arith.addf %parallel_loop3A_420, %parallel_loop3A_538 : vector<16xf32>
        %parallel_loop3A_540 = arith.constant 0 : i32
        %parallel_loop3A_541 = arith.constant 0 : i32
        %parallel_loop3A_542 = tpu.memref_slice %arg6[%parallel_loop3A_264, %parallel_loop3A_540, %parallel_loop3A_541] : memref<4x200x128xf32, #tpu.memory_space<vmem>> -> memref<1x200x128xf32, #tpu.memory_space<vmem>>
        %parallel_loop3A_543 = tpu.memref_squeeze %parallel_loop3A_542 : memref<1x200x128xf32, #tpu.memory_space<vmem>> -> memref<200x128xf32, #tpu.memory_space<vmem>>
        %parallel_loop3A_544 = arith.index_cast %parallel_loop3A_385 : i32 to index
        %parallel_loop3A_545 = arith.constant 64 : index
        %parallel_loop3A_546 = tpu.vector_load %parallel_loop3A_543[%parallel_loop3A_544, %parallel_loop3A_545] {strides = array<i32>} : memref<200x128xf32, #tpu.memory_space<vmem>>, vector<16xf32>,
        tpu.vector_store %parallel_loop3A_543[%parallel_loop3A_544, %parallel_loop3A_545], %parallel_loop3A_539 {strides = array<i32>} : memref<200x128xf32, #tpu.memory_space<vmem>>, vector<16xf32>,
        %parallel_loop3A_547 = arith.constant 1 : i32
        %parallel_loop3A_548 = arith.addi %parallel_loop3A_385, %parallel_loop3A_547 : i32
        %parallel_loop3A_549 = arith.index_cast %parallel_loop3A_548 : i32 to index
        %parallel_loop3A_550 = arith.constant 80 : index
        %parallel_loop3A_551 = tpu.vector_load %arg5[%parallel_loop3A_549, %parallel_loop3A_550] {strides = array<i32>} : memref<201x128xf32, #tpu.memory_space<vmem>>, vector<16xf32>,
        %parallel_loop3A_552 = arith.select %parallel_loop3A_476, %parallel_loop3A_551, %get3A_25 : vector<16xi1>, vector<16xf32>
        %parallel_loop3A_553 = arith.addf %parallel_loop3A_427, %parallel_loop3A_552 : vector<16xf32>
        %parallel_loop3A_554 = arith.constant 0 : i32
        %parallel_loop3A_555 = arith.constant 0 : i32
        %parallel_loop3A_556 = tpu.memref_slice %arg6[%parallel_loop3A_264, %parallel_loop3A_554, %parallel_loop3A_555] : memref<4x200x128xf32, #tpu.memory_space<vmem>> -> memref<1x200x128xf32, #tpu.memory_space<vmem>>
        %parallel_loop3A_557 = tpu.memref_squeeze %parallel_loop3A_556 : memref<1x200x128xf32, #tpu.memory_space<vmem>> -> memref<200x128xf32, #tpu.memory_space<vmem>>
        %parallel_loop3A_558 = arith.index_cast %parallel_loop3A_385 : i32 to index
        %parallel_loop3A_559 = arith.constant 80 : index
        %parallel_loop3A_560 = tpu.vector_load %parallel_loop3A_557[%parallel_loop3A_558, %parallel_loop3A_559] {strides = array<i32>} : memref<200x128xf32, #tpu.memory_space<vmem>>, vector<16xf32>,
        tpu.vector_store %parallel_loop3A_557[%parallel_loop3A_558, %parallel_loop3A_559], %parallel_loop3A_553 {strides = array<i32>} : memref<200x128xf32, #tpu.memory_space<vmem>>, vector<16xf32>,
        %parallel_loop3A_561 = arith.constant 1 : i32
        %parallel_loop3A_562 = arith.addi %parallel_loop3A_385, %parallel_loop3A_561 : i32
        %parallel_loop3A_563 = arith.index_cast %parallel_loop3A_562 : i32 to index
        %parallel_loop3A_564 = arith.constant 96 : index
        %parallel_loop3A_565 = tpu.vector_load %arg5[%parallel_loop3A_563, %parallel_loop3A_564] {strides = array<i32>} : memref<201x128xf32, #tpu.memory_space<vmem>>, vector<16xf32>,
        %parallel_loop3A_566 = arith.select %parallel_loop3A_476, %parallel_loop3A_565, %get3A_29 : vector<16xi1>, vector<16xf32>
        %parallel_loop3A_567 = arith.addf %parallel_loop3A_434, %parallel_loop3A_566 : vector<16xf32>
        %parallel_loop3A_568 = arith.constant 0 : i32
        %parallel_loop3A_569 = arith.constant 0 : i32
        %parallel_loop3A_570 = tpu.memref_slice %arg6[%parallel_loop3A_264, %parallel_loop3A_568, %parallel_loop3A_569] : memref<4x200x128xf32, #tpu.memory_space<vmem>> -> memref<1x200x128xf32, #tpu.memory_space<vmem>>
        %parallel_loop3A_571 = tpu.memref_squeeze %parallel_loop3A_570 : memref<1x200x128xf32, #tpu.memory_space<vmem>> -> memref<200x128xf32, #tpu.memory_space<vmem>>
        %parallel_loop3A_572 = arith.index_cast %parallel_loop3A_385 : i32 to index
        %parallel_loop3A_573 = arith.constant 96 : index
        %parallel_loop3A_574 = tpu.vector_load %parallel_loop3A_571[%parallel_loop3A_572, %parallel_loop3A_573] {strides = array<i32>} : memref<200x128xf32, #tpu.memory_space<vmem>>, vector<16xf32>,
        tpu.vector_store %parallel_loop3A_571[%parallel_loop3A_572, %parallel_loop3A_573], %parallel_loop3A_567 {strides = array<i32>} : memref<200x128xf32, #tpu.memory_space<vmem>>, vector<16xf32>,
        %parallel_loop3A_575 = arith.constant 1 : i32
        %parallel_loop3A_576 = arith.addi %parallel_loop3A_385, %parallel_loop3A_575 : i32
        %parallel_loop3A_577 = arith.index_cast %parallel_loop3A_576 : i32 to index
        %parallel_loop3A_578 = arith.constant 112 : index
        %parallel_loop3A_579 = tpu.vector_load %arg5[%parallel_loop3A_577, %parallel_loop3A_578] {strides = array<i32>} : memref<201x128xf32, #tpu.memory_space<vmem>>, vector<16xf32>,
        %parallel_loop3A_580 = arith.select %parallel_loop3A_476, %parallel_loop3A_579, %get3A_33 : vector<16xi1>, vector<16xf32>
        %parallel_loop3A_581 = arith.addf %parallel_loop3A_441, %parallel_loop3A_580 : vector<16xf32>
        %parallel_loop3A_582 = arith.constant 0 : i32
        %parallel_loop3A_583 = arith.constant 0 : i32
        %parallel_loop3A_584 = tpu.memref_slice %arg6[%parallel_loop3A_264, %parallel_loop3A_582, %parallel_loop3A_583] : memref<4x200x128xf32, #tpu.memory_space<vmem>> -> memref<1x200x128xf32, #tpu.memory_space<vmem>>
        %parallel_loop3A_585 = tpu.memref_squeeze %parallel_loop3A_584 : memref<1x200x128xf32, #tpu.memory_space<vmem>> -> memref<200x128xf32, #tpu.memory_space<vmem>>
        %parallel_loop3A_586 = arith.index_cast %parallel_loop3A_385 : i32 to index
        %parallel_loop3A_587 = arith.constant 112 : index
        %parallel_loop3A_588 = tpu.vector_load %parallel_loop3A_585[%parallel_loop3A_586, %parallel_loop3A_587] {strides = array<i32>} : memref<200x128xf32, #tpu.memory_space<vmem>>, vector<16xf32>,
        tpu.vector_store %parallel_loop3A_585[%parallel_loop3A_586, %parallel_loop3A_587], %parallel_loop3A_581 {strides = array<i32>} : memref<200x128xf32, #tpu.memory_space<vmem>>, vector<16xf32>,
      } {sc.loop_unroll_factor = 2 : i64, sc.parallel_access}
      %add3A_265 = arith.addi %mul3A_2, %add3A_242 : i32
      %dma_start3A_266 = arith.constant 2 : i32
      %dma_start3A_267 = arith.constant 0 : i32
      %dma_start3A_268 = arith.constant 0 : i32
      %dma_start3A_269 = tpu.memref_slice %arg6[%dma_start3A_266, %dma_start3A_267, %dma_start3A_268] : memref<4x200x128xf32, #tpu.memory_space<vmem>> -> memref<1x200x128xf32, #tpu.memory_space<vmem>>
      %dma_start3A_270 = tpu.memref_squeeze %dma_start3A_269 : memref<1x200x128xf32, #tpu.memory_space<vmem>> -> memref<200x128xf32, #tpu.memory_space<vmem>>
      %dma_start3A_271 = arith.constant 0 : i32
      %dma_start3A_272 = arith.constant 0 : i32
      %dma_start3A_273 = tpu.memref_slice %arg4[%add3A_265, %dma_start3A_271, %dma_start3A_272] : memref<4096x200x128xf32, #tpu.memory_space<hbm>> -> memref<1x200x128xf32, #tpu.memory_space<hbm>>
      %dma_start3A_274 = tpu.memref_squeeze %dma_start3A_273 : memref<1x200x128xf32, #tpu.memory_space<hbm>> -> memref<200x128xf32, #tpu.memory_space<hbm>>
      %dma_start3A_275 = arith.constant 0 : i32
      %dma_start3A_276 = arith.constant 0 : i32
      %dma_start3A_277 = tpu.memref_slice %arg4[%add3A_265, %dma_start3A_275, %dma_start3A_276] : memref<4096x200x128xf32, #tpu.memory_space<hbm>> -> memref<1x200x128xf32, #tpu.memory_space<hbm>>
      %dma_start3A_278 = tpu.memref_squeeze %dma_start3A_277 : memref<1x200x128xf32, #tpu.memory_space<hbm>> -> memref<200x128xf32, #tpu.memory_space<hbm>>
      %dma_start3A_279 = arith.constant 0 : i32
      %dma_start3A_280 = arith.constant 0 : i32
      %dma_start3A_281 = tpu.memref_slice %arg6[%dma_start3A_266, %dma_start3A_279, %dma_start3A_280] : memref<4x200x128xf32, #tpu.memory_space<vmem>> -> memref<1x200x128xf32, #tpu.memory_space<vmem>>
      %dma_start3A_282 = tpu.memref_squeeze %dma_start3A_281 : memref<1x200x128xf32, #tpu.memory_space<vmem>> -> memref<200x128xf32, #tpu.memory_space<vmem>>
      tpu.enqueue_dma source(%dma_start3A_282 : memref<200x128xf32, #tpu.memory_space<vmem>>) target(%dma_start3A_278 : memref<200x128xf32, #tpu.memory_space<hbm>>) target_semaphore(%arg8 : memref<!tpu.dma_semaphore, #tpu.memory_space<semaphore_mem>>)
      %sub3A_283 = arith.constant 1 : i32
      %sub3A_284 = arith.subi %add3A_242, %sub3A_283 : i32
      %add3A_285 = arith.addi %mul3A_2, %sub3A_284 : i32
      %dma_wait3A_286 = arith.constant 1 : i32
      %dma_wait3A_287 = arith.constant 0 : i32
      %dma_wait3A_288 = arith.constant 0 : i32
      %dma_wait3A_289 = tpu.memref_slice %arg6[%dma_wait3A_286, %dma_wait3A_287, %dma_wait3A_288] : memref<4x200x128xf32, #tpu.memory_space<vmem>> -> memref<1x200x128xf32, #tpu.memory_space<vmem>>
      %dma_wait3A_290 = tpu.memref_squeeze %dma_wait3A_289 : memref<1x200x128xf32, #tpu.memory_space<vmem>> -> memref<200x128xf32, #tpu.memory_space<vmem>>
      %dma_wait3A_291 = arith.constant 0 : i32
      %dma_wait3A_292 = arith.constant 0 : i32
      %dma_wait3A_293 = tpu.memref_slice %arg4[%add3A_285, %dma_wait3A_291, %dma_wait3A_292] : memref<4096x200x128xf32, #tpu.memory_space<hbm>> -> memref<1x200x128xf32, #tpu.memory_space<hbm>>
      %dma_wait3A_294 = tpu.memref_squeeze %dma_wait3A_293 : memref<1x200x128xf32, #tpu.memory_space<hbm>> -> memref<200x128xf32, #tpu.memory_space<hbm>>
      %dma_wait3A_295 = arith.constant 0 : i32
      %dma_wait3A_296 = arith.constant 0 : i32
      %dma_wait3A_297 = tpu.memref_slice %arg4[%add3A_285, %dma_wait3A_295, %dma_wait3A_296] : memref<4096x200x128xf32, #tpu.memory_space<hbm>> -> memref<1x200x128xf32, #tpu.memory_space<hbm>>
      %dma_wait3A_298 = tpu.memref_squeeze %dma_wait3A_297 : memref<1x200x128xf32, #tpu.memory_space<hbm>> -> memref<200x128xf32, #tpu.memory_space<hbm>>
      %dma_wait3A_299 = arith.constant 0 : i32
      %dma_wait3A_300 = arith.constant 0 : i32
      %dma_wait3A_301 = tpu.memref_slice %arg6[%dma_wait3A_286, %dma_wait3A_299, %dma_wait3A_300] : memref<4x200x128xf32, #tpu.memory_space<vmem>> -> memref<1x200x128xf32, #tpu.memory_space<vmem>>
      %dma_wait3A_302 = tpu.memref_squeeze %dma_wait3A_301 : memref<1x200x128xf32, #tpu.memory_space<vmem>> -> memref<200x128xf32, #tpu.memory_space<vmem>>
      tpu.wait_dma2 semaphore(%arg8 : memref<!tpu.dma_semaphore, #tpu.memory_space<semaphore_mem>>) src(%dma_wait3A_302 : memref<200x128xf32, #tpu.memory_space<vmem>>) dst(%dma_wait3A_298 : memref<200x128xf32, #tpu.memory_space<hbm>>)
      %add3A_303 = arith.constant 4 : i32
      %add3A_304 = arith.addi %add3A_242, %add3A_303 : i32
      %sub3A_305 = arith.constant 1 : i32
      %sub3A_306 = arith.subi %add3A_304, %sub3A_305 : i32
      %lt3A_307 = arith.constant 128 : i32
      %lt3A_308 = arith.cmpi slt, %sub3A_306, %lt3A_307 : i32
      %convert_element_type3A_309 = arith.extui %lt3A_308 : i1 to i32
      %cond3A_310 = arith.constant 0 : i32
      %cond3A_311 = arith.cmpi ne, %convert_element_type3A_309, %cond3A_310 : i32
      scf.if %cond3A_311 {
        %add3A_385 = arith.constant 4 : i32
        %add3A_386 = arith.addi %add3A_242, %add3A_385 : i32
        %sub3A_387 = arith.constant 1 : i32
        %sub3A_388 = arith.subi %add3A_386, %sub3A_387 : i32
        %add3A_389 = arith.addi %mul3A_2, %sub3A_388 : i32
        %dma_start3A_390 = arith.constant 1 : i32
        %dma_start3A_391 = arith.constant 0 : i32
        %dma_start3A_392 = arith.constant 0 : i32
        %dma_start3A_393 = tpu.memref_slice %arg6[%dma_start3A_390, %dma_start3A_391, %dma_start3A_392] : memref<4x200x128xf32, #tpu.memory_space<vmem>> -> memref<1x200x128xf32, #tpu.memory_space<vmem>>
        %dma_start3A_394 = tpu.memref_squeeze %dma_start3A_393 : memref<1x200x128xf32, #tpu.memory_space<vmem>> -> memref<200x128xf32, #tpu.memory_space<vmem>>
        %dma_start3A_395 = arith.constant 0 : i32
        %dma_start3A_396 = arith.constant 0 : i32
        %dma_start3A_397 = tpu.memref_slice %arg2[%add3A_389, %dma_start3A_395, %dma_start3A_396] : memref<4096x200x128xf32, #tpu.memory_space<hbm>> -> memref<1x200x128xf32, #tpu.memory_space<hbm>>
        %dma_start3A_398 = tpu.memref_squeeze %dma_start3A_397 : memref<1x200x128xf32, #tpu.memory_space<hbm>> -> memref<200x128xf32, #tpu.memory_space<hbm>>
        %dma_start3A_399 = arith.constant 0 : i32
        %dma_start3A_400 = arith.constant 0 : i32
        %dma_start3A_401 = tpu.memref_slice %arg6[%dma_start3A_390, %dma_start3A_399, %dma_start3A_400] : memref<4x200x128xf32, #tpu.memory_space<vmem>> -> memref<1x200x128xf32, #tpu.memory_space<vmem>>
        %dma_start3A_402 = tpu.memref_squeeze %dma_start3A_401 : memref<1x200x128xf32, #tpu.memory_space<vmem>> -> memref<200x128xf32, #tpu.memory_space<vmem>>
        %dma_start3A_403 = arith.constant 0 : i32
        %dma_start3A_404 = arith.constant 0 : i32
        %dma_start3A_405 = tpu.memref_slice %arg2[%add3A_389, %dma_start3A_403, %dma_start3A_404] : memref<4096x200x128xf32, #tpu.memory_space<hbm>> -> memref<1x200x128xf32, #tpu.memory_space<hbm>>
        %dma_start3A_406 = tpu.memref_squeeze %dma_start3A_405 : memref<1x200x128xf32, #tpu.memory_space<hbm>> -> memref<200x128xf32, #tpu.memory_space<hbm>>
        tpu.enqueue_dma source(%dma_start3A_406 : memref<200x128xf32, #tpu.memory_space<hbm>>) target(%dma_start3A_402 : memref<200x128xf32, #tpu.memory_space<vmem>>) target_semaphore(%arg7 : memref<!tpu.dma_semaphore, #tpu.memory_space<semaphore_mem>>)
      } else {
      }
      %mul3A_312 = arith.constant 4 : i32
      %mul3A_313 = arith.muli %mul3A_312, %scan3A_113 : i32
      %add3A_314 = arith.constant 3 : i32
      %add3A_315 = arith.addi %mul3A_313, %add3A_314 : i32
      %add3A_316 = arith.addi %mul3A_2, %add3A_315 : i32
      %dma_wait3A_317 = arith.constant 3 : i32
      %dma_wait3A_318 = arith.constant 0 : i32
      %dma_wait3A_319 = arith.constant 0 : i32
      %dma_wait3A_320 = tpu.memref_slice %arg6[%dma_wait3A_317, %dma_wait3A_318, %dma_wait3A_319] : memref<4x200x128xf32, #tpu.memory_space<vmem>> -> memref<1x200x128xf32, #tpu.memory_space<vmem>>
      %dma_wait3A_321 = tpu.memref_squeeze %dma_wait3A_320 : memref<1x200x128xf32, #tpu.memory_space<vmem>> -> memref<200x128xf32, #tpu.memory_space<vmem>>
      %dma_wait3A_322 = arith.constant 0 : i32
      %dma_wait3A_323 = arith.constant 0 : i32
      %dma_wait3A_324 = tpu.memref_slice %arg2[%add3A_316, %dma_wait3A_322, %dma_wait3A_323] : memref<4096x200x128xf32, #tpu.memory_space<hbm>> -> memref<1x200x128xf32, #tpu.memory_space<hbm>>
      %dma_wait3A_325 = tpu.memref_squeeze %dma_wait3A_324 : memref<1x200x128xf32, #tpu.memory_space<hbm>> -> memref<200x128xf32, #tpu.memory_space<hbm>>
      %dma_wait3A_326 = arith.constant 0 : i32
      %dma_wait3A_327 = arith.constant 0 : i32
      %dma_wait3A_328 = tpu.memref_slice %arg6[%dma_wait3A_317, %dma_wait3A_326, %dma_wait3A_327] : memref<4x200x128xf32, #tpu.memory_space<vmem>> -> memref<1x200x128xf32, #tpu.memory_space<vmem>>
      %dma_wait3A_329 = tpu.memref_squeeze %dma_wait3A_328 : memref<1x200x128xf32, #tpu.memory_space<vmem>> -> memref<200x128xf32, #tpu.memory_space<vmem>>
      %dma_wait3A_330 = arith.constant 0 : i32
      %dma_wait3A_331 = arith.constant 0 : i32
      %dma_wait3A_332 = tpu.memref_slice %arg2[%add3A_316, %dma_wait3A_330, %dma_wait3A_331] : memref<4096x200x128xf32, #tpu.memory_space<hbm>> -> memref<1x200x128xf32, #tpu.memory_space<hbm>>
      %dma_wait3A_333 = tpu.memref_squeeze %dma_wait3A_332 : memref<1x200x128xf32, #tpu.memory_space<hbm>> -> memref<200x128xf32, #tpu.memory_space<hbm>>
      tpu.wait_dma2 semaphore(%arg7 : memref<!tpu.dma_semaphore, #tpu.memory_space<semaphore_mem>>) src(%dma_wait3A_333 : memref<200x128xf32, #tpu.memory_space<hbm>>) dst(%dma_wait3A_329 : memref<200x128xf32, #tpu.memory_space<vmem>>)
      %parallel_loop3A_334 = arith.constant 0 : i32
      %parallel_loop3A_335 = arith.constant 200 : i32
      %parallel_loop3A_336 = arith.constant 1 : i32
      %parallel_loop3A_337 = arith.constant 3 : i32
      scf.for %parallel_loop3A_385 = %parallel_loop3A_334 to %parallel_loop3A_335 step %parallel_loop3A_336  : i32 {
        %parallel_loop3A_386 = arith.constant 0 : i32
        %parallel_loop3A_387 = arith.constant 0 : i32
        %parallel_loop3A_388 = tpu.memref_slice %arg6[%parallel_loop3A_337, %parallel_loop3A_386, %parallel_loop3A_387] : memref<4x200x128xf32, #tpu.memory_space<vmem>> -> memref<1x200x128xf32, #tpu.memory_space<vmem>>
        %parallel_loop3A_389 = tpu.memref_squeeze %parallel_loop3A_388 : memref<1x200x128xf32, #tpu.memory_space<vmem>> -> memref<200x128xf32, #tpu.memory_space<vmem>>
        %parallel_loop3A_390 = arith.index_cast %parallel_loop3A_385 : i32 to index
        %parallel_loop3A_391 = arith.constant 0 : index
        %parallel_loop3A_392 = tpu.vector_load %parallel_loop3A_389[%parallel_loop3A_390, %parallel_loop3A_391] {strides = array<i32>} : memref<200x128xf32, #tpu.memory_space<vmem>>, vector<16xf32>,
        %parallel_loop3A_393 = arith.constant 0 : i32
        %parallel_loop3A_394 = arith.constant 0 : i32
        %parallel_loop3A_395 = tpu.memref_slice %arg6[%parallel_loop3A_337, %parallel_loop3A_393, %parallel_loop3A_394] : memref<4x200x128xf32, #tpu.memory_space<vmem>> -> memref<1x200x128xf32, #tpu.memory_space<vmem>>
        %parallel_loop3A_396 = tpu.memref_squeeze %parallel_loop3A_395 : memref<1x200x128xf32, #tpu.memory_space<vmem>> -> memref<200x128xf32, #tpu.memory_space<vmem>>
        %parallel_loop3A_397 = arith.index_cast %parallel_loop3A_385 : i32 to index
        %parallel_loop3A_398 = arith.constant 16 : index
        %parallel_loop3A_399 = tpu.vector_load %parallel_loop3A_396[%parallel_loop3A_397, %parallel_loop3A_398] {strides = array<i32>} : memref<200x128xf32, #tpu.memory_space<vmem>>, vector<16xf32>,
        %parallel_loop3A_400 = arith.constant 0 : i32
        %parallel_loop3A_401 = arith.constant 0 : i32
        %parallel_loop3A_402 = tpu.memref_slice %arg6[%parallel_loop3A_337, %parallel_loop3A_400, %parallel_loop3A_401] : memref<4x200x128xf32, #tpu.memory_space<vmem>> -> memref<1x200x128xf32, #tpu.memory_space<vmem>>
        %parallel_loop3A_403 = tpu.memref_squeeze %parallel_loop3A_402 : memref<1x200x128xf32, #tpu.memory_space<vmem>> -> memref<200x128xf32, #tpu.memory_space<vmem>>
        %parallel_loop3A_404 = arith.index_cast %parallel_loop3A_385 : i32 to index
        %parallel_loop3A_405 = arith.constant 32 : index
        %parallel_loop3A_406 = tpu.vector_load %parallel_loop3A_403[%parallel_loop3A_404, %parallel_loop3A_405] {strides = array<i32>} : memref<200x128xf32, #tpu.memory_space<vmem>>, vector<16xf32>,
        %parallel_loop3A_407 = arith.constant 0 : i32
        %parallel_loop3A_408 = arith.constant 0 : i32
        %parallel_loop3A_409 = tpu.memref_slice %arg6[%parallel_loop3A_337, %parallel_loop3A_407, %parallel_loop3A_408] : memref<4x200x128xf32, #tpu.memory_space<vmem>> -> memref<1x200x128xf32, #tpu.memory_space<vmem>>
        %parallel_loop3A_410 = tpu.memref_squeeze %parallel_loop3A_409 : memref<1x200x128xf32, #tpu.memory_space<vmem>> -> memref<200x128xf32, #tpu.memory_space<vmem>>
        %parallel_loop3A_411 = arith.index_cast %parallel_loop3A_385 : i32 to index
        %parallel_loop3A_412 = arith.constant 48 : index
        %parallel_loop3A_413 = tpu.vector_load %parallel_loop3A_410[%parallel_loop3A_411, %parallel_loop3A_412] {strides = array<i32>} : memref<200x128xf32, #tpu.memory_space<vmem>>, vector<16xf32>,
        %parallel_loop3A_414 = arith.constant 0 : i32
        %parallel_loop3A_415 = arith.constant 0 : i32
        %parallel_loop3A_416 = tpu.memref_slice %arg6[%parallel_loop3A_337, %parallel_loop3A_414, %parallel_loop3A_415] : memref<4x200x128xf32, #tpu.memory_space<vmem>> -> memref<1x200x128xf32, #tpu.memory_space<vmem>>
        %parallel_loop3A_417 = tpu.memref_squeeze %parallel_loop3A_416 : memref<1x200x128xf32, #tpu.memory_space<vmem>> -> memref<200x128xf32, #tpu.memory_space<vmem>>
        %parallel_loop3A_418 = arith.index_cast %parallel_loop3A_385 : i32 to index
        %parallel_loop3A_419 = arith.constant 64 : index
        %parallel_loop3A_420 = tpu.vector_load %parallel_loop3A_417[%parallel_loop3A_418, %parallel_loop3A_419] {strides = array<i32>} : memref<200x128xf32, #tpu.memory_space<vmem>>, vector<16xf32>,
        %parallel_loop3A_421 = arith.constant 0 : i32
        %parallel_loop3A_422 = arith.constant 0 : i32
        %parallel_loop3A_423 = tpu.memref_slice %arg6[%parallel_loop3A_337, %parallel_loop3A_421, %parallel_loop3A_422] : memref<4x200x128xf32, #tpu.memory_space<vmem>> -> memref<1x200x128xf32, #tpu.memory_space<vmem>>
        %parallel_loop3A_424 = tpu.memref_squeeze %parallel_loop3A_423 : memref<1x200x128xf32, #tpu.memory_space<vmem>> -> memref<200x128xf32, #tpu.memory_space<vmem>>
        %parallel_loop3A_425 = arith.index_cast %parallel_loop3A_385 : i32 to index
        %parallel_loop3A_426 = arith.constant 80 : index
        %parallel_loop3A_427 = tpu.vector_load %parallel_loop3A_424[%parallel_loop3A_425, %parallel_loop3A_426] {strides = array<i32>} : memref<200x128xf32, #tpu.memory_space<vmem>>, vector<16xf32>,
        %parallel_loop3A_428 = arith.constant 0 : i32
        %parallel_loop3A_429 = arith.constant 0 : i32
        %parallel_loop3A_430 = tpu.memref_slice %arg6[%parallel_loop3A_337, %parallel_loop3A_428, %parallel_loop3A_429] : memref<4x200x128xf32, #tpu.memory_space<vmem>> -> memref<1x200x128xf32, #tpu.memory_space<vmem>>
        %parallel_loop3A_431 = tpu.memref_squeeze %parallel_loop3A_430 : memref<1x200x128xf32, #tpu.memory_space<vmem>> -> memref<200x128xf32, #tpu.memory_space<vmem>>
        %parallel_loop3A_432 = arith.index_cast %parallel_loop3A_385 : i32 to index
        %parallel_loop3A_433 = arith.constant 96 : index
        %parallel_loop3A_434 = tpu.vector_load %parallel_loop3A_431[%parallel_loop3A_432, %parallel_loop3A_433] {strides = array<i32>} : memref<200x128xf32, #tpu.memory_space<vmem>>, vector<16xf32>,
        %parallel_loop3A_435 = arith.constant 0 : i32
        %parallel_loop3A_436 = arith.constant 0 : i32
        %parallel_loop3A_437 = tpu.memref_slice %arg6[%parallel_loop3A_337, %parallel_loop3A_435, %parallel_loop3A_436] : memref<4x200x128xf32, #tpu.memory_space<vmem>> -> memref<1x200x128xf32, #tpu.memory_space<vmem>>
        %parallel_loop3A_438 = tpu.memref_squeeze %parallel_loop3A_437 : memref<1x200x128xf32, #tpu.memory_space<vmem>> -> memref<200x128xf32, #tpu.memory_space<vmem>>
        %parallel_loop3A_439 = arith.index_cast %parallel_loop3A_385 : i32 to index
        %parallel_loop3A_440 = arith.constant 112 : index
        %parallel_loop3A_441 = tpu.vector_load %parallel_loop3A_438[%parallel_loop3A_439, %parallel_loop3A_440] {strides = array<i32>} : memref<200x128xf32, #tpu.memory_space<vmem>>, vector<16xf32>,
        %parallel_loop3A_442 = arith.constant 0.000000e+00 : f32
        %parallel_loop3A_443 = vector.broadcast %parallel_loop3A_442 : f32 to vector<16xf32>
        %parallel_loop3A_444 = arith.cmpf one, %parallel_loop3A_392, %parallel_loop3A_443 : vector<16xf32>
        %parallel_loop3A_445 = arith.constant 0.000000e+00 : f32
        %parallel_loop3A_446 = vector.broadcast %parallel_loop3A_445 : f32 to vector<16xf32>
        %parallel_loop3A_447 = arith.cmpf one, %parallel_loop3A_399, %parallel_loop3A_446 : vector<16xf32>
        %parallel_loop3A_448 = arith.ori %parallel_loop3A_444, %parallel_loop3A_447 : vector<16xi1>
        %parallel_loop3A_449 = arith.constant 0.000000e+00 : f32
        %parallel_loop3A_450 = vector.broadcast %parallel_loop3A_449 : f32 to vector<16xf32>
        %parallel_loop3A_451 = arith.cmpf one, %parallel_loop3A_406, %parallel_loop3A_450 : vector<16xf32>
        %parallel_loop3A_452 = arith.ori %parallel_loop3A_448, %parallel_loop3A_451 : vector<16xi1>
        %parallel_loop3A_453 = arith.constant 0.000000e+00 : f32
        %parallel_loop3A_454 = vector.broadcast %parallel_loop3A_453 : f32 to vector<16xf32>
        %parallel_loop3A_455 = arith.cmpf one, %parallel_loop3A_413, %parallel_loop3A_454 : vector<16xf32>
        %parallel_loop3A_456 = arith.ori %parallel_loop3A_452, %parallel_loop3A_455 : vector<16xi1>
        %parallel_loop3A_457 = arith.constant 0.000000e+00 : f32
        %parallel_loop3A_458 = vector.broadcast %parallel_loop3A_457 : f32 to vector<16xf32>
        %parallel_loop3A_459 = arith.cmpf one, %parallel_loop3A_420, %parallel_loop3A_458 : vector<16xf32>
        %parallel_loop3A_460 = arith.ori %parallel_loop3A_456, %parallel_loop3A_459 : vector<16xi1>
        %parallel_loop3A_461 = arith.constant 0.000000e+00 : f32
        %parallel_loop3A_462 = vector.broadcast %parallel_loop3A_461 : f32 to vector<16xf32>
        %parallel_loop3A_463 = arith.cmpf one, %parallel_loop3A_427, %parallel_loop3A_462 : vector<16xf32>
        %parallel_loop3A_464 = arith.ori %parallel_loop3A_460, %parallel_loop3A_463 : vector<16xi1>
        %parallel_loop3A_465 = arith.constant 0.000000e+00 : f32
        %parallel_loop3A_466 = vector.broadcast %parallel_loop3A_465 : f32 to vector<16xf32>
        %parallel_loop3A_467 = arith.cmpf one, %parallel_loop3A_434, %parallel_loop3A_466 : vector<16xf32>
        %parallel_loop3A_468 = arith.ori %parallel_loop3A_464, %parallel_loop3A_467 : vector<16xi1>
        %parallel_loop3A_469 = arith.constant 0.000000e+00 : f32
        %parallel_loop3A_470 = vector.broadcast %parallel_loop3A_469 : f32 to vector<16xf32>
        %parallel_loop3A_471 = arith.cmpf one, %parallel_loop3A_441, %parallel_loop3A_470 : vector<16xf32>
        %parallel_loop3A_472 = arith.ori %parallel_loop3A_468, %parallel_loop3A_471 : vector<16xi1>
        %parallel_loop3A_473 = tpu.all_reduce %parallel_loop3A_472 {dim = 0 : i64, kind = #tpu.reduction_kind<sum>} : vector<16xi1> -> vector<16xi32>
        %parallel_loop3A_474 = arith.constant 0 : i32
        %parallel_loop3A_475 = vector.broadcast %parallel_loop3A_474 : i32 to vector<16xi32>
        %parallel_loop3A_476 = arith.cmpi sgt, %parallel_loop3A_473, %parallel_loop3A_475 : vector<16xi32>
        %parallel_loop3A_477 = arith.constant 1 : i32
        %parallel_loop3A_478 = arith.addi %parallel_loop3A_385, %parallel_loop3A_477 : i32
        %parallel_loop3A_479 = arith.index_cast %parallel_loop3A_478 : i32 to index
        %parallel_loop3A_480 = arith.constant 0 : index
        %parallel_loop3A_481 = tpu.vector_load %arg5[%parallel_loop3A_479, %parallel_loop3A_480] {strides = array<i32>} : memref<201x128xf32, #tpu.memory_space<vmem>>, vector<16xf32>,
        %parallel_loop3A_482 = arith.select %parallel_loop3A_476, %parallel_loop3A_481, %get3A_5 : vector<16xi1>, vector<16xf32>
        %parallel_loop3A_483 = arith.addf %parallel_loop3A_392, %parallel_loop3A_482 : vector<16xf32>
        %parallel_loop3A_484 = arith.constant 0 : i32
        %parallel_loop3A_485 = arith.constant 0 : i32
        %parallel_loop3A_486 = tpu.memref_slice %arg6[%parallel_loop3A_337, %parallel_loop3A_484, %parallel_loop3A_485] : memref<4x200x128xf32, #tpu.memory_space<vmem>> -> memref<1x200x128xf32, #tpu.memory_space<vmem>>
        %parallel_loop3A_487 = tpu.memref_squeeze %parallel_loop3A_486 : memref<1x200x128xf32, #tpu.memory_space<vmem>> -> memref<200x128xf32, #tpu.memory_space<vmem>>
        %parallel_loop3A_488 = arith.index_cast %parallel_loop3A_385 : i32 to index
        %parallel_loop3A_489 = arith.constant 0 : index
        %parallel_loop3A_490 = tpu.vector_load %parallel_loop3A_487[%parallel_loop3A_488, %parallel_loop3A_489] {strides = array<i32>} : memref<200x128xf32, #tpu.memory_space<vmem>>, vector<16xf32>,
        tpu.vector_store %parallel_loop3A_487[%parallel_loop3A_488, %parallel_loop3A_489], %parallel_loop3A_483 {strides = array<i32>} : memref<200x128xf32, #tpu.memory_space<vmem>>, vector<16xf32>,
        %parallel_loop3A_491 = arith.constant 1 : i32
        %parallel_loop3A_492 = arith.addi %parallel_loop3A_385, %parallel_loop3A_491 : i32
        %parallel_loop3A_493 = arith.index_cast %parallel_loop3A_492 : i32 to index
        %parallel_loop3A_494 = arith.constant 16 : index
        %parallel_loop3A_495 = tpu.vector_load %arg5[%parallel_loop3A_493, %parallel_loop3A_494] {strides = array<i32>} : memref<201x128xf32, #tpu.memory_space<vmem>>, vector<16xf32>,
        %parallel_loop3A_496 = arith.select %parallel_loop3A_476, %parallel_loop3A_495, %get3A_9 : vector<16xi1>, vector<16xf32>
        %parallel_loop3A_497 = arith.addf %parallel_loop3A_399, %parallel_loop3A_496 : vector<16xf32>
        %parallel_loop3A_498 = arith.constant 0 : i32
        %parallel_loop3A_499 = arith.constant 0 : i32
        %parallel_loop3A_500 = tpu.memref_slice %arg6[%parallel_loop3A_337, %parallel_loop3A_498, %parallel_loop3A_499] : memref<4x200x128xf32, #tpu.memory_space<vmem>> -> memref<1x200x128xf32, #tpu.memory_space<vmem>>
        %parallel_loop3A_501 = tpu.memref_squeeze %parallel_loop3A_500 : memref<1x200x128xf32, #tpu.memory_space<vmem>> -> memref<200x128xf32, #tpu.memory_space<vmem>>
        %parallel_loop3A_502 = arith.index_cast %parallel_loop3A_385 : i32 to index
        %parallel_loop3A_503 = arith.constant 16 : index
        %parallel_loop3A_504 = tpu.vector_load %parallel_loop3A_501[%parallel_loop3A_502, %parallel_loop3A_503] {strides = array<i32>} : memref<200x128xf32, #tpu.memory_space<vmem>>, vector<16xf32>,
        tpu.vector_store %parallel_loop3A_501[%parallel_loop3A_502, %parallel_loop3A_503], %parallel_loop3A_497 {strides = array<i32>} : memref<200x128xf32, #tpu.memory_space<vmem>>, vector<16xf32>,
        %parallel_loop3A_505 = arith.constant 1 : i32
        %parallel_loop3A_506 = arith.addi %parallel_loop3A_385, %parallel_loop3A_505 : i32
        %parallel_loop3A_507 = arith.index_cast %parallel_loop3A_506 : i32 to index
        %parallel_loop3A_508 = arith.constant 32 : index
        %parallel_loop3A_509 = tpu.vector_load %arg5[%parallel_loop3A_507, %parallel_loop3A_508] {strides = array<i32>} : memref<201x128xf32, #tpu.memory_space<vmem>>, vector<16xf32>,
        %parallel_loop3A_510 = arith.select %parallel_loop3A_476, %parallel_loop3A_509, %get3A_13 : vector<16xi1>, vector<16xf32>
        %parallel_loop3A_511 = arith.addf %parallel_loop3A_406, %parallel_loop3A_510 : vector<16xf32>
        %parallel_loop3A_512 = arith.constant 0 : i32
        %parallel_loop3A_513 = arith.constant 0 : i32
        %parallel_loop3A_514 = tpu.memref_slice %arg6[%parallel_loop3A_337, %parallel_loop3A_512, %parallel_loop3A_513] : memref<4x200x128xf32, #tpu.memory_space<vmem>> -> memref<1x200x128xf32, #tpu.memory_space<vmem>>
        %parallel_loop3A_515 = tpu.memref_squeeze %parallel_loop3A_514 : memref<1x200x128xf32, #tpu.memory_space<vmem>> -> memref<200x128xf32, #tpu.memory_space<vmem>>
        %parallel_loop3A_516 = arith.index_cast %parallel_loop3A_385 : i32 to index
        %parallel_loop3A_517 = arith.constant 32 : index
        %parallel_loop3A_518 = tpu.vector_load %parallel_loop3A_515[%parallel_loop3A_516, %parallel_loop3A_517] {strides = array<i32>} : memref<200x128xf32, #tpu.memory_space<vmem>>, vector<16xf32>,
        tpu.vector_store %parallel_loop3A_515[%parallel_loop3A_516, %parallel_loop3A_517], %parallel_loop3A_511 {strides = array<i32>} : memref<200x128xf32, #tpu.memory_space<vmem>>, vector<16xf32>,
        %parallel_loop3A_519 = arith.constant 1 : i32
        %parallel_loop3A_520 = arith.addi %parallel_loop3A_385, %parallel_loop3A_519 : i32
        %parallel_loop3A_521 = arith.index_cast %parallel_loop3A_520 : i32 to index
        %parallel_loop3A_522 = arith.constant 48 : index
        %parallel_loop3A_523 = tpu.vector_load %arg5[%parallel_loop3A_521, %parallel_loop3A_522] {strides = array<i32>} : memref<201x128xf32, #tpu.memory_space<vmem>>, vector<16xf32>,
        %parallel_loop3A_524 = arith.select %parallel_loop3A_476, %parallel_loop3A_523, %get3A_17 : vector<16xi1>, vector<16xf32>
        %parallel_loop3A_525 = arith.addf %parallel_loop3A_413, %parallel_loop3A_524 : vector<16xf32>
        %parallel_loop3A_526 = arith.constant 0 : i32
        %parallel_loop3A_527 = arith.constant 0 : i32
        %parallel_loop3A_528 = tpu.memref_slice %arg6[%parallel_loop3A_337, %parallel_loop3A_526, %parallel_loop3A_527] : memref<4x200x128xf32, #tpu.memory_space<vmem>> -> memref<1x200x128xf32, #tpu.memory_space<vmem>>
        %parallel_loop3A_529 = tpu.memref_squeeze %parallel_loop3A_528 : memref<1x200x128xf32, #tpu.memory_space<vmem>> -> memref<200x128xf32, #tpu.memory_space<vmem>>
        %parallel_loop3A_530 = arith.index_cast %parallel_loop3A_385 : i32 to index
        %parallel_loop3A_531 = arith.constant 48 : index
        %parallel_loop3A_532 = tpu.vector_load %parallel_loop3A_529[%parallel_loop3A_530, %parallel_loop3A_531] {strides = array<i32>} : memref<200x128xf32, #tpu.memory_space<vmem>>, vector<16xf32>,
        tpu.vector_store %parallel_loop3A_529[%parallel_loop3A_530, %parallel_loop3A_531], %parallel_loop3A_525 {strides = array<i32>} : memref<200x128xf32, #tpu.memory_space<vmem>>, vector<16xf32>,
        %parallel_loop3A_533 = arith.constant 1 : i32
        %parallel_loop3A_534 = arith.addi %parallel_loop3A_385, %parallel_loop3A_533 : i32
        %parallel_loop3A_535 = arith.index_cast %parallel_loop3A_534 : i32 to index
        %parallel_loop3A_536 = arith.constant 64 : index
        %parallel_loop3A_537 = tpu.vector_load %arg5[%parallel_loop3A_535, %parallel_loop3A_536] {strides = array<i32>} : memref<201x128xf32, #tpu.memory_space<vmem>>, vector<16xf32>,
        %parallel_loop3A_538 = arith.select %parallel_loop3A_476, %parallel_loop3A_537, %get3A_21 : vector<16xi1>, vector<16xf32>
        %parallel_loop3A_539 = arith.addf %parallel_loop3A_420, %parallel_loop3A_538 : vector<16xf32>
        %parallel_loop3A_540 = arith.constant 0 : i32
        %parallel_loop3A_541 = arith.constant 0 : i32
        %parallel_loop3A_542 = tpu.memref_slice %arg6[%parallel_loop3A_337, %parallel_loop3A_540, %parallel_loop3A_541] : memref<4x200x128xf32, #tpu.memory_space<vmem>> -> memref<1x200x128xf32, #tpu.memory_space<vmem>>
        %parallel_loop3A_543 = tpu.memref_squeeze %parallel_loop3A_542 : memref<1x200x128xf32, #tpu.memory_space<vmem>> -> memref<200x128xf32, #tpu.memory_space<vmem>>
        %parallel_loop3A_544 = arith.index_cast %parallel_loop3A_385 : i32 to index
        %parallel_loop3A_545 = arith.constant 64 : index
        %parallel_loop3A_546 = tpu.vector_load %parallel_loop3A_543[%parallel_loop3A_544, %parallel_loop3A_545] {strides = array<i32>} : memref<200x128xf32, #tpu.memory_space<vmem>>, vector<16xf32>,
        tpu.vector_store %parallel_loop3A_543[%parallel_loop3A_544, %parallel_loop3A_545], %parallel_loop3A_539 {strides = array<i32>} : memref<200x128xf32, #tpu.memory_space<vmem>>, vector<16xf32>,
        %parallel_loop3A_547 = arith.constant 1 : i32
        %parallel_loop3A_548 = arith.addi %parallel_loop3A_385, %parallel_loop3A_547 : i32
        %parallel_loop3A_549 = arith.index_cast %parallel_loop3A_548 : i32 to index
        %parallel_loop3A_550 = arith.constant 80 : index
        %parallel_loop3A_551 = tpu.vector_load %arg5[%parallel_loop3A_549, %parallel_loop3A_550] {strides = array<i32>} : memref<201x128xf32, #tpu.memory_space<vmem>>, vector<16xf32>,
        %parallel_loop3A_552 = arith.select %parallel_loop3A_476, %parallel_loop3A_551, %get3A_25 : vector<16xi1>, vector<16xf32>
        %parallel_loop3A_553 = arith.addf %parallel_loop3A_427, %parallel_loop3A_552 : vector<16xf32>
        %parallel_loop3A_554 = arith.constant 0 : i32
        %parallel_loop3A_555 = arith.constant 0 : i32
        %parallel_loop3A_556 = tpu.memref_slice %arg6[%parallel_loop3A_337, %parallel_loop3A_554, %parallel_loop3A_555] : memref<4x200x128xf32, #tpu.memory_space<vmem>> -> memref<1x200x128xf32, #tpu.memory_space<vmem>>
        %parallel_loop3A_557 = tpu.memref_squeeze %parallel_loop3A_556 : memref<1x200x128xf32, #tpu.memory_space<vmem>> -> memref<200x128xf32, #tpu.memory_space<vmem>>
        %parallel_loop3A_558 = arith.index_cast %parallel_loop3A_385 : i32 to index
        %parallel_loop3A_559 = arith.constant 80 : index
        %parallel_loop3A_560 = tpu.vector_load %parallel_loop3A_557[%parallel_loop3A_558, %parallel_loop3A_559] {strides = array<i32>} : memref<200x128xf32, #tpu.memory_space<vmem>>, vector<16xf32>,
        tpu.vector_store %parallel_loop3A_557[%parallel_loop3A_558, %parallel_loop3A_559], %parallel_loop3A_553 {strides = array<i32>} : memref<200x128xf32, #tpu.memory_space<vmem>>, vector<16xf32>,
        %parallel_loop3A_561 = arith.constant 1 : i32
        %parallel_loop3A_562 = arith.addi %parallel_loop3A_385, %parallel_loop3A_561 : i32
        %parallel_loop3A_563 = arith.index_cast %parallel_loop3A_562 : i32 to index
        %parallel_loop3A_564 = arith.constant 96 : index
        %parallel_loop3A_565 = tpu.vector_load %arg5[%parallel_loop3A_563, %parallel_loop3A_564] {strides = array<i32>} : memref<201x128xf32, #tpu.memory_space<vmem>>, vector<16xf32>,
        %parallel_loop3A_566 = arith.select %parallel_loop3A_476, %parallel_loop3A_565, %get3A_29 : vector<16xi1>, vector<16xf32>
        %parallel_loop3A_567 = arith.addf %parallel_loop3A_434, %parallel_loop3A_566 : vector<16xf32>
        %parallel_loop3A_568 = arith.constant 0 : i32
        %parallel_loop3A_569 = arith.constant 0 : i32
        %parallel_loop3A_570 = tpu.memref_slice %arg6[%parallel_loop3A_337, %parallel_loop3A_568, %parallel_loop3A_569] : memref<4x200x128xf32, #tpu.memory_space<vmem>> -> memref<1x200x128xf32, #tpu.memory_space<vmem>>
        %parallel_loop3A_571 = tpu.memref_squeeze %parallel_loop3A_570 : memref<1x200x128xf32, #tpu.memory_space<vmem>> -> memref<200x128xf32, #tpu.memory_space<vmem>>
        %parallel_loop3A_572 = arith.index_cast %parallel_loop3A_385 : i32 to index
        %parallel_loop3A_573 = arith.constant 96 : index
        %parallel_loop3A_574 = tpu.vector_load %parallel_loop3A_571[%parallel_loop3A_572, %parallel_loop3A_573] {strides = array<i32>} : memref<200x128xf32, #tpu.memory_space<vmem>>, vector<16xf32>,
        tpu.vector_store %parallel_loop3A_571[%parallel_loop3A_572, %parallel_loop3A_573], %parallel_loop3A_567 {strides = array<i32>} : memref<200x128xf32, #tpu.memory_space<vmem>>, vector<16xf32>,
        %parallel_loop3A_575 = arith.constant 1 : i32
        %parallel_loop3A_576 = arith.addi %parallel_loop3A_385, %parallel_loop3A_575 : i32
        %parallel_loop3A_577 = arith.index_cast %parallel_loop3A_576 : i32 to index
        %parallel_loop3A_578 = arith.constant 112 : index
        %parallel_loop3A_579 = tpu.vector_load %arg5[%parallel_loop3A_577, %parallel_loop3A_578] {strides = array<i32>} : memref<201x128xf32, #tpu.memory_space<vmem>>, vector<16xf32>,
        %parallel_loop3A_580 = arith.select %parallel_loop3A_476, %parallel_loop3A_579, %get3A_33 : vector<16xi1>, vector<16xf32>
        %parallel_loop3A_581 = arith.addf %parallel_loop3A_441, %parallel_loop3A_580 : vector<16xf32>
        %parallel_loop3A_582 = arith.constant 0 : i32
        %parallel_loop3A_583 = arith.constant 0 : i32
        %parallel_loop3A_584 = tpu.memref_slice %arg6[%parallel_loop3A_337, %parallel_loop3A_582, %parallel_loop3A_583] : memref<4x200x128xf32, #tpu.memory_space<vmem>> -> memref<1x200x128xf32, #tpu.memory_space<vmem>>
        %parallel_loop3A_585 = tpu.memref_squeeze %parallel_loop3A_584 : memref<1x200x128xf32, #tpu.memory_space<vmem>> -> memref<200x128xf32, #tpu.memory_space<vmem>>
        %parallel_loop3A_586 = arith.index_cast %parallel_loop3A_385 : i32 to index
        %parallel_loop3A_587 = arith.constant 112 : index
        %parallel_loop3A_588 = tpu.vector_load %parallel_loop3A_585[%parallel_loop3A_586, %parallel_loop3A_587] {strides = array<i32>} : memref<200x128xf32, #tpu.memory_space<vmem>>, vector<16xf32>,
        tpu.vector_store %parallel_loop3A_585[%parallel_loop3A_586, %parallel_loop3A_587], %parallel_loop3A_581 {strides = array<i32>} : memref<200x128xf32, #tpu.memory_space<vmem>>, vector<16xf32>,
      } {sc.loop_unroll_factor = 2 : i64, sc.parallel_access}
      %add3A_338 = arith.addi %mul3A_2, %add3A_315 : i32
      %dma_start3A_339 = arith.constant 3 : i32
      %dma_start3A_340 = arith.constant 0 : i32
      %dma_start3A_341 = arith.constant 0 : i32
      %dma_start3A_342 = tpu.memref_slice %arg6[%dma_start3A_339, %dma_start3A_340, %dma_start3A_341] : memref<4x200x128xf32, #tpu.memory_space<vmem>> -> memref<1x200x128xf32, #tpu.memory_space<vmem>>
      %dma_start3A_343 = tpu.memref_squeeze %dma_start3A_342 : memref<1x200x128xf32, #tpu.memory_space<vmem>> -> memref<200x128xf32, #tpu.memory_space<vmem>>
      %dma_start3A_344 = arith.constant 0 : i32
      %dma_start3A_345 = arith.constant 0 : i32
      %dma_start3A_346 = tpu.memref_slice %arg4[%add3A_338, %dma_start3A_344, %dma_start3A_345] : memref<4096x200x128xf32, #tpu.memory_space<hbm>> -> memref<1x200x128xf32, #tpu.memory_space<hbm>>
      %dma_start3A_347 = tpu.memref_squeeze %dma_start3A_346 : memref<1x200x128xf32, #tpu.memory_space<hbm>> -> memref<200x128xf32, #tpu.memory_space<hbm>>
      %dma_start3A_348 = arith.constant 0 : i32
      %dma_start3A_349 = arith.constant 0 : i32
      %dma_start3A_350 = tpu.memref_slice %arg4[%add3A_338, %dma_start3A_348, %dma_start3A_349] : memref<4096x200x128xf32, #tpu.memory_space<hbm>> -> memref<1x200x128xf32, #tpu.memory_space<hbm>>
      %dma_start3A_351 = tpu.memref_squeeze %dma_start3A_350 : memref<1x200x128xf32, #tpu.memory_space<hbm>> -> memref<200x128xf32, #tpu.memory_space<hbm>>
      %dma_start3A_352 = arith.constant 0 : i32
      %dma_start3A_353 = arith.constant 0 : i32
      %dma_start3A_354 = tpu.memref_slice %arg6[%dma_start3A_339, %dma_start3A_352, %dma_start3A_353] : memref<4x200x128xf32, #tpu.memory_space<vmem>> -> memref<1x200x128xf32, #tpu.memory_space<vmem>>
      %dma_start3A_355 = tpu.memref_squeeze %dma_start3A_354 : memref<1x200x128xf32, #tpu.memory_space<vmem>> -> memref<200x128xf32, #tpu.memory_space<vmem>>
      tpu.enqueue_dma source(%dma_start3A_355 : memref<200x128xf32, #tpu.memory_space<vmem>>) target(%dma_start3A_351 : memref<200x128xf32, #tpu.memory_space<hbm>>) target_semaphore(%arg8 : memref<!tpu.dma_semaphore, #tpu.memory_space<semaphore_mem>>)
      %sub3A_356 = arith.constant 1 : i32
      %sub3A_357 = arith.subi %add3A_315, %sub3A_356 : i32
      %add3A_358 = arith.addi %mul3A_2, %sub3A_357 : i32
      %dma_wait3A_359 = arith.constant 2 : i32
      %dma_wait3A_360 = arith.constant 0 : i32
      %dma_wait3A_361 = arith.constant 0 : i32
      %dma_wait3A_362 = tpu.memref_slice %arg6[%dma_wait3A_359, %dma_wait3A_360, %dma_wait3A_361] : memref<4x200x128xf32, #tpu.memory_space<vmem>> -> memref<1x200x128xf32, #tpu.memory_space<vmem>>
      %dma_wait3A_363 = tpu.memref_squeeze %dma_wait3A_362 : memref<1x200x128xf32, #tpu.memory_space<vmem>> -> memref<200x128xf32, #tpu.memory_space<vmem>>
      %dma_wait3A_364 = arith.constant 0 : i32
      %dma_wait3A_365 = arith.constant 0 : i32
      %dma_wait3A_366 = tpu.memref_slice %arg4[%add3A_358, %dma_wait3A_364, %dma_wait3A_365] : memref<4096x200x128xf32, #tpu.memory_space<hbm>> -> memref<1x200x128xf32, #tpu.memory_space<hbm>>
      %dma_wait3A_367 = tpu.memref_squeeze %dma_wait3A_366 : memref<1x200x128xf32, #tpu.memory_space<hbm>> -> memref<200x128xf32, #tpu.memory_space<hbm>>
      %dma_wait3A_368 = arith.constant 0 : i32
      %dma_wait3A_369 = arith.constant 0 : i32
      %dma_wait3A_370 = tpu.memref_slice %arg4[%add3A_358, %dma_wait3A_368, %dma_wait3A_369] : memref<4096x200x128xf32, #tpu.memory_space<hbm>> -> memref<1x200x128xf32, #tpu.memory_space<hbm>>
      %dma_wait3A_371 = tpu.memref_squeeze %dma_wait3A_370 : memref<1x200x128xf32, #tpu.memory_space<hbm>> -> memref<200x128xf32, #tpu.memory_space<hbm>>
      %dma_wait3A_372 = arith.constant 0 : i32
      %dma_wait3A_373 = arith.constant 0 : i32
      %dma_wait3A_374 = tpu.memref_slice %arg6[%dma_wait3A_359, %dma_wait3A_372, %dma_wait3A_373] : memref<4x200x128xf32, #tpu.memory_space<vmem>> -> memref<1x200x128xf32, #tpu.memory_space<vmem>>
      %dma_wait3A_375 = tpu.memref_squeeze %dma_wait3A_374 : memref<1x200x128xf32, #tpu.memory_space<vmem>> -> memref<200x128xf32, #tpu.memory_space<vmem>>
      tpu.wait_dma2 semaphore(%arg8 : memref<!tpu.dma_semaphore, #tpu.memory_space<semaphore_mem>>) src(%dma_wait3A_375 : memref<200x128xf32, #tpu.memory_space<vmem>>) dst(%dma_wait3A_371 : memref<200x128xf32, #tpu.memory_space<hbm>>)
      %add3A_376 = arith.constant 4 : i32
      %add3A_377 = arith.addi %add3A_315, %add3A_376 : i32
      %sub3A_378 = arith.constant 1 : i32
      %sub3A_379 = arith.subi %add3A_377, %sub3A_378 : i32
      %lt3A_380 = arith.constant 128 : i32
      %lt3A_381 = arith.cmpi slt, %sub3A_379, %lt3A_380 : i32
      %convert_element_type3A_382 = arith.extui %lt3A_381 : i1 to i32
      %cond3A_383 = arith.constant 0 : i32
      %cond3A_384 = arith.cmpi ne, %convert_element_type3A_382, %cond3A_383 : i32
      scf.if %cond3A_384 {
        %add3A_385 = arith.constant 4 : i32
        %add3A_386 = arith.addi %add3A_315, %add3A_385 : i32
        %sub3A_387 = arith.constant 1 : i32
        %sub3A_388 = arith.subi %add3A_386, %sub3A_387 : i32
        %add3A_389 = arith.addi %mul3A_2, %sub3A_388 : i32
        %dma_start3A_390 = arith.constant 2 : i32
        %dma_start3A_391 = arith.constant 0 : i32
        %dma_start3A_392 = arith.constant 0 : i32
        %dma_start3A_393 = tpu.memref_slice %arg6[%dma_start3A_390, %dma_start3A_391, %dma_start3A_392] : memref<4x200x128xf32, #tpu.memory_space<vmem>> -> memref<1x200x128xf32, #tpu.memory_space<vmem>>
        %dma_start3A_394 = tpu.memref_squeeze %dma_start3A_393 : memref<1x200x128xf32, #tpu.memory_space<vmem>> -> memref<200x128xf32, #tpu.memory_space<vmem>>
        %dma_start3A_395 = arith.constant 0 : i32
        %dma_start3A_396 = arith.constant 0 : i32
        %dma_start3A_397 = tpu.memref_slice %arg2[%add3A_389, %dma_start3A_395, %dma_start3A_396] : memref<4096x200x128xf32, #tpu.memory_space<hbm>> -> memref<1x200x128xf32, #tpu.memory_space<hbm>>
        %dma_start3A_398 = tpu.memref_squeeze %dma_start3A_397 : memref<1x200x128xf32, #tpu.memory_space<hbm>> -> memref<200x128xf32, #tpu.memory_space<hbm>>
        %dma_start3A_399 = arith.constant 0 : i32
        %dma_start3A_400 = arith.constant 0 : i32
        %dma_start3A_401 = tpu.memref_slice %arg6[%dma_start3A_390, %dma_start3A_399, %dma_start3A_400] : memref<4x200x128xf32, #tpu.memory_space<vmem>> -> memref<1x200x128xf32, #tpu.memory_space<vmem>>
        %dma_start3A_402 = tpu.memref_squeeze %dma_start3A_401 : memref<1x200x128xf32, #tpu.memory_space<vmem>> -> memref<200x128xf32, #tpu.memory_space<vmem>>
        %dma_start3A_403 = arith.constant 0 : i32
        %dma_start3A_404 = arith.constant 0 : i32
        %dma_start3A_405 = tpu.memref_slice %arg2[%add3A_389, %dma_start3A_403, %dma_start3A_404] : memref<4096x200x128xf32, #tpu.memory_space<hbm>> -> memref<1x200x128xf32, #tpu.memory_space<hbm>>
        %dma_start3A_406 = tpu.memref_squeeze %dma_start3A_405 : memref<1x200x128xf32, #tpu.memory_space<hbm>> -> memref<200x128xf32, #tpu.memory_space<hbm>>
        tpu.enqueue_dma source(%dma_start3A_406 : memref<200x128xf32, #tpu.memory_space<hbm>>) target(%dma_start3A_402 : memref<200x128xf32, #tpu.memory_space<vmem>>) target_semaphore(%arg7 : memref<!tpu.dma_semaphore, #tpu.memory_space<semaphore_mem>>)
      } else {
      }
    }
    %scan3A_94 = arith.constant 32 : i32
    %add3A_95 = arith.constant 127 : i32
    %add3A_96 = arith.addi %mul3A_2, %add3A_95 : i32
    %dma_wait3A = arith.constant 3 : i32
    %dma_wait3A_97 = arith.constant 0 : i32
    %dma_wait3A_98 = arith.constant 0 : i32
    %dma_wait3A_99 = tpu.memref_slice %arg6[%dma_wait3A, %dma_wait3A_97, %dma_wait3A_98] : memref<4x200x128xf32, #tpu.memory_space<vmem>> -> memref<1x200x128xf32, #tpu.memory_space<vmem>>
    %dma_wait3A_100 = tpu.memref_squeeze %dma_wait3A_99 : memref<1x200x128xf32, #tpu.memory_space<vmem>> -> memref<200x128xf32, #tpu.memory_space<vmem>>
    %dma_wait3A_101 = arith.constant 0 : i32
    %dma_wait3A_102 = arith.constant 0 : i32
    %dma_wait3A_103 = tpu.memref_slice %arg4[%add3A_96, %dma_wait3A_101, %dma_wait3A_102] : memref<4096x200x128xf32, #tpu.memory_space<hbm>> -> memref<1x200x128xf32, #tpu.memory_space<hbm>>
    %dma_wait3A_104 = tpu.memref_squeeze %dma_wait3A_103 : memref<1x200x128xf32, #tpu.memory_space<hbm>> -> memref<200x128xf32, #tpu.memory_space<hbm>>
    %dma_wait3A_105 = arith.constant 0 : i32
    %dma_wait3A_106 = arith.constant 0 : i32
    %dma_wait3A_107 = tpu.memref_slice %arg4[%add3A_96, %dma_wait3A_105, %dma_wait3A_106] : memref<4096x200x128xf32, #tpu.memory_space<hbm>> -> memref<1x200x128xf32, #tpu.memory_space<hbm>>
    %dma_wait3A_108 = tpu.memref_squeeze %dma_wait3A_107 : memref<1x200x128xf32, #tpu.memory_space<hbm>> -> memref<200x128xf32, #tpu.memory_space<hbm>>
    %dma_wait3A_109 = arith.constant 0 : i32
    %dma_wait3A_110 = arith.constant 0 : i32
    %dma_wait3A_111 = tpu.memref_slice %arg6[%dma_wait3A, %dma_wait3A_109, %dma_wait3A_110] : memref<4x200x128xf32, #tpu.memory_space<vmem>> -> memref<1x200x128xf32, #tpu.memory_space<vmem>>
    %dma_wait3A_112 = tpu.memref_squeeze %dma_wait3A_111 : memref<1x200x128xf32, #tpu.memory_space<vmem>> -> memref<200x128xf32, #tpu.memory_space<vmem>>
    tpu.wait_dma2 semaphore(%arg8 : memref<!tpu.dma_semaphore, #tpu.memory_space<semaphore_mem>>) src(%dma_wait3A_112 : memref<200x128xf32, #tpu.memory_space<vmem>>) dst(%dma_wait3A_108 : memref<200x128xf32, #tpu.memory_space<hbm>>)
    return
  }
}

</mosaic_0001>

<sc_bundles>
// kernel: kernel.3.cloned.1.call-start
scs
__scs_entry_jumppad:
0x0: {  	(pc) =	sbr.rel $0x88, $3  }
0x1: {  	(tag) =	ssettag $0x0;
	lr =	simm.s32 $0x1  }
0x2: {  	[smem:$0x3F9F] =	sst lr;
	_ =	strace $0xD0000000  }
0x3: {  	_ = 	snop  }
0x4: {  	_ = 	snop  }
0x5: {  	_ = 	snop  }
0x6: {  	_ = 	snop  }
0x7: {  	_ = 	snop  }
__scs_overlays_trampoline_lowered:
0x8: {  	[smem:$0x3FAE] =	sst s0  }
0x9: {  	[smem:$0x3FAF] =	sst s1  }
0xa: {  	[smem:$0x3FB0] =	sst s2  }
0xb: {  	[smem:$0x3FB1] =	sst s3  }
0xc: {  	[smem:$0x3FB2] =	sst s4  }
0xd: {  	[smem:$0x3FB3] =	sst s5  }
0xe: {  	[smem:$0x3FB4] =	sst s6  }
0xf: {  	[smem:$0x3FB5] =	sst s7  }
0x10: {  	[smem:$0x3FB6] =	sst s8  }
0x11: {  	[smem:$0x3FB7] =	sst s9;
	s0 =	simm.s32 @!p0 $0x0  }
0x12: {  	s1 =	sld [smem:$0x3F9D];
	s0 =	simm.s32 @p0 $0x1  }
0x13: {  	[smem:$0x3FB8] =	sst s0;
	s0 =	simm.s32 @!p1 $0x0  }
0x14: {  	s2 =	sld [smem:$0x3F9C];
	s0 =	simm.s32 @p1 $0x1  }
0x15: {  	[smem:$0x3FB9] =	sst s0;
	s0 =	simm.s32 @!p2 $0x0  }
0x16: {  	s3 =	sld [smem:$0x3FDB];
	s0 =	simm.s32 @p2 $0x1  }
0x17: {  	s4 =	simm.s32 $0x1BF5;
	[smem:$0x3FBB] =	sst s0  }
0x18: {  	s0 =	sld [smem:$0x3F9E];
	_ =	swait.ge [sflag:s4], $0x0  }
0x19: {  	s7 =	sld [smem:$0x3F9F]  }
0x1a: {  	s8 =	sadd.s32 $0xFFFFE003, lr  }
0x1b: {  	s9 =	sadd.s32 $0xFFFFFEF7, lr;
	s5 =	simm.s32 $0xFFFFFFFF;
	p2 =	slt.u32 s8, $0xFFFFF086  }
0x1c: {  	p1 =	slt.u32 s9, $0xF7A;
	s5 =	simm.s32 @!p2 $0x0  }
0x1d: {  	s5 =	simm.s32 @p1 $0x1;
	p0 =	seq.s32 s7, s2  }
0x1e: {  	s7 =	smul.u32 @!p0 $0xF7A, s2;
	p2 =	seq.s32 @!p0 s5, $0x0  }
0x1f: {  	s9 =	smul.u32 $0xF7A, s1;
	s8 =	simm.s32 @!p0 $0x1BF5;
	p2 =	por !p2, p0  }
0x20: {  	[sflag:s8] =	ssyncset.s32 @!p0 $0xFFFFF086;
	s6 =	sadd.s32 @!p0 s3, s7;
	s7 =	simm.s32 @!p0 $0x108  }
0x21: {  	s3 =	sadd.s32 s3, s9;
	s6 =	sadd.s32 @!p0 $0x88, s6;
	s7 =	simm.s32 @p2 $0x1082  }
0x22: {  	[simem:s7], [sflag:s8] =	dma.local @!p0 [hbm:s6], $0xF7A  }
0x23: {  	s9 =	sor.u32 $0xD0000000, s2;
	s6 =	simm.s32 $0x108;
	_ =	swait.ge @!p0 [sflag:s8], $0x0  }
0x24: {  	s3 =	sadd.s32 $0x88, s3;
	s6 =	simm.s32 @!p1 $0x1082;
	[sflag:s4] =	ssyncset.s32 $0xFFFFF086  }
0x25: {  	[simem:s6], [sflag:s4] =	dma.local [hbm:s3], $0xF7A  }
0x26: {  	[smem:$0x3F9F] =	sst s1;
	(tag) =	ssettag s2;
	_ =	strace s9  }
0x27: {  	s1 =	sld [smem:$0x3FAF]  }
0x28: {  	s2 =	sld [smem:$0x3FB0]  }
0x29: {  	s4 =	sld [smem:$0x3FB2]  }
0x2a: {  	p0 =	seq.s32 s5, $0x0;
	s5 =	sld [smem:$0x3FB3]  }
0x2b: {  	s6 =	sld [smem:$0x3FB4]  }
0x2c: {  	s7 =	sld [smem:$0x3FB5]  }
0x2d: {  	s3 =	simm.s32 $0x108;
	s8 =	sld [smem:$0x3FB6]  }
0x2e: {  	s3 =	simm.s32 @!p0 $0x1082;
	s9 =	sld [smem:$0x3FB7]  }
0x2f: {  	lr =	sadd.s32 s0, s3;
	s0 =	sld [smem:$0x3FAE]  }
0x30: {  	s3 =	sld [smem:$0x3FB1]  }
0x31: {  	[smem:$0x3FBA] =	sst s10  }
0x32: {  	s10 =	sld [smem:$0x3FB8];
	_ =	sdelay $0x3  }
0x33: {  	p0 =	seq.s32 s10, $0x1;
	s10 =	sld [smem:$0x3FBA];
	_ =	sdelay $0x3  }
0x34: {  	[smem:$0x3FBA] =	sst s10  }
0x35: {  	s10 =	sld [smem:$0x3FB9];
	_ =	sdelay $0x3  }
0x36: {  	p1 =	seq.s32 s10, $0x1;
	s10 =	sld [smem:$0x3FBA];
	_ =	sdelay $0x3  }
0x37: {  	[smem:$0x3FBA] =	sst s10  }
0x38: {  	s10 =	sld [smem:$0x3FBB]  }
0x39: {  	_ = 	snop;
	(pc) =	sbr.ind lr, $3  }
0x3a: {  	_ = 	snop  }
0x3b: {  	_ = 	snop  }
0x3c: {  	p2 =	seq.s32 s10, $0x1;
	s10 =	sld [smem:$0x3FBA]  }
0x3d: {  	_ =	shalt  }
0x3e: {  	_ =	shalt  }
0x3f: {  	_ =	shalt  }
0x40: {  	_ =	shalt  }
0x41: {  	_ =	shalt  }
0x42: {  	_ =	shalt  }
0x43: {  	_ =	shalt  }
0x44: {  	_ =	shalt  }
0x45: {  	_ =	shalt  }
0x46: {  	_ =	shalt  }
0x47: {  	_ =	shalt  }
0x48: {  	_ =	shalt  }
0x49: {  	_ =	shalt  }
0x4a: {  	_ =	shalt  }
0x4b: {  	_ =	shalt  }
0x4c: {  	_ =	shalt  }
0x4d: {  	_ =	shalt  }
0x4e: {  	_ =	shalt  }
0x4f: {  	_ =	shalt  }
0x50: {  	_ =	shalt  }
0x51: {  	_ =	shalt  }
0x52: {  	_ =	shalt  }
0x53: {  	_ =	shalt  }
0x54: {  	_ =	shalt  }
0x55: {  	_ =	shalt  }
0x56: {  	_ =	shalt  }
0x57: {  	_ =	shalt  }
0x58: {  	_ =	shalt  }
0x59: {  	_ =	shalt  }
0x5a: {  	_ =	shalt  }
0x5b: {  	_ =	shalt  }
0x5c: {  	_ =	shalt  }
0x5d: {  	_ =	shalt  }
0x5e: {  	_ =	shalt  }
0x5f: {  	_ =	shalt  }
0x60: {  	_ =	shalt  }
0x61: {  	_ =	shalt  }
0x62: {  	_ =	shalt  }
0x63: {  	_ =	shalt  }
0x64: {  	_ =	shalt  }
0x65: {  	_ =	shalt  }
0x66: {  	_ =	shalt  }
0x67: {  	_ =	shalt  }
0x68: {  	_ =	shalt  }
0x69: {  	_ =	shalt  }
0x6a: {  	_ =	shalt  }
0x6b: {  	_ =	shalt  }
0x6c: {  	_ =	shalt  }
0x6d: {  	_ =	shalt  }
0x6e: {  	_ =	shalt  }
0x6f: {  	_ =	shalt  }
0x70: {  	_ =	shalt  }
0x71: {  	_ =	shalt  }
0x72: {  	_ =	shalt  }
0x73: {  	_ =	shalt  }
0x74: {  	_ =	shalt  }
0x75: {  	_ =	shalt  }
0x76: {  	_ =	shalt  }
0x77: {  	_ =	shalt  }
0x78: {  	_ =	shalt  }
0x79: {  	_ =	shalt  }
0x7a: {  	_ =	shalt  }
0x7b: {  	_ =	shalt  }
0x7c: {  	_ =	shalt  }
0x7d: {  	_ =	shalt  }
0x7e: {  	_ =	shalt  }
0x7f: {  	_ =	shalt  }
0x80: {  	_ =	shalt  }
0x81: {  	_ =	shalt  }
0x82: {  	_ =	shalt  }
0x83: {  	_ =	shalt  }
0x84: {  	_ =	shalt  }
0x85: {  	_ =	shalt  }
0x86: {  	_ =	shalt  }
0x87: {  	_ =	shalt  }
.Lfunc_end0:
.L_simem_size_0:
called_computation_lowered:
.L_overlay_start_0:
0x88: {  	s2 =	sld [smem:$0x3FD9]  }
0x89: {  	s3 =	sld [smem:$0x3FFE];
	_ =	sdelay $0x1  }
0x8a: {  	s1 =	srdreg.scid  }
0x8b: {  	s0 =	sand.u32 $0x1, s1  }
0x8c: {  	s18 =	sshll.u32 s0, $0xA;
	s2 =	sadd.s32 s3, s2  }
0x8d: {  	s2 =	sadd.s32 s2, s18  }
0x8e: {  	[smem:$0x3FC6] =	sst s2  }
0x8f: {  	_ = 	snop  }
0x90: {  	s2 =	sld [smem:$0x3FC9]  }
0x91: {  	s19 =	sld [smem:$0x3FC8]  }
0x92: {  	s4 =	sld [smem:$0x3FD0];
	(tm) =	ssettm $0x1  }
0x93: {  	s5 =	sld [smem:$0x3FFB];
	_ =	sdelay $0x3  }
0x94: {  	_ =	strace s5  }
0x95: {  	s5 =	sld [smem:$0x3FFC];
	_ =	sdelay $0x3  }
0x96: {  	_ =	strace s5  }
0x97: {  	s5 =	sld [smem:$0x3FFD];
	_ =	sdelay $0x3  }
0x98: {  	_ =	strace s5  }
0x99: {  	_ =	strace $0x8FFFFFFF  }
0x9a: {  	s20 =	sld [smem:$0x3FDB];
	_ =	sdelay $0x1  }
0x9b: {  	s6 =	simm.s32 $_scs_section_size  }
0x9c: {  	s7 =	simm.s32 $_size__tile_overlayer_lowered;
	s8 =	simm.s32 $_tile_overlayer_lowered  }
0x9d: {  	s23 =	simm.s32 $0x1BFF;
	s22 =	sshll.u32 s8, $0x1;
	s5 =	sadd.s32 s6, s20  }
0x9e: {  	s9 =	simm.s32 $0x0;
	s21 =	sshll.u32 s7, $0x1;
	s7 =	sadd.s32 s22, s5  }
0x9f: {  	[timem:s9], [sflag:s23] =	dma.local [hbm:s7], s21  }
0xa0: {  	_ =	swait.ge [sflag:s23], s21  }
0xa1: {  	s6 =	ssub.s32 $0x0, s21;
	[sflag:s23] =	ssyncset.done $0x0  }
0xa2: {  	[sflag:s23] =	ssyncadd.s32 s6;
	_ =	sdelay $0x1  }
0xa3: {  	s24 =	simm.s32 $0x1B8B  }
0xa4: {  	_ =	swait.ge [sflag:s24], $0x1  }
0xa5: {  	[sflag:s24] =	ssyncset.done $0x0  }
0xa6: {  	s25 =	simm.s32 $0x1B8E;
	[sflag:s24] =	ssyncadd.s32 $0xFFFFFFFF  }
0xa7: {  	s26 =	simm.s32 $execute0_lowered;
	[smem:$0x3FD2] =	sst s25  }
0xa8: {  	s6 =	sshll.u32 s26, $0x1;
	_ =	strace $0x80000046;
	[dreg:$0x1] =	wrdreg $0xFFFFFFFF  }
0xa9: {  	s28 =	simm.s32 $_size_execute0_lowered;
	s5 =	sadd.s32 s5, s6;
	[dreg:$0x0] =	wrdreg $0x0  }
0xaa: {  	s6 =	sshll.u32 s28, $0x1;
	[dreg:$0x2] =	wrdreg s5  }
0xab: {  	[dreg:$0x3] =	wrdreg s6  }
0xac: {  	[dreg:$0x4] =	wrdreg $0xC0  }
0xad: {  	_ =	task [dreg:s9], $0x5FFFF  }
0xae: {  	[dreg:$0x1] =	wrdreg $0xFFFFFFFF  }
0xaf: {  	[dreg:$0x0] =	wrdreg $0x60  }
0xb0: {  	[dreg:$0x2] =	wrdreg s2  }
0xb1: {  	[dreg:$0x3] =	wrdreg s19  }
0xb2: {  	[dreg:$0x4] =	wrdreg s4  }
0xb3: {  	[dreg:$0x5] =	wrdreg $0x9  }
0xb4: {  	_ =	task.clear_ibuf [dreg:s9], $0x6FFFF;
	_ =	strace $0x90000046  }
0xb5: {  	s29 =	simm.s32 $0x9;
	_ =	strace $0x80000048  }
0xb6: {  	_ =	swait.ge [sflag:s29], $0x1  }
0xb7: {  	[sflag:s29] =	ssyncadd.s32 $0xFFFFFFFF  }
0xb8: {  	_ =	strace $0x90000048  }
0xb9: {  	_ =	sfence  }
0xba: {  	s30 =	sld [smem:$0x0];
	_ =	sdelay $0x2  }
0xbb: {  	s31 =	sshll.u32 s1, $0xD;
	s1 =	sshrl.u32 s1, $0x2  }
0xbc: {  	s3 =	sand.u32 $0x4000, s31;
	s1 =	sadd.s32 s1, s30  }
0xbd: {  	s0 =	sor.u32 s3, s0;
	s1 =	sshll.u32 s1, $0x11  }
0xbe: {  	s0 =	sor.u32 s1, s0  }
0xbf: {  	s0 =	sadd.s32 $0x8F2B, s0  }
0xc0: {  	[sflag:s0] =	ssyncadd.remote.s32 $0x1  }
0xc1: {  	_ =	sfence.sel $0xFFFF  }
0xc2: {  	[dreg:$0x0] =	wrdreg $0xFFFFFFFF;
	(pc) =	sbr.abs _section_cstart, $3  }
0xc3: {  	[dreg:$0x1] =	wrdreg $0xFFFFFFFF  }
0xc4: {  	_ =	task.clear_ibuf [dreg:s9], $0x2FFFF;
	_ =	strace $0x9FFFFFFF  }
0xc5: {  	(tm) =	ssettm $0x7FFFFFFF  }
tec
execute0_lowered:
.L_overlay_start_1:
0x0: {  	(tag) =	ssettag $0x1  }
0x1: {  	s0 =	srdreg.scid;
	s1 =	rddreg [dreg:$0x0]  }
0x2: {  	s2 =	stileid.u32;
	s4 =	rddreg [dreg:$0x2]  }
0x3: {  	s6 =	simm.s32 $0x0;
	s14 =	simm.s32 $0x3;
	s15 =	simm.s32 $0x6800  }
0x4: {  	s16 =	simm.s32 $0xCC00;
	s17 =	simm.s32 $0x13000;
	s18 =	simm.s32 $0x1  }
0x5: {  	s19 =	simm.s32 $0x19400;
	s20 =	simm.s32 $0x2;
	s0 =	sand.u32 $0x1, s0  }
0x6: {  	s21 =	simm.s32 $0x0;
	s2 =	sshll.u32 s2, $0x8;
	s3 =	sshll.u32 s0, $0x7  }
.Ltmp0:
0x7: {  	s0 =	ssub.s32 $0x2, s0;
	s5 =	sor.u32 s3, s2;
	(pc) =	sbr.rel .LBB2_1-.Ltmp0, $4  }
0x8: {  	[smem:$0x7FF] =	sst s6;
	s31 =	sshrl.u32 s0, $0x1;
	s2 =	smul.u32 $0xC80, s5  }
0x9: {  	_ =	strace $0x80000047;
	s0 =	ssub.s32 s0, s31;
	s10 =	sor.u32 $0x4, s5  }
0xa: {  	s11 =	sor.u32 $0x5, s5;
	s12 =	sor.u32 $0x6, s5;
	s7 =	sadd.s32 s1, s2  }
0xb: {  	s13 =	smax.u32 s0, $0x1;
	s8 =	sadd.s32 $0xC80, s7;
	s9 =	sadd.s32 $0x1900, s7  }
.LBB2_12:
0xc: {  	s21 =	sadd.s32 $0x1, s21  }
0xd: {  	p0 =	sne.s32 s21, s13  }
.Ltmp1:
0xe: {  	_ = 	snop;
	(pc) =	sbr.rel @!p0 .LBB2_13-.Ltmp1, $4  }
0xf: {  	_ = 	snop  }
0x10: {  	_ =	swait.ge [sflag:s20], $0x6400  }
0x11: {  	[sflag:s20] =	ssyncset.done $0x0  }
0x12: {  	[sflag:s20] =	ssyncadd.s32 $0xFFFF9C00  }
.LBB2_1:
0x13: {  	s0 =	rddreg [dreg:$0x1]  }
0x14: {  	[tilespmem:s6], [sflag:$0x3] =	stream.linear.gather [hbm4b:s0+s6], $0x6480, $0x38;
	[tilespmem:$0x1F800] =	vst v63  }
0x15: {  	_ =	swait.ge [sflag:s14], $0x6480  }
0x16: {  	[sflag:s14] =	ssyncset.done $0x0  }
0x17: {  	[sflag:s14] =	ssyncadd.s32 $0xFFFF9B80  }
0x18: {  	v63 =	vld [tilespmem:$0x0]  }
0x19: {  	v58 =	vld [tilespmem:$0x10]  }
0x1a: {  	v2 =	vld [tilespmem:$0x20]  }
0x1b: {  	v3 =	vld [tilespmem:$0x30]  }
0x1c: {  	v4 =	vld [tilespmem:$0x40]  }
0x1d: {  	v5 =	vld [tilespmem:$0x50]  }
0x1e: {  	v6 =	vld [tilespmem:$0x60]  }
0x1f: {  	v7 =	vld [tilespmem:$0x70];
	[tilespmem:s15], [sflag:$0x1] =	stream.linear.gather [hbm4b:s7+s6], $0x6400, $0x38  }
0x20: {  	_ = 	snop  }
0x21: {  	[tilespmem:s16], [sflag:$0x1] =	stream.linear.gather [hbm4b:s8+s6], $0x6400, $0x38;
	[tilespmem:$0x1F800] =	vst v63  }
0x22: {  	_ = 	snop  }
0x23: {  	[tilespmem:s17], [sflag:$0x1] =	stream.linear.gather [hbm4b:s9+s6], $0x6400, $0x38;
	[tilespmem:$0x1F800] =	vst v63  }
0x24: {  	[tilespmem:$0x1FFB0] =	vst v58  }
0x25: {  	[tilespmem:$0x1FFC0] =	vst v4  }
0x26: {  	[tilespmem:$0x1FFD0] =	vst v5  }
0x27: {  	[tilespmem:$0x1FFE0] =	vst v2  }
0x28: {  	s22 =	simm.s32 $0x0;
	[tilespmem:$0x1FFF0] =	vst v3  }
.LBB2_2:
0x29: {  	_ =	swait.ge [sflag:s18], $0x6400  }
0x2a: {  	[sflag:s18] =	ssyncset.done $0x0  }
0x2b: {  	s23 =	simm.s32 $0x6880;
	[sflag:s18] =	ssyncadd.s32 $0xFFFF9C00  }
0x2c: {  	v18 =	vld [tilespmem:s23+$0x20]  }
0x2d: {  	v8 =	vld [tilespmem:s23+$0xFFFFFF80]  }
0x2e: {  	v30 =	vld [tilespmem:s23+$0xFFFFFFB0]  }
0x2f: {  	v16 =	vld [tilespmem:s23+$0x10]  }
0x30: {  	v15 =	vld [tilespmem:s23+$0xFFFFFF90]  }
0x31: {  	v9 =	vld [tilespmem:s23+$0x0]  }
0x32: {  	v32 =	vld [tilespmem:s23+$0xFFFFFFA0]  }
0x33: {  	v1 =	vld [tilespmem:s23+$0x70]  }
0x34: {  	v33 =	vld [tilespmem:s23+$0x30]  }
0x35: {  	v29 =	vld [tilespmem:s23+$0x50];
	vm0 =	vlt.f32 v18, $0.0e+00;
	vm1 =	vgt.f32 v18, $0.0e+00;
	vm2 =	vgt.f32 v8, $0.0e+00  }
0x36: {  	v31 =	vld [tilespmem:s23+$0x40];
	vm3 =	vgt.f32 v30, $0.0e+00;
	vm4 =	vlt.f32 v30, $0.0e+00;
	vm5 =	vlt.f32 v15, $0.0e+00  }
0x37: {  	v36 =	vld [tilespmem:s23+$0xFFFFFFC0];
	vm6 =	vgt.f32 v15, $0.0e+00;
	vm7 =	vlt.f32 v9, $0.0e+00;
	vm8 =	vgt.f32 v9, $0.0e+00  }
0x38: {  	v47 =	vld [tilespmem:s23+$0x60];
	[tilespmem:$0x1FF90] =	vst v1;
	vm1 =	vmor vm1, vm0;
	vm0 =	vlt.f32 v8, $0.0e+00;
	vm5 =	vmor vm6, vm5  }
0x39: {  	vm6 =	vlt.f32 v32, $0.0e+00;
	vm7 =	vmor vm8, vm7;
	v0 =	vld [tilespmem:s23+$0xFFFFFFF0];
	vm2 =	vmor vm2, vm0  }
0x3a: {  	vm0 =	vmor vm3, vm4;
	vm3 =	vlt.f32 v16, $0.0e+00;
	vm4 =	vgt.f32 v16, $0.0e+00  }
0x3b: {  	vm2 =	vmor vm2, vm5;
	vm5 =	vgt.f32 v32, $0.0e+00;
	vm3 =	vmor vm4, vm3  }
0x3c: {  	vm4 =	vmor vm5, vm6;
	vm3 =	vmor vm7, vm3  }
0x3d: {  	vm5 =	vlt.f32 v33, $0.0e+00;
	vm6 =	vgt.f32 v33, $0.0e+00;
	vm7 =	vgt.f32 v29, $0.0e+00  }
0x3e: {  	v49 =	vld [tilespmem:s23+$0xFFFFFFE0];
	vm2 =	vmor vm2, vm4;
	vm4 =	vmor vm6, vm5;
	vm1 =	vmor vm3, vm1;
	[tilespmem:$0x1FFA0] =	vst v0  }
0x3f: {  	s24 =	simm.s32 $0x6980;
	vm3 =	vlt.f32 v31, $0.0e+00;
	vm5 =	vgt.f32 v31, $0.0e+00;
	vm6 =	vlt.f32 v29, $0.0e+00;
	v52 =	vld [tilespmem:s23+$0xFFFFFFD0]  }
0x40: {  	vm3 =	vmor vm5, vm3;
	vm1 =	vmor vm1, vm4;
	vm0 =	vmor vm2, vm0;
	v24 =	vld [tilespmem:s24+$0xFFFFFF80]  }
0x41: {  	vm2 =	vmor vm7, vm6;
	vm4 =	vgt.f32 v47, $0.0e+00;
	vm5 =	vlt.f32 v36, $0.0e+00;
	v51 =	vld [tilespmem:s24+$0xFFFFFFB0]  }
0x42: {  	vm6 =	vlt.f32 v0, $0.0e+00;
	vm1 =	vmor vm1, vm3;
	vm3 =	vlt.f32 v47, $0.0e+00;
	v17 =	vld [tilespmem:s24+$0x0]  }
0x43: {  	s25 =	simm.s32 $0x6A80;
	vm7 =	vlt.f32 v49, $0.0e+00;
	v56 =	vld [tilespmem:s24+$0xFFFFFFA0];
	vm1 =	vmor vm1, vm2;
	vm2 =	vmor vm4, vm3  }
0x44: {  	s28 =	simm.s32 $0x6B80;
	v28 =	vld [tilespmem:s25+$0xFFFFFF90];
	vm3 =	vlt.f32 v1, $0.0e+00;
	vm4 =	vgt.f32 v1, $0.0e+00;
	vm1 =	vmor vm1, vm2  }
0x45: {  	v44 =	vld [tilespmem:s28+$0x0];
	vm2 =	vmor vm4, vm3;
	vm3 =	vgt.f32 v0, $0.0e+00;
	vm4 =	vgt.f32 v49, $0.0e+00  }
0x46: {  	v42 =	vld [tilespmem:s28+$0xFFFFFF90];
	vm1 =	vmor vm1, vm2;
	vm2 =	vgt.f32 v36, $0.0e+00;
	vm4 =	vmor vm4, vm7  }
0x47: {  	vm3 =	vmor vm3, vm6;
	vm2 =	vmor vm2, vm5;
	v10 =	vmpcnt.ones.xlane vm1  }
0x48: {  	v45 =	vld [tilespmem:s24+$0x20];
	vm5 =	vlt.f32 v52, $0.0e+00;
	vm0 =	vmor vm0, vm2;
	vm2 =	vgt.f32 v52, $0.0e+00  }
0x49: {  	v23 =	vld [tilespmem:s25+$0xFFFFFFA0];
	vm6 =	vgt.f32 v24, $0.0e+00;
	vm7 =	vgt.f32 v51, $0.0e+00;
	vm8 =	vlt.f32 v51, $0.0e+00  }
0x4a: {  	v50 =	vld [tilespmem:s24+$0x10];
	vm9 =	vlt.f32 v17, $0.0e+00;
	vm10 =	vlt.f32 v56, $0.0e+00;
	vm11 =	vlt.f32 v28, $0.0e+00  }
0x4b: {  	v39 =	vld [tilespmem:s24+$0xFFFFFF90];
	vm12 =	vgt.f32 v28, $0.0e+00;
	vm13 =	vgt.f32 v42, $0.0e+00;
	vm14 =	vgt.f32 v44, $0.0e+00  }
0x4c: {  	vm2 =	vmor vm2, vm5;
	vm5 =	vlt.f32 v24, $0.0e+00;
	vm11 =	vmor vm12, vm11  }
0x4d: {  	v55 =	vld [tilespmem:s24+$0x30];
	vm1 =	vmor vm0, vm2;
	vm0 =	vlt.f32 v45, $0.0e+00;
	vm2 =	vgt.f32 v45, $0.0e+00  }
0x4e: {  	v13 =	vld [tilespmem:s24+$0xFFFFFFC0];
	vm12 =	vlt.f32 v23, $0.0e+00;
	vm2 =	vmor vm2, vm0;
	vm0 =	vgt.s32 v10, $0x0  }
0x4f: {  	v12 =	vld [tilespmem:s24+$0x50];
	vm1 =	vmor vm1, vm4;
	vm4 =	vmor vm6, vm5;
	vm5 =	vmor vm7, vm8  }
0x50: {  	v20 =	vld [tilespmem:s25+$0xFFFFFFB0];
	vm6 =	vlt.f32 v39, $0.0e+00;
	vm7 =	vgt.f32 v39, $0.0e+00;
	vm8 =	vgt.f32 v50, $0.0e+00  }
0x51: {  	s2 =	simm.s32 $0xC0;
	v53 =	vld [tilespmem:s24+$0x40];
	vm1 =	vmor vm1, vm3;
	vm6 =	vmor vm7, vm6;
	vm7 =	vgt.f32 v17, $0.0e+00  }
0x52: {  	v10 =	vld [tilespmem:s2+$0x40];
	vm3 =	vlt.f32 v50, $0.0e+00;
	vm4 =	vmor vm4, vm6;
	vm6 =	vmor vm7, vm9  }
0x53: {  	vm7 =	vgt.f32 v56, $0.0e+00;
	vm3 =	vmor vm8, vm3;
	v14 =	vmpcnt.ones.xlane vm1  }
0x54: {  	v11 =	vld [tilespmem:s2+$0xFFFFFFC0];
	vm8 =	vlt.f32 v12, $0.0e+00;
	vm9 =	vgt.f32 v12, $0.0e+00;
	vm1 =	vmor vm7, vm10  }
0x55: {  	vm6 =	vmor vm6, vm3;
	vm7 =	vlt.f32 v55, $0.0e+00;
	vm10 =	vlt.f32 v20, $0.0e+00  }
0x56: {  	vm3 =	vmor vm4, vm1;
	vm1 =	vgt.s32 v14, $0x0;
	vm4 =	vlt.f32 v13, $0.0e+00  }
0x57: {  	vm2 =	vmor vm6, vm2;
	vm6 =	vlt.f32 v53, $0.0e+00;
	v19 =	vsel vm0, v10, v63;
	v10 =	vld [tilespmem:s24+$0x60]  }
0x58: {  	vm3 =	vmor vm3, vm5;
	vm5 =	vgt.f32 v55, $0.0e+00;
	v19 =	vadd.f32 v19, v9;
	v9 =	vld [tilespmem:s24+$0x70]  }
0x59: {  	v14 =	vld [tilespmem:s24+$0xFFFFFFD0];
	v11 =	vsel vm1, v11, v63;
	vm5 =	vmor vm5, vm7;
	vm7 =	vgt.f32 v53, $0.0e+00  }
0x5a: {  	v21 =	vadd.f32 v11, v8;
	v8 =	vld [tilespmem:s24+$0xFFFFFFF0];
	vm6 =	vmor vm7, vm6;
	vm2 =	vmor vm2, vm5  }
0x5b: {  	vm0 =	vmmov vm0;
	v11 =	vld [tilespmem:s24+$0xFFFFFFE0];
	vm5 =	vmor vm9, vm8;
	vm2 =	vmor vm2, vm6  }
0x5c: {  	[tilespmem:s23+$0x0] =	vst v19;
	vm2 =	vmor vm2, vm5;
	vm6 =	vlt.f32 v10, $0.0e+00;
	vm7 =	vgt.f32 v10, $0.0e+00  }
0x5d: {  	v19 =	vld [tilespmem:s2+$0x50];
	vm5 =	vmor vm7, vm6;
	vm6 =	vlt.f32 v9, $0.0e+00;
	vm7 =	vgt.f32 v9, $0.0e+00  }
0x5e: {  	vm9 =	vgt.f32 v20, $0.0e+00;
	[tilespmem:s23+$0xFFFFFF80] =	vst v21;
	vm2 =	vmor vm2, vm5;
	vm5 =	vmor vm7, vm6  }
0x5f: {  	vm8 =	vgt.f32 v14, $0.0e+00;
	v35 =	vld [tilespmem:s2+$0xFFFFFFD0];
	vm2 =	vmor vm2, vm5;
	vm5 =	vgt.f32 v13, $0.0e+00  }
0x60: {  	v22 =	vld [tilespmem:s25+$0x20];
	vm6 =	vgt.f32 v8, $0.0e+00;
	vm7 =	vgt.f32 v11, $0.0e+00;
	vm4 =	vmor vm5, vm4  }
0x61: {  	v54 =	vld [tilespmem:s25+$0xFFFFFF80];
	vm5 =	vlt.f32 v14, $0.0e+00;
	v25 =	vmpcnt.ones.xlane vm2;
	vm2 =	vmmov vm1  }
0x62: {  	v19 =	vsel vm0, v19, v58;
	vm0 =	vmmov vm0;
	vm3 =	vmor vm3, vm4  }
0x63: {  	v57 =	vld [tilespmem:s25+$0x0];
	vm4 =	vlt.f32 v8, $0.0e+00;
	vm5 =	vmor vm8, vm5;
	vm8 =	vlt.f32 v11, $0.0e+00  }
0x64: {  	v16 =	vadd.f32 v19, v16;
	v35 =	vsel vm2, v35, v58;
	vm5 =	vmor vm3, vm5  }
0x65: {  	v27 =	vld [tilespmem:s25+$0x10];
	vm7 =	vmor vm7, vm8;
	vm3 =	vlt.f32 v22, $0.0e+00;
	vm8 =	vgt.f32 v22, $0.0e+00  }
0x66: {  	vm4 =	vmor vm6, vm4;
	vm1 =	vgt.s32 v25, $0x0;
	vm6 =	vlt.f32 v54, $0.0e+00  }
0x67: {  	v26 =	vld [tilespmem:s25+$0x30];
	v35 =	vadd.f32 v35, v15;
	vm3 =	vmor vm8, vm3;
	vm8 =	vgt.f32 v54, $0.0e+00  }
0x68: {  	s26 =	simm.s32 $0x1C0;
	v19 =	vld [tilespmem:s25+$0x50];
	vm7 =	vmor vm5, vm7;
	vm5 =	vmor vm9, vm10;
	vm9 =	vlt.f32 v57, $0.0e+00  }
0x69: {  	v25 =	vld [tilespmem:s26+$0x40];
	vm10 =	vgt.f32 v57, $0.0e+00;
	[tilespmem:s23+$0x10] =	vst v16;
	vm6 =	vmor vm8, vm6;
	vm4 =	vmor vm7, vm4  }
0x6a: {  	vm7 =	vlt.f32 v27, $0.0e+00;
	vm8 =	vgt.f32 v27, $0.0e+00;
	vm9 =	vmor vm10, vm9;
	v16 =	vld [tilespmem:s2+$0x60]  }
0x6b: {  	v40 =	vld [tilespmem:s28+$0xFFFFFFA0];
	vm10 =	vgt.f32 v23, $0.0e+00;
	vm6 =	vmor vm6, vm11;
	vm7 =	vmor vm8, vm7  }
0x6c: {  	v21 =	vld [tilespmem:s25+$0xFFFFFFC0];
	v37 =	vmpcnt.ones.xlane vm4;
	vm4 =	vmor vm10, vm12;
	vm8 =	vlt.f32 v26, $0.0e+00  }
0x6d: {  	v34 =	vld [tilespmem:s26+$0xFFFFFFC0];
	[tilespmem:s23+$0xFFFFFF90] =	vst v35;
	vm12 =	vlt.f32 v42, $0.0e+00;
	vm7 =	vmor vm9, vm7;
	vm6 =	vmor vm6, vm4  }
0x6e: {  	v35 =	vld [tilespmem:s2+$0xFFFFFFE0];
	vm9 =	vgt.f32 v26, $0.0e+00;
	vm10 =	vlt.f32 v19, $0.0e+00;
	vm11 =	vgt.f32 v19, $0.0e+00  }
0x6f: {  	vm12 =	vmor vm13, vm12;
	v38 =	vsel vm1, v25, v63;
	v25 =	vld [tilespmem:s25+$0x40];
	v46 =	vsel vm0, v16, v2  }
0x70: {  	v15 =	vld [tilespmem:s25+$0x70];
	vm13 =	vlt.f32 v40, $0.0e+00;
	v60 =	vadd.f32 v38, v17;
	v38 =	vadd.f32 v46, v18  }
0x71: {  	vm4 =	vgt.s32 v37, $0x0;
	vm5 =	vmor vm6, vm5;
	vm6 =	vlt.f32 v21, $0.0e+00;
	v17 =	vld [tilespmem:s25+$0x60]  }
0x72: {  	vm8 =	vmor vm9, vm8;
	vm3 =	vmor vm7, vm3;
	vm1 =	vmmov vm1;
	v16 =	vld [tilespmem:s25+$0xFFFFFFF0];
	[tilespmem:s23+$0x20] =	vst v38  }
0x73: {  	v34 =	vsel vm4, v34, v63;
	vm3 =	vmor vm3, vm8;
	vm8 =	vmor vm11, vm10;
	v38 =	vld [tilespmem:s2+$0x70]  }
0x74: {  	v18 =	vld [tilespmem:s25+$0xFFFFFFE0];
	v35 =	vsel vm2, v35, v2;
	vm7 =	vlt.f32 v25, $0.0e+00;
	vm9 =	vgt.f32 v25, $0.0e+00  }
0x75: {  	v48 =	vadd.f32 v34, v24;
	v35 =	vadd.f32 v35, v32;
	vm7 =	vmor vm9, vm7  }
0x76: {  	vm9 =	vgt.f32 v17, $0.0e+00;
	vm3 =	vmor vm3, vm7;
	vm7 =	vlt.f32 v17, $0.0e+00  }
0x77: {  	v24 =	vld [tilespmem:s25+$0xFFFFFFD0];
	vm10 =	vlt.f32 v16, $0.0e+00;
	vm3 =	vmor vm3, vm8;
	vm7 =	vmor vm9, vm7  }
0x78: {  	v34 =	vld [tilespmem:s28+$0x20];
	vm8 =	vlt.f32 v15, $0.0e+00;
	vm9 =	vgt.f32 v15, $0.0e+00;
	v61 =	vsel vm0, v38, v3  }
0x79: {  	v32 =	vld [tilespmem:s28+$0xFFFFFFB0];
	vm11 =	vlt.f32 v18, $0.0e+00;
	vm3 =	vmor vm3, vm7;
	v33 =	vadd.f32 v61, v33  }
0x7a: {  	v43 =	vld [tilespmem:s28+$0xFFFFFF80];
	vm7 =	vmor vm9, vm8;
	vm8 =	vgt.f32 v16, $0.0e+00;
	vm9 =	vgt.f32 v21, $0.0e+00  }
0x7b: {  	vm7 =	vmor vm3, vm7;
	vm3 =	vmor vm9, vm6;
	vm6 =	vgt.f32 v18, $0.0e+00;
	[tilespmem:s23+$0x30] =	vst v33  }
0x7c: {  	[tilespmem:s23+$0xFFFFFFA0] =	vst v35;
	vm9 =	vlt.f32 v24, $0.0e+00;
	vm5 =	vmor vm5, vm3;
	vm3 =	vgt.f32 v24, $0.0e+00;
	v33 =	vld [tilespmem:s2+$0x80]  }
0x7d: {  	v62 =	vld [tilespmem:s2+$0xFFFFFFF0];
	v1 =	vmpcnt.ones.xlane vm7;
	vm6 =	vmor vm6, vm11;
	vm7 =	vgt.f32 v34, $0.0e+00  }
0x7e: {  	vm11 =	vlt.f32 v32, $0.0e+00;
	vm9 =	vmor vm3, vm9;
	vm3 =	vmmov vm2  }
0x7f: {  	v41 =	vld [tilespmem:s28+$0x10];
	vm2 =	vmmov vm4;
	vm4 =	vmor vm8, vm10;
	vm8 =	vlt.f32 v43, $0.0e+00  }
0x80: {  	[tilespmem:s24+$0x0] =	vst v60;
	vm10 =	vgt.f32 v43, $0.0e+00;
	vm9 =	vmor vm5, vm9;
	vm5 =	vlt.f32 v34, $0.0e+00  }
0x81: {  	s29 =	simm.s32 $0x2C0;
	v37 =	vld [tilespmem:s26+$0x50];
	vm8 =	vmor vm10, vm8;
	vm10 =	vgt.f32 v32, $0.0e+00;
	v33 =	vsel vm0, v33, v4  }
0x82: {  	v59 =	vld [tilespmem:s29+$0xFFFFFFC0];
	[tilespmem:s24+$0xFFFFFF80] =	vst v48;
	v38 =	vsel vm3, v62, v3;
	vm7 =	vmor vm7, vm5;
	v31 =	vadd.f32 v33, v31  }
0x83: {  	v62 =	vld [tilespmem:s26+$0xFFFFFFD0];
	vm9 =	vmor vm9, vm6;
	vm6 =	vmor vm10, vm11;
	v30 =	vadd.f32 v38, v30  }
0x84: {  	vm10 =	vgt.f32 v41, $0.0e+00;
	vm11 =	vlt.f32 v44, $0.0e+00;
	v38 =	vld [tilespmem:s28+$0x30];
	vm8 =	vmor vm8, vm12;
	[tilespmem:s23+$0x40] =	vst v31  }
0x85: {  	v0 =	vmovc v58;
	vm12 =	vgt.f32 v40, $0.0e+00;
	vm4 =	vmor vm9, vm4;
	vm9 =	vlt.f32 v41, $0.0e+00;
	[tilespmem:s23+$0xFFFFFFB0] =	vst v30;
	v46 =	vld [tilespmem:s2+$0x90]  }
0x86: {  	vm11 =	vmor vm14, vm11;
	v30 =	vsel vm1, v37, v0;
	v61 =	vld [tilespmem:s2+$0x0];
	v31 =	vmpcnt.ones.xlane vm4  }
0x87: {  	vm9 =	vmor vm10, vm9;
	v50 =	vadd.f32 v30, v50;
	vm4 =	vmor vm12, vm13  }
0x88: {  	v37 =	vld [tilespmem:s28+$0x40];
	vm10 =	vmor vm11, vm9;
	vm8 =	vmor vm8, vm4;
	vm4 =	vgt.s32 v31, $0x0  }
0x89: {  	vm5 =	vgt.s32 v1, $0x0;
	vm7 =	vmor vm10, vm7;
	[tilespmem:s24+$0x10] =	vst v50;
	v1 =	vsel vm4, v59, v63  }
0x8a: {  	v58 =	vsel vm0, v46, v5;
	v46 =	vsel vm2, v62, v0;
	v62 =	vadd.f32 v1, v54;
	v1 =	vld [tilespmem:s26+$0x60]  }
0x8b: {  	v60 =	vld [tilespmem:s29+$0x40];
	vm11 =	vlt.f32 v38, $0.0e+00;
	v59 =	vsel vm3, v61, v4;
	v39 =	vadd.f32 v46, v39  }
0x8c: {  	v33 =	vld [tilespmem:s28+$0x50];
	vm6 =	vmor vm8, vm6;
	vm8 =	vgt.f32 v38, $0.0e+00;
	v46 =	vadd.f32 v59, v36  }
0x8d: {  	vm10 =	vgt.f32 v37, $0.0e+00;
	v31 =	vld [tilespmem:s28+$0x60];
	vm11 =	vmor vm8, vm11;
	vm8 =	vlt.f32 v37, $0.0e+00;
	[tilespmem:s24+$0xFFFFFF90] =	vst v39  }
0x8e: {  	vm10 =	vmor vm10, vm8;
	vm8 =	vmmov vm0;
	vm0 =	vmmov vm1;
	[tilespmem:s23+$0xFFFFFFC0] =	vst v46;
	v61 =	vld [tilespmem:s26+$0xFFFFFFE0]  }
0x8f: {  	v54 =	vsel vm0, v1, v2;
	v1 =	vld [tilespmem:s2+$0x10]  }
0x90: {  	v35 =	vld [tilespmem:s28+$0xFFFFFFC0];
	v60 =	vsel vm5, v60, v63;
	v58 =	vadd.f32 v58, v29  }
0x91: {  	v60 =	vadd.f32 v60, v57;
	v30 =	vld [tilespmem:s28+$0xFFFFFFE0];
	vm12 =	vlt.f32 v33, $0.0e+00;
	vm13 =	vgt.f32 v33, $0.0e+00  }
0x92: {  	vm12 =	vmor vm13, vm12;
	vm1 =	vmmov vm5;
	vm5 =	vmor vm7, vm11;
	v29 =	vld [tilespmem:s28+$0x70];
	[tilespmem:s23+$0x50] =	vst v58  }
0x93: {  	vm7 =	vmmov vm3;
	v50 =	vld [tilespmem:s2+$0xA0];
	v54 =	vadd.f32 v54, v45;
	v57 =	vsel vm2, v61, v2  }
0x94: {  	v36 =	vld [tilespmem:s28+$0xFFFFFFF0];
	vm11 =	vlt.f32 v31, $0.0e+00;
	v58 =	vsel vm7, v1, v5;
	v56 =	vadd.f32 v57, v56  }
0x95: {  	vm3 =	vmor vm5, vm10;
	vm5 =	vgt.f32 v31, $0.0e+00;
	v39 =	vld [tilespmem:s28+$0xFFFFFFD0];
	[tilespmem:s24+$0x20] =	vst v54;
	v52 =	vadd.f32 v58, v52  }
0x96: {  	vm3 =	vmor vm3, vm12;
	vm5 =	vmor vm5, vm11;
	v2 =	vld [tilespmem:s26+$0x70];
	[tilespmem:s24+$0xFFFFFFA0] =	vst v56  }
0x97: {  	vm9 =	vlt.f32 v35, $0.0e+00;
	vm13 =	vlt.f32 v30, $0.0e+00;
	vm3 =	vmor vm3, vm5;
	[tilespmem:s23+$0xFFFFFFD0] =	vst v52;
	v46 =	vld [tilespmem:s26+$0xFFFFFFF0]  }
0x98: {  	[tilespmem:s25+$0x0] =	vst v60;
	vm10 =	vlt.f32 v29, $0.0e+00;
	vm11 =	vgt.f32 v29, $0.0e+00;
	v50 =	vsel vm8, v50, v6;
	v59 =	vld [tilespmem:s2+$0x20]  }
0x99: {  	s30 =	simm.s32 $0x6C80;
	v60 =	vld [tilespmem:s29+$0x50];
	vm5 =	vgt.f32 v36, $0.0e+00;
	vm10 =	vmor vm11, vm10;
	v47 =	vadd.f32 v50, v47  }
0x9a: {  	v45 =	vld [tilespmem:s30+$0xFFFFFFA0];
	vm11 =	vgt.f32 v30, $0.0e+00;
	vm3 =	vmor vm3, vm10;
	vm10 =	vgt.f32 v35, $0.0e+00  }
0x9b: {  	v54 =	vld [tilespmem:s30+$0xFFFFFF80];
	vm12 =	vgt.f32 v39, $0.0e+00;
	vm2 =	vmmov vm2;
	[tilespmem:s23+$0x60] =	vst v47;
	v48 =	vsel vm0, v2, v3  }
0x9c: {  	vm9 =	vmor vm10, vm9;
	v61 =	vld [tilespmem:s2+$0xB0];
	v55 =	vadd.f32 v48, v55;
	v46 =	vsel vm2, v46, v3  }
0x9d: {  	vm10 =	vlt.f32 v39, $0.0e+00;
	v50 =	vld [tilespmem:s30+$0x20];
	v59 =	vsel vm7, v59, v6;
	v51 =	vadd.f32 v46, v51  }
0x9e: {  	vm6 =	vmor vm6, vm9;
	vm10 =	vmor vm12, vm10;
	v57 =	vld [tilespmem:s30+$0x10];
	[tilespmem:s24+$0x30] =	vst v55;
	v59 =	vadd.f32 v59, v49  }
0x9f: {  	vm11 =	vmor vm11, vm13;
	vm9 =	vlt.f32 v36, $0.0e+00;
	vm10 =	vmor vm6, vm10;
	v2 =	vld [tilespmem:s26+$0x80];
	[tilespmem:s24+$0xFFFFFFB0] =	vst v51  }
0xa0: {  	vm5 =	vmor vm5, vm9;
	v47 =	vld [tilespmem:s30+$0xFFFFFFB0];
	vm10 =	vmor vm10, vm11;
	v52 =	vmpcnt.ones.xlane vm3;
	[tilespmem:s23+$0xFFFFFFE0] =	vst v59  }
0xa1: {  	vm3 =	vmmov vm4;
	v48 =	vsel vm8, v61, v7;
	v61 =	vsel vm1, v60, v0;
	v60 =	vld [tilespmem:$0x1FF90]  }
0xa2: {  	s31 =	simm.s32 $0x3C0;
	v58 =	vld [tilespmem:s30+$0x0];
	vm9 =	vlt.f32 v54, $0.0e+00;
	vm5 =	vmor vm10, vm5;
	vm6 =	vlt.f32 v50, $0.0e+00  }
0xa3: {  	v1 =	vmovc v63;
	v63 =	vld [tilespmem:s31+$0x40];
	vm12 =	vgt.f32 v50, $0.0e+00;
	vm4 =	vgt.s32 v52, $0x0;
	vm10 =	vlt.f32 v57, $0.0e+00  }
0xa4: {  	vm6 =	vmor vm12, vm6;
	vm12 =	vgt.f32 v54, $0.0e+00;
	v55 =	vld [tilespmem:s30+$0xFFFFFF90];
	v52 =	vsel vm0, v2, v4  }
0xa5: {  	v56 =	vld [tilespmem:s31+$0xFFFFFFC0];
	vm11 =	vgt.f32 v57, $0.0e+00;
	vm9 =	vmor vm12, vm9;
	v53 =	vadd.f32 v52, v53  }
0xa6: {  	vm12 =	vlt.f32 v47, $0.0e+00;
	vm8 =	vgt.f32 v47, $0.0e+00;
	v49 =	vld [tilespmem:s30+$0x30];
	[tilespmem:s25+$0xFFFFFF80] =	vst v62;
	v48 =	vadd.f32 v48, v60  }
0xa7: {  	vm13 =	vgt.f32 v58, $0.0e+00;
	vm8 =	vmor vm8, vm12;
	vm12 =	vlt.f32 v58, $0.0e+00;
	v46 =	vld [tilespmem:s2+$0x30];
	[tilespmem:s24+$0x40] =	vst v53  }
0xa8: {  	vm10 =	vmor vm11, vm10;
	v63 =	vsel vm4, v63, v1;
	vm12 =	vmor vm13, vm12;
	v52 =	vld [tilespmem:s30+$0xFFFFFFC0];
	[tilespmem:s23+$0x70] =	vst v48  }
0xa9: {  	vm13 =	vgt.f32 v45, $0.0e+00;
	vm14 =	vlt.f32 v55, $0.0e+00;
	vm15 =	vgt.f32 v55, $0.0e+00;
	v53 =	vld [tilespmem:$0x1FFA0]  }
0xaa: {  	v51 =	vld [tilespmem:s30+$0x50];
	vm14 =	vmor vm15, vm14;
	vm15 =	vlt.f32 v45, $0.0e+00;
	v2 =	vmpcnt.ones.xlane vm5  }
0xab: {  	vm10 =	vmor vm12, vm10;
	v59 =	vld [tilespmem:s26+$0x0];
	vm9 =	vmor vm9, vm14;
	vm5 =	vmor vm13, vm15  }
0xac: {  	vm9 =	vmor vm9, vm5;
	vm11 =	vlt.f32 v49, $0.0e+00;
	vm5 =	vgt.s32 v2, $0x0;
	v62 =	vld [tilespmem:s26+$0x90]  }
0xad: {  	vm12 =	vgt.f32 v49, $0.0e+00;
	vm8 =	vmor vm9, vm8;
	v60 =	vld [tilespmem:s29+$0xFFFFFFD0];
	v46 =	vsel vm7, v46, v7  }
0xae: {  	s0 =	simm.s32 $0x8;
	s3 =	simm.s32 $0x6D80;
	v4 =	vmovc v1;
	s2 =	simm.s32 $0x4C0;
	vm7 =	vmor vm12, vm11;
	vm9 =	vlt.f32 v52, $0.0e+00;
	v48 =	vld [tilespmem:s30+$0x40];
	v46 =	vadd.f32 v46, v53  }
.LBB2_3:
0xaf: {  	v2 =	vld [tilespmem:$0x1FFB0]  }
0xb0: {  	v1 =	vld [tilespmem:$0x1FFD0]  }
0xb1: {  	v5 =	vld [tilespmem:$0x1FFC0]  }
0xb2: {  	v0 =	vadd.f32 v61, v27  }
0xb3: {  	v63 =	vadd.f32 v63, v44;
	v53 =	vmov v36;
	v61 =	vld [tilespmem:s30+$0xFFFFFFE0];
	v36 =	vsel vm5, v56, v4;
	[tilespmem:s23+$0xFFFFFFF0] =	vst v46;
	s23 =	smov.u32 s24;
	s24 =	smov.u32 s25  }
0xb4: {  	v44 =	vmov v58;
	v58 =	vld [tilespmem:s30+$0x60];
	v46 =	vadd.f32 v36, v43;
	[tilespmem:s24+$0x10] =	vst v0;
	v43 =	vsel vm3, v60, v2  }
0xb5: {  	v27 =	vmovc v41;
	v41 =	vmov v57;
	s25 =	smov.u32 s28;
	s28 =	smov.u32 s30;
	v57 =	vld [tilespmem:s29+$0x60];
	v62 =	vsel vm0, v62, v1;
	v36 =	vadd.f32 v43, v28  }
0xb6: {  	vm6 =	vmor vm10, vm6;
	v56 =	vsel vm2, v59, v5;
	v60 =	vld [tilespmem:s28+$0x70];
	v0 =	vadd.f32 v62, v12  }
0xb7: {  	vm12 =	vlt.f32 v51, $0.0e+00;
	vm13 =	vgt.f32 v51, $0.0e+00;
	v59 =	vadd.f32 v56, v13;
	[tilespmem:s24+$0xFFFFFF90] =	vst v36;
	v36 =	vld [tilespmem:s28+$0xFFFFFFF0]  }
0xb8: {  	vm10 =	vlt.f32 v48, $0.0e+00;
	vm11 =	vgt.f32 v48, $0.0e+00;
	vm12 =	vmor vm13, vm12;
	v28 =	vmovc v42;
	v42 =	vmovc v55;
	[tilespmem:s23+$0x50] =	vst v0;
	v55 =	vld [tilespmem:s29+$0xFFFFFFE0]  }
0xb9: {  	vm11 =	vmor vm11, vm10;
	vm10 =	vmmov vm0;
	vm0 =	vmmov vm1;
	[tilespmem:s23+$0xFFFFFFC0] =	vst v59;
	v59 =	vld [tilespmem:$0x1FFE0]  }
0xba: {  	vm1 =	vmmov vm4;
	vm4 =	vmor vm6, vm7;
	vm6 =	vlt.f32 v58, $0.0e+00;
	v62 =	vld [tilespmem:s26+$0xA0]  }
0xbb: {  	vm7 =	vmmov vm2;
	v12 =	vmovc v19;
	v19 =	vmovc v33;
	v33 =	vmov v51;
	vm2 =	vmor vm4, vm11;
	v51 =	vld [tilespmem:s26+$0x10]  }
0xbc: {  	v13 =	vmovc v21;
	v21 =	vmovc v35;
	v35 =	vmov v52;
	vm4 =	vgt.f32 v58, $0.0e+00;
	vm2 =	vmor vm2, vm12;
	v52 =	vld [tilespmem:s28+$0xFFFFFFD0]  }
0xbd: {  	vm4 =	vmor vm4, vm6;
	vm6 =	vlt.f32 v60, $0.0e+00;
	vm11 =	vgt.f32 v60, $0.0e+00  }
0xbe: {  	v43 =	vmovc v54;
	vm2 =	vmor vm2, vm4;
	v54 =	vld [tilespmem:s3+$0xFFFFFF80];
	vm6 =	vmor vm11, vm6;
	v57 =	vsel vm0, v57, v59  }
0xbf: {  	v56 =	vld [tilespmem:s3+$0xFFFFFFA0];
	vm6 =	vmor vm2, vm6;
	vm2 =	vgt.f32 v35, $0.0e+00;
	v0 =	vadd.f32 v57, v22  }
0xc0: {  	vm2 =	vmor vm2, vm9;
	v62 =	vsel vm10, v62, v6;
	v51 =	vsel vm7, v51, v1;
	v1 =	vld [tilespmem:$0x1FFF0]  }
0xc1: {  	vm9 =	vlt.f32 v52, $0.0e+00;
	v51 =	vadd.f32 v51, v14;
	v14 =	vmovc v24;
	v24 =	vmovc v39;
	v39 =	vmov v52;
	v52 =	vld [tilespmem:s3+$0xFFFFFFB0];
	[tilespmem:s24+$0x20] =	vst v0  }
0xc2: {  	v62 =	vadd.f32 v62, v10;
	v0 =	vld [tilespmem:s29+$0x70]  }
0xc3: {  	vm14 =	vlt.f32 v61, $0.0e+00;
	vm11 =	vgt.f32 v61, $0.0e+00;
	v55 =	vsel vm3, v55, v59;
	v22 =	vmovc v34;
	v34 =	vmovc v50;
	v50 =	vld [tilespmem:s3+$0x20]  }
0xc4: {  	vm11 =	vmor vm11, vm14;
	v10 =	vmovc v17;
	v17 =	vmovc v31;
	v31 =	vmov v58;
	v55 =	vadd.f32 v55, v23;
	[tilespmem:s23+$0x60] =	vst v62;
	v58 =	vld [tilespmem:s3+$0x0]  }
0xc5: {  	vm4 =	vgt.f32 v36, $0.0e+00;
	vm12 =	vmor vm8, vm2;
	vm13 =	vgt.f32 v39, $0.0e+00;
	[tilespmem:s23+$0xFFFFFFD0] =	vst v51;
	v57 =	vld [tilespmem:s3+$0x10]  }
0xc6: {  	vm8 =	vlt.f32 v36, $0.0e+00;
	vm2 =	vmmov vm3;
	vm3 =	vmor vm13, vm9;
	v59 =	vld [tilespmem:s26+$0xB0];
	[tilespmem:s24+$0xFFFFFFA0] =	vst v55  }
0xc7: {  	v23 =	vmovc v40;
	v40 =	vmovc v45;
	v45 =	vmov v56;
	v51 =	vmpcnt.ones.xlane vm6;
	vm9 =	vmor vm12, vm3;
	v56 =	vld [tilespmem:s26+$0x20]  }
0xc8: {  	vm3 =	vmmov vm5;
	vm5 =	vlt.f32 v54, $0.0e+00;
	v62 =	vld [tilespmem:s29+$0xFFFFFFF0];
	vm9 =	vmor vm9, vm11  }
0xc9: {  	v0 =	vsel vm0, v0, v1;
	vm6 =	vlt.f32 v50, $0.0e+00;
	vm12 =	vgt.f32 v50, $0.0e+00  }
0xca: {  	v55 =	vld [tilespmem:s3+$0xFFFFFF90];
	vm11 =	vgt.f32 v57, $0.0e+00;
	vm13 =	vgt.f32 v58, $0.0e+00;
	v0 =	vadd.f32 v0, v26  }
0xcb: {  	v26 =	vmovc v38;
	vm6 =	vmor vm12, vm6;
	vm12 =	vmor vm4, vm8;
	vm4 =	vgt.s32 v51, $0x0  }
0xcc: {  	v38 =	vmovc v49;
	vm8 =	vgt.f32 v54, $0.0e+00;
	v51 =	vsel vm10, v59, v7;
	v49 =	vsel vm7, v56, v6;
	v56 =	vld [tilespmem:s2+$0xFFFFFFC0];
	[tilespmem:s24+$0x30] =	vst v0  }
0xcd: {  	vm10 =	vlt.f32 v52, $0.0e+00;
	vm5 =	vmor vm8, vm5;
	v1 =	vsel vm2, v62, v1;
	v0 =	vld [tilespmem:s29+$0x80];
	[tilespmem:s25+$0x0] =	vst v63  }
0xce: {  	vm8 =	vgt.f32 v52, $0.0e+00;
	vm9 =	vmor vm9, vm12;
	v59 =	vadd.f32 v1, v20;
	v63 =	vld [tilespmem:s31+$0x50]  }
0xcf: {  	vm12 =	vlt.f32 v58, $0.0e+00;
	vm14 =	vlt.f32 v55, $0.0e+00;
	v1 =	vadd.f32 v49, v11;
	v62 =	vld [tilespmem:s2+$0x40]  }
0xd0: {  	vm15 =	vgt.f32 v55, $0.0e+00;
	vm8 =	vmor vm8, vm10;
	vm10 =	vlt.f32 v57, $0.0e+00;
	v49 =	vld [tilespmem:s3+$0x30];
	[tilespmem:s24+$0xFFFFFFB0] =	vst v59  }
0xd1: {  	v20 =	vmovc v32;
	vm14 =	vmor vm15, vm14;
	vm15 =	vlt.f32 v45, $0.0e+00;
	vm12 =	vmor vm13, vm12;
	v59 =	vld [tilespmem:s29+$0x0];
	[tilespmem:s23+$0xFFFFFFE0] =	vst v1  }
0xd2: {  	s0 =	sadd.s32 $0x2, s0;
	v32 =	vmovc v47;
	v11 =	vmovc v18;
	vm13 =	vgt.f32 v45, $0.0e+00;
	vm10 =	vmor vm11, vm10;
	v1 =	vld [tilespmem:s26+$0x30];
	v0 =	vsel vm0, v0, v5  }
0xd3: {  	p0 =	slt.u32 s0, $0xC6;
	v18 =	vmovc v30;
	v47 =	vmovc v52;
	vm5 =	vmor vm5, vm14;
	vm10 =	vmor vm12, vm10;
	v52 =	vld [tilespmem:s3+$0xFFFFFFC0];
	v0 =	vadd.f32 v0, v25  }
.Ltmp2:
0xd4: {  	v30 =	vmovc v61;
	s26 =	smov.u32 s29;
	s29 =	smov.u32 s31;
	[tilespmem:s25+$0xFFFFFF80] =	vst v46;
	v61 =	vsel vm1, v63, v2;
	v2 =	vmpcnt.ones.xlane vm9;
	v63 =	vsel vm4, v62, v4;
	(pc) =	sbr.rel @p0 .LBB2_3-.Ltmp2, $4  }
0xd5: {  	vm9 =	vmor vm13, vm15;
	[tilespmem:s24+$0x40] =	vst v0;
	v0 =	vadd.f32 v51, v9;
	v9 =	vmovc v15;
	v15 =	vmovc v29;
	v29 =	vmov v60;
	v60 =	vld [tilespmem:s29+$0xFFFFFFD0]  }
0xd6: {  	vm11 =	vlt.f32 v49, $0.0e+00;
	vm12 =	vgt.f32 v49, $0.0e+00;
	vm9 =	vmor vm5, vm9;
	v51 =	vld [tilespmem:s3+$0x50]  }
0xd7: {  	s30 =	smov.u32 s3;
	v25 =	vmovc v37;
	v37 =	vmovc v48;
	vm5 =	vgt.s32 v2, $0x0;
	vm8 =	vmor vm9, vm8;
	v46 =	vsel vm7, v1, v7;
	v62 =	vld [tilespmem:s26+$0x90];
	[tilespmem:s23+$0x70] =	vst v0  }
0xd8: {  	s31 =	smov.u32 s2;
	s2 =	sadd.s32 $0x100, s2;
	vm9 =	vlt.f32 v52, $0.0e+00;
	vm7 =	vmor vm12, vm11;
	v46 =	vadd.f32 v46, v8;
	v8 =	vmovc v16;
	v16 =	vmovc v53;
	v48 =	vld [tilespmem:s3+$0x40];
	s3 =	sadd.s32 $0x100, s3  }
0xd9: {  	v2 =	vld [tilespmem:s30+$0x60];
	_ =	sdelay $0x4  }
0xda: {  	[tilespmem:$0x1FF50] =	vst v2  }
0xdb: {  	v0 =	vld [tilespmem:s30+$0x70];
	_ =	sdelay $0x3  }
0xdc: {  	vm6 =	vmor vm10, vm6;
	vm12 =	vlt.f32 v51, $0.0e+00  }
0xdd: {  	vm13 =	vgt.f32 v51, $0.0e+00;
	vm10 =	vlt.f32 v48, $0.0e+00;
	vm11 =	vgt.f32 v48, $0.0e+00;
	[tilespmem:$0x1FF70] =	vst v0  }
0xde: {  	vm6 =	vmor vm6, vm7;
	vm10 =	vmor vm11, vm10;
	vm11 =	vmor vm13, vm12;
	v1 =	vld [tilespmem:s30+$0xFFFFFFF0]  }
0xdf: {  	vm7 =	vlt.f32 v2, $0.0e+00;
	vm6 =	vmor vm6, vm10;
	vm10 =	vgt.f32 v2, $0.0e+00;
	v5 =	vld [tilespmem:s30+$0xFFFFFFD0]  }
0xe0: {  	vm6 =	vmor vm6, vm11;
	vm7 =	vmor vm10, vm7;
	v3 =	vld [tilespmem:s30+$0xFFFFFFE0]  }
0xe1: {  	vm6 =	vmor vm6, vm7;
	vm7 =	vgt.f32 v52, $0.0e+00  }
0xe2: {  	vm7 =	vmor vm7, vm9;
	vm10 =	vlt.f32 v0, $0.0e+00;
	vm11 =	vgt.f32 v0, $0.0e+00  }
0xe3: {  	vm7 =	vmor vm8, vm7;
	vm10 =	vmor vm11, vm10;
	[tilespmem:$0x1FF80] =	vst v1  }
0xe4: {  	vm11 =	vgt.f32 v1, $0.0e+00;
	[tilespmem:$0x1FF40] =	vst v5;
	vm9 =	vlt.f32 v5, $0.0e+00;
	vm8 =	vgt.f32 v5, $0.0e+00  }
0xe5: {  	[tilespmem:$0x1FF60] =	vst v3;
	vm12 =	vgt.f32 v3, $0.0e+00;
	vm8 =	vmor vm8, vm9;
	vm9 =	vlt.f32 v3, $0.0e+00  }
0xe6: {  	v2 =	vld [tilespmem:s2+$0x40];
	vm7 =	vmor vm7, vm8;
	vm8 =	vlt.f32 v1, $0.0e+00;
	vm9 =	vmor vm12, vm9  }
0xe7: {  	vm6 =	vmor vm6, vm10;
	v53 =	vld [tilespmem:s2+$0xFFFFFFC0];
	vm8 =	vmor vm11, vm8;
	vm7 =	vmor vm7, vm9  }
0xe8: {  	v0 =	vmpcnt.ones.xlane vm6;
	vm7 =	vmor vm7, vm8  }
0xe9: {  	v1 =	vmpcnt.ones.xlane vm7  }
0xea: {  	v44 =	vadd.f32 v63, v44;
	vm7 =	vgt.s32 v0, $0x0;
	v0 =	vsel vm5, v56, v4  }
0xeb: {  	v0 =	vadd.f32 v0, v43;
	vm8 =	vgt.s32 v1, $0x0;
	v1 =	vsel vm7, v2, v4  }
0xec: {  	[tilespmem:s28+$0x0] =	vst v44;
	v1 =	vadd.f32 v1, v58;
	v58 =	vsel vm8, v53, v4  }
0xed: {  	[tilespmem:s28+$0xFFFFFF80] =	vst v0;
	v43 =	vadd.f32 v58, v54  }
0xee: {  	[tilespmem:s30+$0x0] =	vst v1  }
0xef: {  	[tilespmem:s30+$0xFFFFFF80] =	vst v43  }
0xf0: {  	v58 =	vld [tilespmem:$0x1FFB0]  }
0xf1: {  	v0 =	vld [tilespmem:s31+$0x50]  }
0xf2: {  	v44 =	vld [tilespmem:s31+$0xFFFFFFD0]  }
0xf3: {  	v1 =	vld [tilespmem:s2+$0x50]  }
0xf4: {  	v43 =	vld [tilespmem:s2+$0xFFFFFFD0]  }
0xf5: {  	v27 =	vadd.f32 v61, v27;
	vm4 =	vmmov vm4;
	v61 =	vsel vm3, v60, v58  }
0xf6: {  	vm6 =	vmmov vm5;
	v0 =	vsel vm4, v0, v58;
	v28 =	vadd.f32 v61, v28  }
0xf7: {  	vm9 =	vmmov vm7;
	[tilespmem:s25+$0x10] =	vst v27;
	v27 =	vsel vm6, v44, v58;
	v0 =	vadd.f32 v0, v41  }
0xf8: {  	vm7 =	vmmov vm8;
	v1 =	vsel vm9, v1, v58;
	v27 =	vadd.f32 v27, v42;
	[tilespmem:s25+$0xFFFFFF90] =	vst v28  }
0xf9: {  	[tilespmem:s28+$0x10] =	vst v0;
	v0 =	vadd.f32 v1, v57;
	v1 =	vsel vm7, v43, v58  }
0xfa: {  	[tilespmem:s28+$0xFFFFFF90] =	vst v27;
	v1 =	vadd.f32 v1, v55  }
0xfb: {  	[tilespmem:s30+$0x10] =	vst v0  }
0xfc: {  	v53 =	vld [tilespmem:s29+$0x60];
	[tilespmem:s30+$0xFFFFFF90] =	vst v1  }
0xfd: {  	v2 =	vld [tilespmem:$0x1FFE0]  }
0xfe: {  	v28 =	vld [tilespmem:s29+$0xFFFFFFE0]  }
0xff: {  	v54 =	vld [tilespmem:s31+$0x60]  }
0x100: {  	v0 =	vld [tilespmem:s2+$0x60]  }
0x101: {  	vm5 =	vmmov vm1;
	v27 =	vld [tilespmem:s31+$0xFFFFFFE0]  }
0x102: {  	v56 =	vld [tilespmem:s2+$0xFFFFFFE0];
	v1 =	vsel vm5, v53, v2  }
0x103: {  	vm4 =	vmmov vm4;
	v1 =	vadd.f32 v1, v22;
	v22 =	vsel vm3, v28, v2  }
0x104: {  	vm1 =	vmmov vm9;
	v22 =	vadd.f32 v22, v23;
	v23 =	vsel vm4, v54, v2  }
0x105: {  	v0 =	vsel vm1, v0, v2;
	[tilespmem:s25+$0x20] =	vst v1;
	v1 =	vadd.f32 v23, v34  }
0x106: {  	v0 =	vadd.f32 v0, v50;
	v23 =	vsel vm6, v27, v2;
	[tilespmem:s25+$0xFFFFFFA0] =	vst v22  }
0x107: {  	v22 =	vadd.f32 v23, v40;
	[tilespmem:s28+$0x20] =	vst v1;
	v1 =	vsel vm7, v56, v2  }
0x108: {  	[tilespmem:s30+$0x20] =	vst v0;
	v1 =	vadd.f32 v1, v45  }
0x109: {  	[tilespmem:s28+$0xFFFFFFA0] =	vst v22  }
0x10a: {  	v27 =	vld [tilespmem:s29+$0x70];
	[tilespmem:s30+$0xFFFFFFA0] =	vst v1  }
0x10b: {  	v3 =	vld [tilespmem:$0x1FFF0]  }
0x10c: {  	v23 =	vld [tilespmem:s29+$0xFFFFFFF0]  }
0x10d: {  	v0 =	vld [tilespmem:s2+$0x70]  }
0x10e: {  	v28 =	vld [tilespmem:s31+$0x70]  }
0x10f: {  	v22 =	vld [tilespmem:s31+$0xFFFFFFF0]  }
0x110: {  	vm8 =	vmmov vm3;
	v1 =	vsel vm5, v27, v3  }
0x111: {  	v23 =	vsel vm8, v23, v3;
	v1 =	vadd.f32 v1, v26  }
0x112: {  	v0 =	vsel vm1, v0, v3;
	v20 =	vadd.f32 v23, v20  }
0x113: {  	vm6 =	vmmov vm6;
	v23 =	vsel vm4, v28, v3;
	v0 =	vadd.f32 v0, v49;
	[tilespmem:s25+$0x30] =	vst v1  }
0x114: {  	v22 =	vsel vm6, v22, v3;
	v1 =	vadd.f32 v23, v38;
	[tilespmem:s25+$0xFFFFFFB0] =	vst v20  }
0x115: {  	v20 =	vadd.f32 v22, v32;
	[tilespmem:s30+$0x30] =	vst v0  }
0x116: {  	v27 =	vld [tilespmem:s2+$0xFFFFFFF0];
	[tilespmem:s28+$0x30] =	vst v1  }
0x117: {  	[tilespmem:s28+$0xFFFFFFB0] =	vst v20  }
0x118: {  	v63 =	vmov v4;
	v4 =	vld [tilespmem:$0x1FFC0]  }
0x119: {  	v23 =	vld [tilespmem:s29+$0x80]  }
0x11a: {  	vm7 =	vmmov vm7;
	v22 =	vld [tilespmem:s29+$0x0]  }
0x11b: {  	v1 =	vsel vm7, v27, v3;
	v26 =	vld [tilespmem:s31+$0x80]  }
0x11c: {  	v1 =	vadd.f32 v1, v47;
	v20 =	vld [tilespmem:s31+$0x0]  }
0x11d: {  	v0 =	vsel vm2, v59, v4  }
0x11e: {  	[tilespmem:s30+$0xFFFFFFB0] =	vst v1;
	v1 =	vsel vm5, v23, v4;
	v0 =	vadd.f32 v0, v13  }
0x11f: {  	v22 =	vsel vm8, v22, v4;
	v1 =	vadd.f32 v1, v25  }
0x120: {  	[tilespmem:s24+$0xFFFFFFC0] =	vst v0;
	v0 =	vadd.f32 v22, v21;
	v21 =	vsel vm4, v26, v4  }
0x121: {  	v20 =	vsel vm6, v20, v4;
	[tilespmem:s25+$0x40] =	vst v1;
	v1 =	vadd.f32 v21, v37  }
0x122: {  	[tilespmem:s25+$0xFFFFFFC0] =	vst v0;
	v0 =	vadd.f32 v20, v35  }
0x123: {  	v27 =	vld [tilespmem:s2+$0x80];
	[tilespmem:s28+$0x40] =	vst v1  }
0x124: {  	v13 =	vld [tilespmem:s2+$0x0];
	[tilespmem:s28+$0xFFFFFFC0] =	vst v0  }
0x125: {  	v5 =	vld [tilespmem:$0x1FFD0]  }
0x126: {  	v22 =	vld [tilespmem:s26+$0x10]  }
0x127: {  	v21 =	vld [tilespmem:s29+$0x90]  }
0x128: {  	v20 =	vsel vm1, v27, v4;
	v23 =	vld [tilespmem:s29+$0x10]  }
0x129: {  	v1 =	vadd.f32 v20, v48;
	v13 =	vsel vm7, v13, v4;
	v20 =	vld [tilespmem:s31+$0x90]  }
0x12a: {  	vm3 =	vmmov vm2;
	v0 =	vadd.f32 v13, v52;
	v25 =	vld [tilespmem:s31+$0x10];
	v13 =	vsel vm0, v62, v5  }
0x12b: {  	[tilespmem:s30+$0x40] =	vst v1;
	v1 =	vadd.f32 v13, v12;
	v12 =	vsel vm3, v22, v5  }
0x12c: {  	vm2 =	vmmov vm8;
	[tilespmem:s30+$0xFFFFFFC0] =	vst v0;
	v0 =	vadd.f32 v12, v14;
	v12 =	vsel vm5, v21, v5  }
0x12d: {  	[tilespmem:s24+$0x50] =	vst v1;
	v1 =	vadd.f32 v12, v19;
	v12 =	vsel vm2, v23, v5  }
0x12e: {  	vm6 =	vmmov vm6;
	[tilespmem:s24+$0xFFFFFFD0] =	vst v0;
	v0 =	vadd.f32 v12, v24;
	v12 =	vsel vm4, v20, v5  }
0x12f: {  	[tilespmem:s25+$0x50] =	vst v1;
	v1 =	vadd.f32 v12, v33;
	v12 =	vsel vm6, v25, v5  }
0x130: {  	v13 =	vld [tilespmem:s2+$0x90];
	[tilespmem:s25+$0xFFFFFFD0] =	vst v0;
	v0 =	vadd.f32 v12, v39  }
0x131: {  	v14 =	vld [tilespmem:s2+$0x10];
	[tilespmem:s28+$0x50] =	vst v1  }
0x132: {  	v19 =	vld [tilespmem:s26+$0xA0];
	[tilespmem:s28+$0xFFFFFFD0] =	vst v0  }
0x133: {  	v0 =	vld [tilespmem:$0x1FF40]  }
0x134: {  	v20 =	vld [tilespmem:s26+$0x20]  }
0x135: {  	v21 =	vld [tilespmem:s29+$0xA0]  }
0x136: {  	vm7 =	vmmov vm7;
	v12 =	vsel vm1, v13, v5;
	v13 =	vld [tilespmem:s29+$0x20]  }
0x137: {  	vm8 =	vmmov vm0;
	v1 =	vadd.f32 v12, v51;
	v12 =	vsel vm7, v14, v5;
	v14 =	vld [tilespmem:s31+$0xA0]  }
0x138: {  	v0 =	vadd.f32 v12, v0;
	v12 =	vsel vm8, v19, v6;
	v19 =	vld [tilespmem:s31+$0x20]  }
0x139: {  	vm0 =	vmmov vm5;
	[tilespmem:s30+$0x50] =	vst v1;
	v1 =	vadd.f32 v12, v10;
	v10 =	vsel vm3, v20, v6  }
0x13a: {  	[tilespmem:s30+$0xFFFFFFD0] =	vst v0;
	v0 =	vadd.f32 v10, v11;
	v10 =	vsel vm0, v21, v6  }
0x13b: {  	vm4 =	vmmov vm4;
	[tilespmem:s24+$0x60] =	vst v1;
	v1 =	vadd.f32 v10, v17;
	v10 =	vsel vm2, v13, v6  }
0x13c: {  	[tilespmem:s24+$0xFFFFFFE0] =	vst v0;
	v0 =	vadd.f32 v10, v18;
	v10 =	vsel vm4, v14, v6  }
0x13d: {  	v12 =	vld [tilespmem:s2+$0xA0];
	[tilespmem:s25+$0x60] =	vst v1;
	v1 =	vadd.f32 v10, v31;
	v10 =	vsel vm6, v19, v6  }
0x13e: {  	v11 =	vld [tilespmem:s2+$0x20];
	[tilespmem:s25+$0xFFFFFFE0] =	vst v0;
	v0 =	vadd.f32 v10, v30  }
0x13f: {  	v13 =	vld [tilespmem:s26+$0xB0];
	[tilespmem:s28+$0x60] =	vst v1  }
0x140: {  	v1 =	vld [tilespmem:$0x1FF50];
	[tilespmem:s28+$0xFFFFFFE0] =	vst v0  }
0x141: {  	v0 =	vld [tilespmem:$0x1FF60]  }
0x142: {  	v14 =	vld [tilespmem:s26+$0x30]  }
0x143: {  	vm1 =	vmmov vm1;
	v17 =	vld [tilespmem:s29+$0xB0]  }
0x144: {  	v10 =	vsel vm1, v12, v6;
	v12 =	vld [tilespmem:s29+$0x30]  }
0x145: {  	v1 =	vadd.f32 v10, v1;
	v10 =	vsel vm7, v11, v6;
	v11 =	vld [tilespmem:s31+$0xB0]  }
0x146: {  	[tilespmem:s23+$0xFFFFFFF0] =	vst v46;
	v0 =	vadd.f32 v10, v0;
	v10 =	vsel vm8, v13, v7;
	v13 =	vld [tilespmem:s31+$0x30]  }
0x147: {  	[tilespmem:s30+$0x60] =	vst v1;
	v1 =	vadd.f32 v10, v9;
	v9 =	vsel vm3, v14, v7  }
0x148: {  	[tilespmem:s30+$0xFFFFFFE0] =	vst v0;
	v0 =	vadd.f32 v9, v8;
	v8 =	vsel vm0, v17, v7  }
0x149: {  	[tilespmem:s24+$0x70] =	vst v1;
	v1 =	vadd.f32 v8, v15;
	v8 =	vsel vm2, v12, v7  }
0x14a: {  	[tilespmem:s24+$0xFFFFFFF0] =	vst v0;
	v0 =	vadd.f32 v8, v16;
	v8 =	vsel vm4, v11, v7  }
0x14b: {  	[tilespmem:s25+$0x70] =	vst v1;
	v1 =	vadd.f32 v8, v29;
	v8 =	vsel vm6, v13, v7  }
0x14c: {  	v10 =	vld [tilespmem:s2+$0xB0];
	[tilespmem:s25+$0xFFFFFFF0] =	vst v0;
	v0 =	vadd.f32 v8, v36  }
0x14d: {  	v9 =	vld [tilespmem:s2+$0x30];
	[tilespmem:s28+$0x70] =	vst v1  }
0x14e: {  	v1 =	vld [tilespmem:$0x1FF70];
	[tilespmem:s28+$0xFFFFFFF0] =	vst v0  }
0x14f: {  	v0 =	vld [tilespmem:$0x1FF80];
	_ =	sdelay $0x2  }
0x150: {  	s23 =	sshll.u32 s22, $0x2;
	v8 =	vsel vm1, v10, v7  }
0x151: {  	s0 =	sadd.s32 s5, s23;
	v1 =	vadd.f32 v8, v1;
	v8 =	vsel vm7, v9, v7  }
0x152: {  	s0 =	smul.u32 $0xC80, s0;
	v0 =	vadd.f32 v8, v0  }
0x153: {  	[tilespmem:s30+$0x70] =	vst v1  }
0x154: {  	p0 =	seq.s32 s22, $0x0;
	s0 =	sadd.s32 s4, s0;
	[tilespmem:s30+$0xFFFFFFF0] =	vst v0;
	s30 =	sor.u32 s23, s5  }
0x155: {  	[hbm4b:s0+s6] =	stream.linear.scatter [tilespmem:s15], [sflag:$0x2], $0x6400, $0x38;
	[tilespmem:$0x1F800] =	vst v63  }
0x156: {  	s2 =	simm.s32 @!p0 $0x2;
	s0 =	smul.u32 $0xC80, s30  }
0x157: {  	_ =	swait.ge @!p0 [sflag:s2], $0x6400  }
0x158: {  	[sflag:s2] =	ssyncset.done @!p0 $0x0;
	s24 =	sadd.s32 $0x2580, s0  }
0x159: {  	s31 =	simm.s32 $0x0;
	[sflag:s2] =	ssyncadd.s32 @!p0 $0xFFFF9C00;
	s0 =	sadd.s32 s1, s24  }
0x15a: {  	[tilespmem:s19], [sflag:$0x1] =	stream.linear.gather [hbm4b:s0+s31], $0x6400, $0x38;
	[tilespmem:$0x1F800] =	vst v63  }
0x15b: {  	_ =	swait.ge [sflag:s18], $0x6400  }
0x15c: {  	[sflag:s18] =	ssyncset.done $0x0  }
0x15d: {  	s2 =	simm.s32 $0x0;
	[sflag:s18] =	ssyncadd.s32 $0xFFFF9C00  }
0x15e: {  	v9 =	vld [tilespmem:s2+$0xCCB0]  }
0x15f: {  	v34 =	vld [tilespmem:s2+$0xCC50]  }
0x160: {  	v57 =	vld [tilespmem:s2+$0xCC60]  }
0x161: {  	v35 =	vld [tilespmem:s2+$0xCC30]  }
0x162: {  	v8 =	vld [tilespmem:s2+$0xCCA0]  }
0x163: {  	v21 =	vld [tilespmem:s2+$0xCC90]  }
0x164: {  	v37 =	vld [tilespmem:s2+$0xCC10]  }
0x165: {  	v59 =	vld [tilespmem:s2+$0xCC00]  }
0x166: {  	v10 =	vld [tilespmem:s2+$0xCC80]  }
0x167: {  	v19 =	vld [tilespmem:s2+$0xCCD0];
	vm1 =	vlt.f32 v34, $0.0e+00;
	vm2 =	vgt.f32 v34, $0.0e+00;
	vm4 =	vlt.f32 v35, $0.0e+00  }
0x168: {  	v40 =	vld [tilespmem:s2+$0xCC40];
	vm0 =	vlt.f32 v57, $0.0e+00;
	vm5 =	vgt.f32 v35, $0.0e+00;
	vm3 =	vgt.f32 v57, $0.0e+00  }
0x169: {  	vm7 =	vlt.f32 v21, $0.0e+00;
	vm8 =	vgt.f32 v21, $0.0e+00;
	vm9 =	vgt.f32 v9, $0.0e+00  }
0x16a: {  	v60 =	vld [tilespmem:s2+$0xCC20];
	vm10 =	vgt.f32 v59, $0.0e+00;
	vm11 =	vlt.f32 v37, $0.0e+00;
	vm12 =	vgt.f32 v8, $0.0e+00  }
0x16b: {  	v33 =	vld [tilespmem:s2+$0xCCF0];
	vm6 =	vmor vm5, vm4;
	vm5 =	vgt.f32 v10, $0.0e+00;
	vm4 =	vmor vm2, vm1  }
0x16c: {  	v0 =	vld [tilespmem:s2+$0xC0];
	vm2 =	vgt.f32 v37, $0.0e+00;
	vm1 =	vlt.f32 v9, $0.0e+00;
	vm7 =	vmor vm8, vm7  }
0x16d: {  	v15 =	vld [tilespmem:s2+$0xCCC0];
	vm8 =	vlt.f32 v40, $0.0e+00;
	vm0 =	vmor vm3, vm0;
	vm3 =	vgt.f32 v19, $0.0e+00  }
0x16e: {  	s26 =	simm.s32 $0x100;
	v1 =	vld [tilespmem:s2+$0xD0];
	vm1 =	vmor vm9, vm1;
	vm9 =	vlt.f32 v59, $0.0e+00;
	vm2 =	vmor vm2, vm11  }
0x16f: {  	v28 =	vld [tilespmem:s26+$0xCC00];
	vm11 =	vlt.f32 v60, $0.0e+00;
	vm9 =	vmor vm10, vm9;
	vm10 =	vgt.f32 v60, $0.0e+00  }
0x170: {  	v27 =	vld [tilespmem:s2+$0xCCE0];
	vm9 =	vmor vm9, vm2;
	vm2 =	vgt.f32 v33, $0.0e+00;
	vm10 =	vmor vm10, vm11  }
0x171: {  	v61 =	vld [tilespmem:s2+$0xCC70];
	vm11 =	vlt.f32 v10, $0.0e+00;
	vm9 =	vmor vm9, vm10;
	vm10 =	vlt.f32 v8, $0.0e+00  }
0x172: {  	v30 =	vld [tilespmem:s26+$0xCC20];
	vm11 =	vmor vm5, vm11;
	vm5 =	vlt.f32 v15, $0.0e+00;
	vm6 =	vmor vm9, vm6  }
0x173: {  	v14 =	vld [tilespmem:s2+$0xE0];
	vm9 =	vmor vm12, vm10;
	vm10 =	vgt.f32 v40, $0.0e+00;
	vm12 =	vlt.f32 v19, $0.0e+00  }
0x174: {  	v26 =	vld [tilespmem:s26+$0xCC10];
	vm7 =	vmor vm11, vm7;
	vm11 =	vgt.f32 v28, $0.0e+00;
	vm8 =	vmor vm10, vm8  }
0x175: {  	v20 =	vld [tilespmem:s2+$0xB0];
	vm10 =	vgt.f32 v15, $0.0e+00;
	vm3 =	vmor vm3, vm12;
	vm12 =	vlt.f32 v28, $0.0e+00  }
0x176: {  	v12 =	vld [tilespmem:s26+$0xCCB0];
	vm6 =	vmor vm6, vm8;
	vm8 =	vgt.f32 v61, $0.0e+00;
	vm11 =	vmor vm11, vm12  }
0x177: {  	v16 =	vld [tilespmem:s26+$0xCC30];
	vm12 =	vlt.f32 v30, $0.0e+00;
	vm4 =	vmor vm6, vm4;
	vm6 =	vlt.f32 v61, $0.0e+00  }
0x178: {  	v22 =	vld [tilespmem:s2+$0x90];
	vm0 =	vmor vm4, vm0;
	vm4 =	vmor vm8, vm6;
	vm6 =	vmor vm7, vm9  }
0x179: {  	v11 =	vld [tilespmem:s26+$0xCC50];
	vm7 =	vgt.f32 v27, $0.0e+00;
	vm9 =	vgt.f32 v26, $0.0e+00;
	vm0 =	vmor vm0, vm4  }
0x17a: {  	v13 =	vld [tilespmem:s2+$0x80];
	vm4 =	vlt.f32 v27, $0.0e+00;
	vm1 =	vmor vm6, vm1;
	v18 =	vmpcnt.ones.xlane vm0  }
0x17b: {  	v23 =	vld [tilespmem:s2+$0xA0];
	vm0 =	vmor vm7, vm4;
	vm4 =	vmor vm10, vm5;
	vm5 =	vlt.f32 v33, $0.0e+00  }
0x17c: {  	v24 =	vld [tilespmem:s2+$0xF0];
	vm7 =	vgt.f32 v16, $0.0e+00;
	vm10 =	vgt.f32 v12, $0.0e+00;
	vm4 =	vmor vm1, vm4  }
0x17d: {  	v17 =	vld [tilespmem:s26+$0xCC60];
	vm1 =	vmor vm2, vm5;
	vm5 =	vlt.f32 v16, $0.0e+00;
	vm6 =	vgt.s32 v18, $0x0  }
0x17e: {  	vm2 =	vmor vm4, vm3;
	vm3 =	vlt.f32 v11, $0.0e+00;
	vm4 =	vgt.f32 v11, $0.0e+00  }
0x17f: {  	vm7 =	vmor vm7, vm5;
	v62 =	vsel vm6, v13, v63;
	v52 =	vsel vm6, v22, v58  }
0x180: {  	v29 =	vld [tilespmem:s26+$0xC0];
	v53 =	vsel vm6, v23, v2;
	v54 =	vsel vm6, v20, v3;
	v0 =	vsel vm6, v0, v4  }
0x181: {  	v25 =	vld [tilespmem:s26+$0xCCE0];
	v1 =	vsel vm6, v1, v5;
	v55 =	vsel vm6, v24, v7;
	v56 =	vsel vm6, v14, v6  }
0x182: {  	v31 =	vld [tilespmem:s26+$0xD0];
	vm6 =	vlt.f32 v17, $0.0e+00;
	vm5 =	vmor vm4, vm3;
	vm3 =	vlt.f32 v12, $0.0e+00  }
0x183: {  	v18 =	vld [tilespmem:s26+$0xCC80];
	vm2 =	vmor vm2, vm0;
	v45 =	vadd.f32 v62, v59;
	v41 =	vadd.f32 v53, v60  }
0x184: {  	v13 =	vld [tilespmem:s26+$0xCC90];
	vm3 =	vmor vm10, vm3;
	v44 =	vadd.f32 v55, v61;
	v38 =	vadd.f32 v56, v57  }
0x185: {  	v20 =	vld [tilespmem:s26+$0xCCA0];
	vm10 =	vlt.f32 v26, $0.0e+00;
	v48 =	vadd.f32 v54, v35;
	v61 =	vadd.f32 v52, v37  }
0x186: {  	v14 =	vld [tilespmem:s26+$0xCCD0];
	vm1 =	vmor vm2, vm1;
	v1 =	vadd.f32 v1, v34;
	v0 =	vadd.f32 v0, v40  }
0x187: {  	v36 =	vld [tilespmem:s2+$0x150];
	vm9 =	vmor vm9, vm10;
	vm10 =	vgt.f32 v30, $0.0e+00;
	v59 =	vmpcnt.ones.xlane vm1  }
0x188: {  	v23 =	vld [tilespmem:s26+$0xCC40];
	vm9 =	vmor vm11, vm9;
	vm10 =	vmor vm10, vm12;
	vm8 =	vgt.f32 v18, $0.0e+00  }
0x189: {  	v32 =	vld [tilespmem:s26+$0xCC70];
	vm9 =	vmor vm9, vm10;
	vm10 =	vlt.f32 v18, $0.0e+00;
	vm4 =	vlt.f32 v13, $0.0e+00  }
0x18a: {  	v43 =	vld [tilespmem:s2+$0x160];
	vm11 =	vgt.f32 v13, $0.0e+00;
	vm12 =	vgt.f32 v20, $0.0e+00;
	vm7 =	vmor vm9, vm7  }
0x18b: {  	v42 =	vld [tilespmem:s2+$0x120];
	vm9 =	vlt.f32 v14, $0.0e+00;
	vm11 =	vmor vm11, vm4;
	vm4 =	vgt.f32 v14, $0.0e+00  }
0x18c: {  	v39 =	vld [tilespmem:s2+$0x140];
	vm8 =	vmor vm8, vm10;
	vm10 =	vlt.f32 v20, $0.0e+00;
	vm4 =	vmor vm4, vm9  }
0x18d: {  	v22 =	vld [tilespmem:s26+$0xCCF0];
	vm9 =	vlt.f32 v23, $0.0e+00;
	vm8 =	vmor vm8, vm11;
	vm11 =	vgt.f32 v23, $0.0e+00  }
0x18e: {  	v24 =	vld [tilespmem:s26+$0xCCC0];
	vm10 =	vmor vm12, vm10;
	vm12 =	vgt.f32 v17, $0.0e+00;
	vm9 =	vmor vm11, vm9  }
0x18f: {  	v57 =	vld [tilespmem:s2+$0x170];
	vm1 =	vlt.f32 v32, $0.0e+00;
	vm6 =	vmor vm12, vm6;
	vm7 =	vmor vm7, vm9  }
0x190: {  	v60 =	vld [tilespmem:s2+$0x100];
	[tilespmem:s2+$0xCC00] =	vst v45;
	vm8 =	vmor vm8, vm10;
	vm10 =	vlt.f32 v25, $0.0e+00;
	vm5 =	vmor vm7, vm5  }
0x191: {  	v62 =	vld [tilespmem:s2+$0x110];
	[tilespmem:s2+$0xCC20] =	vst v41;
	vm9 =	vgt.f32 v25, $0.0e+00;
	vm2 =	vmor vm5, vm6;
	vm5 =	vgt.f32 v32, $0.0e+00  }
0x192: {  	v34 =	vld [tilespmem:s26+$0xE0];
	[tilespmem:s2+$0xCC60] =	vst v38;
	vm3 =	vmor vm8, vm3;
	vm12 =	vmor vm9, vm10;
	vm1 =	vmor vm5, vm1  }
0x193: {  	v35 =	vld [tilespmem:s26+$0xB0];
	[tilespmem:s2+$0xCC10] =	vst v61;
	vm5 =	vlt.f32 v24, $0.0e+00;
	vm1 =	vmor vm2, vm1;
	vm2 =	vgt.f32 v24, $0.0e+00  }
0x194: {  	v37 =	vld [tilespmem:s26+$0x90];
	[tilespmem:s2+$0xCC70] =	vst v44;
	v40 =	vmpcnt.ones.xlane vm1;
	vm1 =	vgt.f32 v22, $0.0e+00;
	vm2 =	vmor vm2, vm5  }
0x195: {  	v38 =	vld [tilespmem:s2+$0x130];
	[tilespmem:s2+$0xCC30] =	vst v48;
	vm5 =	vlt.f32 v22, $0.0e+00;
	vm2 =	vmor vm3, vm2;
	vm3 =	vgt.s32 v59, $0x0  }
0x196: {  	[tilespmem:s2+$0xCC50] =	vst v1;
	v44 =	vld [tilespmem:s26+$0x80];
	vm5 =	vmor vm1, vm5;
	vm0 =	vmor vm2, vm4;
	v1 =	vsel vm3, v57, v7  }
0x197: {  	s3 =	simm.s32 $0x800;
	s0 =	simm.s32 $0x2;
	[tilespmem:s2+$0xCC40] =	vst v0;
	v41 =	vld [tilespmem:s26+$0xA0];
	v45 =	vsel vm3, v60, v63;
	v46 =	vsel vm3, v62, v58;
	v33 =	vadd.f32 v1, v33  }
.LBB2_5:
0x198: {  	v0 =	vimm.s32 $0x0;
	s25 =	sshra.s32 s3, $0x2  }
0x199: {  	v1 =	vadd.f32 v45, v10;
	vm4 =	vgt.s32 v40, $0x0;
	v0 =	vsel vm12, $0xFFFFFFFF, v0;
	v62 =	vld [tilespmem:s25+$0xCCB0];
	[tilespmem:s2+$0xCCF0] =	vst v33  }
0x19a: {  	v10 =	vmov v18;
	v18 =	vadd.f32 v46, v21;
	v31 =	vsel vm4, v31, v5;
	[tilespmem:$0x1FF10] =	vst v0  }
0x19b: {  	v48 =	vld [tilespmem:s25+$0xCC50];
	v51 =	vsel vm4, v29, v4;
	v0 =	vimm.s32 $0x0;
	[tilespmem:s2+$0xCC80] =	vst v1;
	v55 =	vadd.f32 v31, v11  }
0x19c: {  	v49 =	vld [tilespmem:s25+$0xCC60];
	[tilespmem:s2+$0xCC90] =	vst v18;
	v0 =	vsel vm5, $0xFFFFFFFF, v0;
	v38 =	vsel vm3, v38, v3;
	v39 =	vsel vm3, v39, v4  }
0x19d: {  	v50 =	vld [tilespmem:s25+$0xCC30];
	[tilespmem:$0x1FF30] =	vst v0;
	v21 =	vsel vm3, v42, v2;
	v47 =	vsel vm3, v43, v6;
	v1 =	vadd.f32 v38, v9  }
0x19e: {  	v56 =	vld [tilespmem:$0x1FF10];
	v36 =	vsel vm3, v36, v5;
	v9 =	vmovc v12;
	v12 =	vsel vm4, v44, v63;
	v27 =	vadd.f32 v47, v27  }
0x19f: {  	v0 =	vld [tilespmem:s26+$0xF0];
	v37 =	vsel vm4, v37, v58;
	v35 =	vsel vm4, v35, v3;
	v28 =	vadd.f32 v12, v28;
	[tilespmem:s2+$0xCCB0] =	vst v1  }
0x1a0: {  	v41 =	vsel vm4, v41, v2;
	v53 =	vadd.f32 v35, v16;
	v1 =	vadd.f32 v39, v15;
	v18 =	vld [tilespmem:s25+$0xCC80];
	[tilespmem:s2+$0xCCE0] =	vst v27  }
0x1a1: {  	v29 =	vsel vm4, v34, v6;
	v54 =	vadd.f32 v37, v26;
	v15 =	vadd.f32 v41, v30;
	[tilespmem:s26+$0xCC00] =	vst v28;
	v27 =	vld [tilespmem:s25+$0xCCA0]  }
0x1a2: {  	vm5 =	vlt.f32 v48, $0.0e+00;
	vm6 =	vgt.f32 v48, $0.0e+00;
	v30 =	vadd.f32 v21, v8;
	[tilespmem:s2+$0xCCC0] =	vst v1;
	v52 =	vld [tilespmem:s25+$0xCC10]  }
0x1a3: {  	vm7 =	vlt.f32 v50, $0.0e+00;
	vm3 =	vlt.f32 v49, $0.0e+00;
	v16 =	vmovc v50;
	v1 =	vadd.f32 v36, v19;
	v28 =	vld [tilespmem:s25+$0xCC00];
	[tilespmem:s26+$0xCC20] =	vst v15  }
0x1a4: {  	vm8 =	vgt.f32 v16, $0.0e+00;
	vm1 =	vmor vm6, vm5;
	v0 =	vsel vm4, v0, v7;
	v19 =	vld [tilespmem:s25+$0xCC90];
	[tilespmem:s2+$0xCCA0] =	vst v30  }
0x1a5: {  	vm5 =	vmmov vm0;
	v12 =	vmovc v62;
	v0 =	vadd.f32 v0, v32;
	[tilespmem:s2+$0xCCD0] =	vst v1;
	v1 =	vadd.f32 v29, v17;
	v29 =	vld [tilespmem:s25+$0xC0];
	s2 =	smov.u32 s26;
	s26 =	smov.u32 s25  }
0x1a6: {  	vm8 =	vmor vm8, vm7;
	vm6 =	vlt.f32 v12, $0.0e+00;
	vm9 =	vgt.f32 v12, $0.0e+00;
	v17 =	vmovc v49;
	v30 =	vld [tilespmem:s26+$0xCC20];
	[tilespmem:s2+$0xCC10] =	vst v54  }
0x1a7: {  	v60 =	vld [tilespmem:$0x1FF30];
	vm6 =	vmor vm9, vm6;
	vm4 =	vgt.f32 v17, $0.0e+00;
	[tilespmem:s2+$0xCC70] =	vst v0;
	v0 =	vadd.f32 v51, v23  }
0x1a8: {  	v15 =	vmovc v24;
	v24 =	vld [tilespmem:s26+$0xCCC0];
	vm10 =	vgt.f32 v18, $0.0e+00;
	[tilespmem:s2+$0xCC60] =	vst v1;
	v1 =	vimm.s32 $0x0;
	vm3 =	vmor vm4, vm3  }
0x1a9: {  	v8 =	vmovc v20;
	v21 =	vmovc v13;
	[tilespmem:s2+$0xCC30] =	vst v53;
	v36 =	vld [tilespmem:s2+$0x150];
	v1 =	vsel vm1, $0xFFFFFFFF, v1;
	vm7 =	vgt.f32 v52, $0.0e+00;
	vm14 =	vgt.f32 v28, $0.0e+00  }
0x1aa: {  	v20 =	vmovc v27;
	v26 =	vmovc v52;
	vm9 =	vlt.f32 v28, $0.0e+00;
	v23 =	vld [tilespmem:s26+$0xCC40];
	vm11 =	vlt.f32 v19, $0.0e+00;
	vm12 =	vgt.f32 v19, $0.0e+00  }
0x1ab: {  	v13 =	vmovc v19;
	v19 =	vmovc v14;
	v14 =	vld [tilespmem:s26+$0xCCD0];
	vm13 =	vgt.f32 v20, $0.0e+00;
	vm15 =	vlt.f32 v26, $0.0e+00;
	vm9 =	vmor vm14, vm9  }
0x1ac: {  	v43 =	vld [tilespmem:s2+$0x160];
	vm1 =	vlt.f32 v20, $0.0e+00;
	vm7 =	vmor vm7, vm15;
	vm11 =	vmor vm12, vm11  }
0x1ad: {  	v42 =	vld [tilespmem:s2+$0x120];
	vm1 =	vmor vm13, vm1;
	vm15 =	vgt.f32 v30, $0.0e+00;
	vm0 =	vlt.f32 v30, $0.0e+00  }
0x1ae: {  	v27 =	vmovc v25;
	v25 =	vld [tilespmem:s26+$0xCCE0];
	vm14 =	vmor vm9, vm7;
	vm0 =	vmor vm15, vm0;
	vm15 =	vlt.f32 v18, $0.0e+00  }
0x1af: {  	v31 =	vld [tilespmem:s26+$0xD0];
	[tilespmem:$0x1FF20] =	vst v1;
	vm9 =	vlt.f32 v24, $0.0e+00;
	vm0 =	vmor vm14, vm0;
	vm14 =	vmor vm10, vm15  }
0x1b0: {  	[tilespmem:s2+$0xCC50] =	vst v55;
	v59 =	vld [tilespmem:$0x1FF20];
	vm10 =	vgt.f32 v24, $0.0e+00;
	vm12 =	vlt.f32 v23, $0.0e+00;
	vm2 =	vlt.f32 v14, $0.0e+00  }
0x1b1: {  	[tilespmem:s2+$0xCC40] =	vst v0;
	v1 =	vld [tilespmem:s26+$0xCCF0];
	vm0 =	vmor vm0, vm8;
	vm8 =	vgt.f32 v14, $0.0e+00;
	vm4 =	vmor vm14, vm11  }
0x1b2: {  	v32 =	vld [tilespmem:s26+$0xCC70];
	vm11 =	vnez.u8 v56;
	vm8 =	vmor vm8, vm2;
	vm2 =	vgt.f32 v23, $0.0e+00  }
0x1b3: {  	v39 =	vld [tilespmem:s2+$0x140];
	vm1 =	vmor vm4, vm1;
	vm4 =	vlt.f32 v25, $0.0e+00;
	vm2 =	vmor vm2, vm12  }
0x1b4: {  	v57 =	vld [tilespmem:s2+$0x100];
	vm11 =	vmor vm5, vm11;
	vm0 =	vmor vm0, vm2;
	vm2 =	vgt.f32 v25, $0.0e+00  }
0x1b5: {  	v61 =	vld [tilespmem:s2+$0x110];
	vm5 =	vnez.u8 v59;
	vm12 =	vmor vm2, vm4;
	vm2 =	vnez.u8 v60  }
0x1b6: {  	s0 =	sadd.s32 $0x2, s0;
	v0 =	vld [tilespmem:s2+$0x170];
	vm7 =	vgt.f32 v1, $0.0e+00;
	vm0 =	vmor vm0, vm5;
	vm2 =	vmor vm11, vm2  }
0x1b7: {  	p0 =	slt.u32 s0, $0xC6;
	v38 =	vld [tilespmem:s2+$0x130];
	vm4 =	vlt.f32 v32, $0.0e+00;
	vm5 =	vgt.f32 v32, $0.0e+00;
	v62 =	vmpcnt.ones.xlane vm2  }
.Ltmp3:
0x1b8: {  	v34 =	vld [tilespmem:s26+$0xE0];
	vm1 =	vmor vm1, vm6;
	vm0 =	vmor vm0, vm3;
	vm2 =	vmor vm5, vm4;
	(pc) =	sbr.rel @p0 .LBB2_5-.Ltmp3, $4  }
0x1b9: {  	v35 =	vld [tilespmem:s26+$0xB0];
	vm0 =	vmor vm0, vm2;
	vm2 =	vlt.f32 v1, $0.0e+00;
	vm3 =	vgt.s32 v62, $0x0  }
0x1ba: {  	v37 =	vld [tilespmem:s26+$0x90];
	v40 =	vmpcnt.ones.xlane vm0;
	vm0 =	vmor vm10, vm9;
	vm5 =	vmor vm7, vm2  }
0x1bb: {  	v44 =	vld [tilespmem:s26+$0x80];
	vm0 =	vmor vm1, vm0;
	v45 =	vsel vm3, v57, v63;
	v0 =	vsel vm3, v0, v7  }
0x1bc: {  	s3 =	sadd.s32 $0x400, s3;
	v11 =	vmovc v48;
	v41 =	vld [tilespmem:s26+$0xA0];
	v46 =	vsel vm3, v61, v58;
	vm0 =	vmor vm0, vm8;
	v33 =	vadd.f32 v0, v22;
	v22 =	vmovc v1  }
0x1bd: {  	v0 =	vadd.f32 v45, v10  }
0x1be: {  	v1 =	vsel vm3, v38, v3;
	v10 =	vadd.f32 v46, v21;
	[tilespmem:s2+$0xCCF0] =	vst v33  }
0x1bf: {  	v21 =	vsel vm3, v43, v6;
	[tilespmem:s2+$0xCC80] =	vst v0;
	v0 =	vadd.f32 v1, v9  }
0x1c0: {  	vm4 =	vgt.s32 v40, $0x0;
	v1 =	vsel vm3, v39, v4;
	[tilespmem:s2+$0xCC90] =	vst v10;
	v9 =	vadd.f32 v21, v27  }
0x1c1: {  	v10 =	vsel vm4, v44, v63;
	[tilespmem:s2+$0xCCB0] =	vst v0;
	v0 =	vadd.f32 v1, v15  }
0x1c2: {  	v1 =	vld [tilespmem:s26+$0xF0];
	v10 =	vadd.f32 v10, v28;
	[tilespmem:s2+$0xCCE0] =	vst v9;
	v9 =	vsel vm4, v41, v2  }
0x1c3: {  	v15 =	vsel vm3, v36, v5;
	v9 =	vadd.f32 v9, v30;
	[tilespmem:s2+$0xCCC0] =	vst v0  }
0x1c4: {  	v0 =	vadd.f32 v15, v19;
	v15 =	vsel vm3, v42, v2;
	[tilespmem:s26+$0xCC00] =	vst v10  }
0x1c5: {  	v10 =	vsel vm4, v34, v6;
	v8 =	vadd.f32 v15, v8;
	[tilespmem:s26+$0xCC20] =	vst v9  }
0x1c6: {  	vm0 =	vmor vm0, vm12;
	v9 =	vadd.f32 v10, v17;
	v10 =	vld [tilespmem:s26+$0x170];
	[tilespmem:s2+$0xCCD0] =	vst v0;
	v0 =	vsel vm4, v37, v58  }
0x1c7: {  	vm0 =	vmor vm0, vm5;
	v1 =	vsel vm4, v1, v7;
	v0 =	vadd.f32 v0, v26;
	[tilespmem:s2+$0xCCA0] =	vst v8;
	v8 =	vld [tilespmem:s26+$0x100]  }
0x1c8: {  	v15 =	vsel vm4, v35, v3;
	v17 =	vmpcnt.ones.xlane vm0;
	[tilespmem:s26+$0xCC60] =	vst v9;
	v9 =	vld [tilespmem:s26+$0x110];
	v1 =	vadd.f32 v1, v32  }
0x1c9: {  	v19 =	vsel vm4, v31, v5;
	v15 =	vadd.f32 v15, v16;
	[tilespmem:s26+$0xCC10] =	vst v0;
	v0 =	vld [tilespmem:s26+$0x130]  }
0x1ca: {  	v11 =	vadd.f32 v19, v11;
	v16 =	vsel vm4, v29, v4;
	vm0 =	vgt.s32 v17, $0x0;
	[tilespmem:s26+$0xCC70] =	vst v1;
	v1 =	vld [tilespmem:s26+$0x160]  }
0x1cb: {  	[tilespmem:s26+$0xCC30] =	vst v15;
	v15 =	vadd.f32 v16, v23;
	v16 =	vld [tilespmem:s26+$0x140];
	v10 =	vsel vm0, v10, v7  }
0x1cc: {  	[tilespmem:s26+$0xCC50] =	vst v11;
	v11 =	vld [tilespmem:s26+$0x150];
	v10 =	vadd.f32 v10, v22;
	v8 =	vsel vm0, v8, v63  }
0x1cd: {  	[tilespmem:s26+$0xCC40] =	vst v15;
	v15 =	vld [tilespmem:s26+$0x120];
	v9 =	vsel vm0, v9, v58;
	v8 =	vadd.f32 v8, v18  }
0x1ce: {  	v9 =	vadd.f32 v9, v13;
	[tilespmem:s26+$0xCCF0] =	vst v10;
	v0 =	vsel vm0, v0, v3  }
0x1cf: {  	v1 =	vsel vm0, v1, v6;
	[tilespmem:s26+$0xCC80] =	vst v8;
	v0 =	vadd.f32 v0, v12  }
0x1d0: {  	v8 =	vsel vm0, v16, v4;
	[tilespmem:s26+$0xCC90] =	vst v9;
	v1 =	vadd.f32 v1, v25  }
0x1d1: {  	s0 =	sadd.s32 s23, s5;
	v9 =	vsel vm0, v11, v5;
	[tilespmem:s26+$0xCCB0] =	vst v0;
	v0 =	vadd.f32 v8, v24  }
0x1d2: {  	s0 =	smul.u32 $0xC80, s0;
	v8 =	vsel vm0, v15, v2;
	[tilespmem:s26+$0xCCE0] =	vst v1;
	v1 =	vadd.f32 v9, v14  }
0x1d3: {  	[tilespmem:s26+$0xCCC0] =	vst v0;
	v0 =	vadd.f32 v8, v20  }
0x1d4: {  	s25 =	sadd.s32 s4, s0;
	[tilespmem:s26+$0xCCD0] =	vst v1  }
0x1d5: {  	p0 =	seq.s32 s22, $0x1F;
	s0 =	sadd.s32 $0xC80, s25;
	[tilespmem:s26+$0xCCA0] =	vst v0  }
0x1d6: {  	[hbm4b:s0+s6] =	stream.linear.scatter [tilespmem:s16], [sflag:$0x2], $0x6400, $0x38;
	[tilespmem:$0x1F800] =	vst v63  }
0x1d7: {  	s0 =	sadd.s32 @!p0 s23, s10  }
0x1d8: {  	_ =	swait.ge [sflag:s20], $0x6400;
	s0 =	smul.u32 @!p0 $0xC80, s0  }
0x1d9: {  	s3 =	simm.s32 @!p0 $0x6800;
	[sflag:s20] =	ssyncset.done $0x0  }
0x1da: {  	s2 =	simm.s32 @!p0 $0x0;
	[sflag:s20] =	ssyncadd.s32 $0xFFFF9C00;
	s0 =	sadd.s32 @!p0 s1, s0  }
0x1db: {  	[tilespmem:s3], [sflag:$0x1] =	stream.linear.gather @!p0 [hbm4b:s0+s2], $0x6400, $0x38;
	[tilespmem:$0x1F800] =	vst v63  }
0x1dc: {  	_ =	swait.ge [sflag:s18], $0x6400  }
0x1dd: {  	[sflag:s18] =	ssyncset.done $0x0  }
0x1de: {  	s2 =	simm.s32 $0x0;
	[sflag:s18] =	ssyncadd.s32 $0xFFFF9C00  }
0x1df: {  	v9 =	vld [tilespmem:s2+$0x130B0]  }
0x1e0: {  	v34 =	vld [tilespmem:s2+$0x13050]  }
0x1e1: {  	v60 =	vld [tilespmem:s2+$0x13060]  }
0x1e2: {  	v35 =	vld [tilespmem:s2+$0x13030]  }
0x1e3: {  	v8 =	vld [tilespmem:s2+$0x130A0]  }
0x1e4: {  	v21 =	vld [tilespmem:s2+$0x13090]  }
0x1e5: {  	v37 =	vld [tilespmem:s2+$0x13010]  }
0x1e6: {  	v61 =	vld [tilespmem:s2+$0x13000]  }
0x1e7: {  	v10 =	vld [tilespmem:s2+$0x13080]  }
0x1e8: {  	v19 =	vld [tilespmem:s2+$0x130D0];
	vm1 =	vlt.f32 v34, $0.0e+00;
	vm2 =	vgt.f32 v34, $0.0e+00;
	vm4 =	vlt.f32 v35, $0.0e+00  }
0x1e9: {  	v53 =	vld [tilespmem:s2+$0x13040];
	vm0 =	vlt.f32 v60, $0.0e+00;
	vm5 =	vgt.f32 v35, $0.0e+00;
	vm3 =	vgt.f32 v60, $0.0e+00  }
0x1ea: {  	vm7 =	vlt.f32 v21, $0.0e+00;
	vm8 =	vgt.f32 v21, $0.0e+00;
	vm9 =	vgt.f32 v9, $0.0e+00  }
0x1eb: {  	v62 =	vld [tilespmem:s2+$0x13020];
	vm10 =	vgt.f32 v61, $0.0e+00;
	vm11 =	vlt.f32 v37, $0.0e+00;
	vm12 =	vgt.f32 v8, $0.0e+00  }
0x1ec: {  	v52 =	vld [tilespmem:s2+$0x130F0];
	vm6 =	vmor vm5, vm4;
	vm5 =	vgt.f32 v10, $0.0e+00;
	vm4 =	vmor vm2, vm1  }
0x1ed: {  	v0 =	vld [tilespmem:s2+$0xC0];
	vm2 =	vgt.f32 v37, $0.0e+00;
	vm1 =	vlt.f32 v9, $0.0e+00;
	vm7 =	vmor vm8, vm7  }
0x1ee: {  	v14 =	vld [tilespmem:s2+$0x130C0];
	vm8 =	vlt.f32 v53, $0.0e+00;
	vm0 =	vmor vm3, vm0;
	vm3 =	vgt.f32 v19, $0.0e+00  }
0x1ef: {  	v1 =	vld [tilespmem:s2+$0xD0];
	vm1 =	vmor vm9, vm1;
	vm9 =	vlt.f32 v61, $0.0e+00;
	vm2 =	vmor vm2, vm11  }
0x1f0: {  	v27 =	vld [tilespmem:s2+$0x130E0];
	vm11 =	vlt.f32 v62, $0.0e+00;
	vm9 =	vmor vm10, vm9;
	vm10 =	vgt.f32 v62, $0.0e+00  }
0x1f1: {  	v54 =	vld [tilespmem:s2+$0x13070];
	vm9 =	vmor vm9, vm2;
	vm2 =	vgt.f32 v52, $0.0e+00;
	vm10 =	vmor vm10, vm11  }
0x1f2: {  	v20 =	vld [tilespmem:s2+$0xB0];
	vm11 =	vlt.f32 v10, $0.0e+00;
	vm9 =	vmor vm9, vm10;
	vm10 =	vlt.f32 v8, $0.0e+00  }
0x1f3: {  	s26 =	simm.s32 $0x100;
	v22 =	vld [tilespmem:s2+$0x90];
	vm11 =	vmor vm5, vm11;
	vm5 =	vlt.f32 v14, $0.0e+00;
	vm6 =	vmor vm9, vm6  }
0x1f4: {  	v28 =	vld [tilespmem:s26+$0x13000];
	vm9 =	vmor vm12, vm10;
	vm10 =	vgt.f32 v53, $0.0e+00;
	vm12 =	vlt.f32 v19, $0.0e+00  }
0x1f5: {  	v16 =	vld [tilespmem:s26+$0x13060];
	vm7 =	vmor vm11, vm7;
	vm8 =	vmor vm10, vm8;
	vm10 =	vgt.f32 v14, $0.0e+00  }
0x1f6: {  	v12 =	vld [tilespmem:s26+$0x130B0];
	vm3 =	vmor vm3, vm12;
	vm11 =	vmor vm7, vm9;
	vm6 =	vmor vm6, vm8  }
0x1f7: {  	v15 =	vld [tilespmem:s26+$0x13030];
	vm8 =	vgt.f32 v54, $0.0e+00;
	vm4 =	vmor vm6, vm4;
	vm6 =	vlt.f32 v54, $0.0e+00  }
0x1f8: {  	v13 =	vld [tilespmem:s2+$0x80];
	vm9 =	vgt.f32 v27, $0.0e+00;
	vm0 =	vmor vm4, vm0;
	vm4 =	vmor vm8, vm6  }
0x1f9: {  	v11 =	vld [tilespmem:s26+$0x13050];
	vm12 =	vlt.f32 v28, $0.0e+00;
	vm1 =	vmor vm11, vm1;
	vm0 =	vmor vm0, vm4  }
0x1fa: {  	v26 =	vld [tilespmem:s26+$0x13010];
	vm6 =	vlt.f32 v16, $0.0e+00;
	vm4 =	vlt.f32 v27, $0.0e+00;
	v18 =	vmpcnt.ones.xlane vm0  }
0x1fb: {  	v23 =	vld [tilespmem:s2+$0xA0];
	vm0 =	vmor vm9, vm4;
	vm4 =	vmor vm10, vm5;
	vm5 =	vlt.f32 v52, $0.0e+00  }
0x1fc: {  	v24 =	vld [tilespmem:s2+$0xF0];
	vm9 =	vgt.f32 v15, $0.0e+00;
	vm10 =	vgt.f32 v12, $0.0e+00;
	vm4 =	vmor vm1, vm4  }
0x1fd: {  	v17 =	vld [tilespmem:s2+$0xE0];
	vm1 =	vmor vm2, vm5;
	vm5 =	vlt.f32 v15, $0.0e+00;
	vm11 =	vgt.s32 v18, $0x0  }
0x1fe: {  	vm2 =	vmor vm4, vm3;
	vm3 =	vlt.f32 v11, $0.0e+00;
	vm4 =	vgt.f32 v11, $0.0e+00  }
0x1ff: {  	vm7 =	vmor vm9, vm5;
	vm9 =	vgt.f32 v26, $0.0e+00;
	v55 =	vsel vm11, v13, v63  }
0x200: {  	v30 =	vld [tilespmem:s26+$0x13020];
	v56 =	vsel vm11, v22, v58;
	v47 =	vsel vm11, v23, v2;
	v48 =	vsel vm11, v20, v3  }
0x201: {  	v29 =	vld [tilespmem:s26+$0xC0];
	v0 =	vsel vm11, v0, v4;
	v1 =	vsel vm11, v1, v5;
	v49 =	vsel vm11, v24, v7  }
0x202: {  	v32 =	vld [tilespmem:s26+$0x13070];
	v50 =	vsel vm11, v17, v6;
	vm5 =	vmor vm4, vm3;
	vm3 =	vlt.f32 v12, $0.0e+00  }
0x203: {  	v25 =	vld [tilespmem:s26+$0x130E0];
	vm11 =	vgt.f32 v28, $0.0e+00;
	vm2 =	vmor vm2, vm0;
	vm3 =	vmor vm10, vm3  }
0x204: {  	v18 =	vld [tilespmem:s26+$0x13080];
	vm10 =	vlt.f32 v26, $0.0e+00;
	vm11 =	vmor vm11, vm12;
	v45 =	vadd.f32 v55, v61  }
0x205: {  	v13 =	vld [tilespmem:s26+$0x13090];
	vm12 =	vlt.f32 v30, $0.0e+00;
	v41 =	vadd.f32 v47, v62;
	v44 =	vadd.f32 v49, v54  }
0x206: {  	v20 =	vld [tilespmem:s26+$0x130A0];
	vm1 =	vmor vm2, vm1;
	v36 =	vadd.f32 v50, v60;
	v48 =	vadd.f32 v48, v35  }
0x207: {  	v31 =	vld [tilespmem:s26+$0xD0];
	vm2 =	vlt.f32 v32, $0.0e+00;
	v61 =	vadd.f32 v56, v37;
	v1 =	vadd.f32 v1, v34  }
0x208: {  	v17 =	vld [tilespmem:s26+$0x130D0];
	v0 =	vadd.f32 v0, v53;
	vm9 =	vmor vm9, vm10;
	vm10 =	vgt.f32 v30, $0.0e+00  }
0x209: {  	v38 =	vld [tilespmem:s2+$0x150];
	v60 =	vmpcnt.ones.xlane vm1;
	vm9 =	vmor vm11, vm9;
	vm10 =	vmor vm10, vm12  }
0x20a: {  	v23 =	vld [tilespmem:s26+$0x13040];
	vm8 =	vgt.f32 v18, $0.0e+00;
	vm9 =	vmor vm9, vm10;
	vm10 =	vlt.f32 v18, $0.0e+00  }
0x20b: {  	v43 =	vld [tilespmem:s2+$0x160];
	vm4 =	vlt.f32 v13, $0.0e+00;
	vm11 =	vgt.f32 v13, $0.0e+00;
	vm12 =	vgt.f32 v20, $0.0e+00  }
0x20c: {  	v42 =	vld [tilespmem:s2+$0x120];
	vm8 =	vmor vm8, vm10;
	vm10 =	vlt.f32 v20, $0.0e+00;
	vm7 =	vmor vm9, vm7  }
0x20d: {  	v39 =	vld [tilespmem:s2+$0x140];
	vm9 =	vlt.f32 v17, $0.0e+00;
	vm11 =	vmor vm11, vm4;
	vm4 =	vgt.f32 v17, $0.0e+00  }
0x20e: {  	v57 =	vld [tilespmem:s2+$0x170];
	vm10 =	vmor vm12, vm10;
	vm12 =	vgt.f32 v16, $0.0e+00;
	vm4 =	vmor vm4, vm9  }
0x20f: {  	v24 =	vld [tilespmem:s26+$0x130C0];
	vm9 =	vlt.f32 v23, $0.0e+00;
	vm8 =	vmor vm8, vm11;
	vm11 =	vgt.f32 v23, $0.0e+00  }
0x210: {  	v22 =	vld [tilespmem:s26+$0x130F0];
	vm6 =	vmor vm12, vm6;
	vm9 =	vmor vm11, vm9;
	vm8 =	vmor vm8, vm10  }
0x211: {  	v59 =	vld [tilespmem:s2+$0x100];
	[tilespmem:s2+$0x13000] =	vst v45;
	vm10 =	vlt.f32 v25, $0.0e+00;
	vm7 =	vmor vm7, vm9;
	vm9 =	vgt.f32 v25, $0.0e+00  }
0x212: {  	v62 =	vld [tilespmem:s2+$0x110];
	[tilespmem:s2+$0x13020] =	vst v41;
	vm5 =	vmor vm7, vm5;
	vm12 =	vmor vm9, vm10;
	vm10 =	vgt.f32 v32, $0.0e+00  }
0x213: {  	v37 =	vld [tilespmem:s2+$0x130];
	[tilespmem:s2+$0x13060] =	vst v36;
	vm1 =	vmor vm8, vm3;
	vm5 =	vmor vm5, vm6;
	vm2 =	vmor vm10, vm2  }
0x214: {  	v34 =	vld [tilespmem:s26+$0xE0];
	[tilespmem:s2+$0x13010] =	vst v61;
	vm3 =	vlt.f32 v24, $0.0e+00;
	vm2 =	vmor vm5, vm2;
	vm5 =	vgt.f32 v24, $0.0e+00  }
0x215: {  	v35 =	vld [tilespmem:s26+$0xB0];
	[tilespmem:s2+$0x13070] =	vst v44;
	vm3 =	vmor vm5, vm3;
	vm5 =	vgt.f32 v22, $0.0e+00;
	v40 =	vmpcnt.ones.xlane vm2  }
0x216: {  	[tilespmem:s2+$0x13030] =	vst v48;
	v36 =	vld [tilespmem:s26+$0x90];
	vm2 =	vlt.f32 v22, $0.0e+00;
	vm11 =	vmor vm1, vm3;
	vm3 =	vgt.s32 v60, $0x0  }
0x217: {  	[tilespmem:s2+$0x13050] =	vst v1;
	v44 =	vld [tilespmem:s26+$0x80];
	vm2 =	vmor vm5, vm2;
	vm0 =	vmor vm11, vm4;
	v1 =	vsel vm3, v57, v7  }
0x218: {  	s0 =	simm.s32 $0x2;
	s3 =	simm.s32 $0x800;
	[tilespmem:s2+$0x13040] =	vst v0;
	v41 =	vld [tilespmem:s26+$0xA0];
	v45 =	vsel vm3, v59, v63;
	v46 =	vsel vm3, v62, v58;
	v33 =	vadd.f32 v1, v52  }
.LBB2_7:
0x219: {  	v0 =	vimm.s32 $0x0;
	s28 =	sshra.s32 s3, $0x2  }
0x21a: {  	v1 =	vadd.f32 v45, v10;
	v10 =	vmovc v18;
	vm4 =	vgt.s32 v40, $0x0;
	v0 =	vsel vm12, $0xFFFFFFFF, v0;
	v62 =	vld [tilespmem:s28+$0x130B0];
	[tilespmem:s2+$0x130F0] =	vst v33  }
0x21b: {  	v18 =	vadd.f32 v46, v21;
	v52 =	vsel vm4, v29, v4;
	v31 =	vsel vm4, v31, v5;
	[tilespmem:$0x1FEE0] =	vst v0  }
0x21c: {  	v48 =	vld [tilespmem:s28+$0x13050];
	[tilespmem:s2+$0x13080] =	vst v1;
	v55 =	vadd.f32 v31, v11;
	v37 =	vsel vm3, v37, v3;
	v39 =	vsel vm3, v39, v4  }
0x21d: {  	v51 =	vld [tilespmem:s28+$0x13030];
	[tilespmem:s2+$0x13090] =	vst v18;
	v21 =	vsel vm3, v42, v2;
	v47 =	vsel vm3, v43, v6;
	v1 =	vadd.f32 v37, v9  }
0x21e: {  	v0 =	vld [tilespmem:s26+$0xF0];
	v49 =	vsel vm3, v38, v5;
	v9 =	vmovc v12;
	v12 =	vsel vm4, v44, v63;
	v27 =	vadd.f32 v47, v27  }
0x21f: {  	v50 =	vld [tilespmem:s28+$0x13060];
	v36 =	vsel vm4, v36, v58;
	v35 =	vsel vm4, v35, v3;
	v28 =	vadd.f32 v12, v28;
	[tilespmem:s2+$0x130B0] =	vst v1  }
0x220: {  	v41 =	vsel vm4, v41, v2;
	v54 =	vadd.f32 v35, v15;
	v1 =	vadd.f32 v39, v14;
	v18 =	vld [tilespmem:s28+$0x13080];
	[tilespmem:s2+$0x130E0] =	vst v27  }
0x221: {  	v29 =	vsel vm4, v34, v6;
	v36 =	vadd.f32 v36, v26;
	v14 =	vadd.f32 v41, v30;
	[tilespmem:s26+$0x13000] =	vst v28;
	v27 =	vld [tilespmem:s28+$0x130A0]  }
0x222: {  	vm5 =	vlt.f32 v48, $0.0e+00;
	vm6 =	vgt.f32 v48, $0.0e+00;
	v30 =	vadd.f32 v21, v8;
	[tilespmem:s2+$0x130C0] =	vst v1;
	v53 =	vld [tilespmem:s28+$0x13010]  }
0x223: {  	vm7 =	vlt.f32 v51, $0.0e+00;
	v15 =	vmovc v51;
	v0 =	vsel vm4, v0, v7;
	v1 =	vadd.f32 v49, v19;
	v28 =	vld [tilespmem:s28+$0x13000];
	[tilespmem:s26+$0x13020] =	vst v14  }
0x224: {  	vm3 =	vlt.f32 v50, $0.0e+00;
	vm8 =	vgt.f32 v15, $0.0e+00;
	v0 =	vadd.f32 v0, v32;
	v19 =	vld [tilespmem:s28+$0x13090];
	[tilespmem:s2+$0x130A0] =	vst v30  }
0x225: {  	vm1 =	vmor vm6, vm5;
	vm5 =	vmmov vm2;
	v12 =	vmovc v62;
	[tilespmem:s2+$0x130D0] =	vst v1;
	v1 =	vadd.f32 v29, v16;
	v29 =	vld [tilespmem:s28+$0xC0];
	s2 =	smov.u32 s26;
	s26 =	smov.u32 s28  }
0x226: {  	vm8 =	vmor vm8, vm7;
	vm6 =	vlt.f32 v12, $0.0e+00;
	vm9 =	vgt.f32 v12, $0.0e+00;
	v16 =	vmovc v50;
	v30 =	vld [tilespmem:s26+$0x13020];
	[tilespmem:s2+$0x13070] =	vst v0  }
0x227: {  	v56 =	vld [tilespmem:$0x1FEE0];
	vm4 =	vgt.f32 v16, $0.0e+00;
	v0 =	vimm.s32 $0x0;
	[tilespmem:s2+$0x13060] =	vst v1;
	v1 =	vimm.s32 $0x0  }
0x228: {  	v14 =	vmovc v24;
	v24 =	vld [tilespmem:s26+$0x130C0];
	vm10 =	vgt.f32 v18, $0.0e+00;
	vm3 =	vmor vm4, vm3;
	v1 =	vsel vm1, $0xFFFFFFFF, v1  }
0x229: {  	v8 =	vmovc v20;
	v38 =	vld [tilespmem:s2+$0x150];
	vm7 =	vgt.f32 v53, $0.0e+00;
	vm14 =	vgt.f32 v28, $0.0e+00;
	vm1 =	vmor vm9, vm6  }
0x22a: {  	v43 =	vld [tilespmem:s2+$0x160];
	v20 =	vmovc v27;
	v26 =	vmovc v53;
	vm6 =	vlt.f32 v28, $0.0e+00;
	vm11 =	vlt.f32 v19, $0.0e+00;
	vm12 =	vgt.f32 v19, $0.0e+00  }
0x22b: {  	v21 =	vmovc v13;
	[tilespmem:s2+$0x13010] =	vst v36;
	v42 =	vld [tilespmem:s2+$0x120];
	vm13 =	vgt.f32 v20, $0.0e+00;
	v0 =	vsel vm1, $0xFFFFFFFF, v0;
	vm15 =	vlt.f32 v26, $0.0e+00  }
0x22c: {  	[tilespmem:s2+$0x13030] =	vst v54;
	v13 =	vmovc v19;
	v19 =	vmovc v17;
	v17 =	vld [tilespmem:s26+$0x130D0];
	vm9 =	vmor vm14, vm6;
	vm6 =	vmmov vm0;
	vm1 =	vlt.f32 v20, $0.0e+00  }
0x22d: {  	[tilespmem:$0x1FF00] =	vst v0;
	v0 =	vadd.f32 v52, v23;
	v23 =	vld [tilespmem:s26+$0x13040];
	vm7 =	vmor vm7, vm15;
	vm11 =	vmor vm12, vm11  }
0x22e: {  	v31 =	vld [tilespmem:s26+$0xD0];
	vm1 =	vmor vm13, vm1;
	vm15 =	vgt.f32 v30, $0.0e+00;
	vm0 =	vlt.f32 v30, $0.0e+00  }
0x22f: {  	v27 =	vmovc v25;
	v25 =	vld [tilespmem:s26+$0x130E0];
	[tilespmem:$0x1FEF0] =	vst v1;
	vm14 =	vmor vm9, vm7;
	vm0 =	vmor vm15, vm0;
	vm15 =	vlt.f32 v18, $0.0e+00  }
0x230: {  	[tilespmem:s2+$0x13050] =	vst v55;
	v59 =	vld [tilespmem:$0x1FEF0];
	vm9 =	vlt.f32 v24, $0.0e+00;
	vm0 =	vmor vm14, vm0;
	vm14 =	vmor vm10, vm15  }
0x231: {  	v39 =	vld [tilespmem:s2+$0x140];
	[tilespmem:s2+$0x13040] =	vst v0;
	vm2 =	vlt.f32 v17, $0.0e+00;
	vm0 =	vmor vm0, vm8;
	vm8 =	vgt.f32 v17, $0.0e+00  }
0x232: {  	v32 =	vld [tilespmem:s26+$0x13070];
	vm4 =	vmor vm14, vm11;
	vm11 =	vnez.u8 v56;
	vm12 =	vlt.f32 v23, $0.0e+00  }
0x233: {  	v62 =	vld [tilespmem:$0x1FF00];
	vm8 =	vmor vm8, vm2;
	vm2 =	vgt.f32 v23, $0.0e+00;
	vm1 =	vmor vm4, vm1  }
0x234: {  	v1 =	vld [tilespmem:s26+$0x130F0];
	vm4 =	vlt.f32 v25, $0.0e+00;
	vm11 =	vmor vm6, vm11;
	vm2 =	vmor vm2, vm12  }
0x235: {  	v57 =	vld [tilespmem:s2+$0x100];
	vm6 =	vnez.u8 v59;
	vm0 =	vmor vm0, vm2;
	vm2 =	vgt.f32 v25, $0.0e+00  }
0x236: {  	v60 =	vld [tilespmem:s2+$0x110];
	vm10 =	vgt.f32 v24, $0.0e+00;
	vm0 =	vmor vm0, vm6;
	vm12 =	vmor vm2, vm4  }
0x237: {  	s0 =	sadd.s32 $0x2, s0;
	v0 =	vld [tilespmem:s2+$0x170];
	vm2 =	vmor vm11, vm5;
	vm4 =	vlt.f32 v32, $0.0e+00;
	vm5 =	vgt.f32 v32, $0.0e+00  }
0x238: {  	p1 =	slt.u32 s0, $0xC6;
	v37 =	vld [tilespmem:s2+$0x130];
	v61 =	vmpcnt.ones.xlane vm2;
	vm0 =	vmor vm0, vm3;
	vm3 =	vnez.u8 v62  }
.Ltmp4:
0x239: {  	v34 =	vld [tilespmem:s26+$0xE0];
	vm7 =	vgt.f32 v1, $0.0e+00;
	vm2 =	vmor vm5, vm4;
	vm1 =	vmor vm1, vm3;
	(pc) =	sbr.rel @p1 .LBB2_7-.Ltmp4, $4  }
0x23a: {  	v35 =	vld [tilespmem:s26+$0xB0];
	vm0 =	vmor vm0, vm2;
	vm2 =	vlt.f32 v1, $0.0e+00;
	vm3 =	vgt.s32 v61, $0x0  }
0x23b: {  	v36 =	vld [tilespmem:s26+$0x90];
	v40 =	vmpcnt.ones.xlane vm0;
	vm0 =	vmor vm10, vm9;
	vm2 =	vmor vm7, vm2  }
0x23c: {  	v44 =	vld [tilespmem:s26+$0x80];
	vm0 =	vmor vm1, vm0;
	v45 =	vsel vm3, v57, v63;
	v0 =	vsel vm3, v0, v7  }
0x23d: {  	s3 =	sadd.s32 $0x400, s3;
	v11 =	vmovc v48;
	v41 =	vld [tilespmem:s26+$0xA0];
	v46 =	vsel vm3, v60, v58;
	vm0 =	vmor vm0, vm8;
	v33 =	vadd.f32 v0, v22;
	v22 =	vmovc v1  }
0x23e: {  	v0 =	vadd.f32 v45, v10  }
0x23f: {  	v1 =	vsel vm3, v37, v3;
	v10 =	vadd.f32 v46, v21;
	[tilespmem:s2+$0x130F0] =	vst v33  }
0x240: {  	v21 =	vsel vm3, v43, v6;
	[tilespmem:s2+$0x13080] =	vst v0;
	v0 =	vadd.f32 v1, v9  }
0x241: {  	vm4 =	vgt.s32 v40, $0x0;
	v1 =	vsel vm3, v39, v4;
	[tilespmem:s2+$0x13090] =	vst v10;
	v9 =	vadd.f32 v21, v27  }
0x242: {  	v10 =	vsel vm4, v44, v63;
	[tilespmem:s2+$0x130B0] =	vst v0;
	v0 =	vadd.f32 v1, v14  }
0x243: {  	v1 =	vld [tilespmem:s26+$0xF0];
	v10 =	vadd.f32 v10, v28;
	[tilespmem:s2+$0x130E0] =	vst v9;
	v9 =	vsel vm4, v41, v2  }
0x244: {  	v14 =	vsel vm3, v38, v5;
	v9 =	vadd.f32 v9, v30;
	[tilespmem:s2+$0x130C0] =	vst v0  }
0x245: {  	v0 =	vadd.f32 v14, v19;
	v14 =	vsel vm3, v42, v2;
	[tilespmem:s26+$0x13000] =	vst v10  }
0x246: {  	v10 =	vsel vm4, v34, v6;
	v8 =	vadd.f32 v14, v8;
	[tilespmem:s26+$0x13020] =	vst v9  }
0x247: {  	vm0 =	vmor vm0, vm12;
	v9 =	vadd.f32 v10, v16;
	v10 =	vld [tilespmem:s26+$0x170];
	[tilespmem:s2+$0x130D0] =	vst v0;
	v0 =	vsel vm4, v36, v58  }
0x248: {  	vm0 =	vmor vm0, vm2;
	v1 =	vsel vm4, v1, v7;
	v0 =	vadd.f32 v0, v26;
	[tilespmem:s2+$0x130A0] =	vst v8;
	v8 =	vld [tilespmem:s26+$0x100]  }
0x249: {  	v14 =	vsel vm4, v35, v3;
	v16 =	vmpcnt.ones.xlane vm0;
	[tilespmem:s26+$0x13060] =	vst v9;
	v9 =	vld [tilespmem:s26+$0x110];
	v1 =	vadd.f32 v1, v32  }
0x24a: {  	v19 =	vsel vm4, v31, v5;
	v14 =	vadd.f32 v14, v15;
	[tilespmem:s26+$0x13010] =	vst v0;
	v0 =	vld [tilespmem:s26+$0x130]  }
0x24b: {  	v11 =	vadd.f32 v19, v11;
	v15 =	vsel vm4, v29, v4;
	vm0 =	vgt.s32 v16, $0x0;
	[tilespmem:s26+$0x13070] =	vst v1;
	v1 =	vld [tilespmem:s26+$0x160]  }
0x24c: {  	[tilespmem:s26+$0x13030] =	vst v14;
	v14 =	vadd.f32 v15, v23;
	v15 =	vld [tilespmem:s26+$0x140];
	v10 =	vsel vm0, v10, v7  }
0x24d: {  	[tilespmem:s26+$0x13050] =	vst v11;
	v11 =	vld [tilespmem:s26+$0x150];
	v10 =	vadd.f32 v10, v22;
	v8 =	vsel vm0, v8, v63  }
0x24e: {  	[tilespmem:s26+$0x13040] =	vst v14;
	v14 =	vld [tilespmem:s26+$0x120];
	v9 =	vsel vm0, v9, v58;
	v8 =	vadd.f32 v8, v18  }
0x24f: {  	v9 =	vadd.f32 v9, v13;
	[tilespmem:s26+$0x130F0] =	vst v10;
	v0 =	vsel vm0, v0, v3  }
0x250: {  	v1 =	vsel vm0, v1, v6;
	[tilespmem:s26+$0x13080] =	vst v8;
	v0 =	vadd.f32 v0, v12  }
0x251: {  	v8 =	vsel vm0, v15, v4;
	[tilespmem:s26+$0x13090] =	vst v9;
	v1 =	vadd.f32 v1, v25  }
0x252: {  	v9 =	vsel vm0, v11, v5;
	[tilespmem:s26+$0x130B0] =	vst v0;
	v0 =	vadd.f32 v8, v24  }
0x253: {  	v8 =	vsel vm0, v14, v2;
	[tilespmem:s26+$0x130E0] =	vst v1;
	v1 =	vadd.f32 v9, v17  }
0x254: {  	[tilespmem:s26+$0x130C0] =	vst v0;
	v0 =	vadd.f32 v8, v20  }
0x255: {  	[tilespmem:s26+$0x130D0] =	vst v1  }
0x256: {  	s0 =	sadd.s32 $0x1900, s25;
	[tilespmem:s26+$0x130A0] =	vst v0  }
0x257: {  	[hbm4b:s0+s6] =	stream.linear.scatter [tilespmem:s17], [sflag:$0x2], $0x6400, $0x38;
	[tilespmem:$0x1F800] =	vst v63  }
0x258: {  	s0 =	sadd.s32 @!p0 s23, s11  }
0x259: {  	_ =	swait.ge [sflag:s20], $0x6400;
	s0 =	smul.u32 @!p0 $0xC80, s0  }
0x25a: {  	s3 =	simm.s32 @!p0 $0xCC00;
	[sflag:s20] =	ssyncset.done $0x0  }
0x25b: {  	s2 =	simm.s32 @!p0 $0x0;
	[sflag:s20] =	ssyncadd.s32 $0xFFFF9C00;
	s0 =	sadd.s32 @!p0 s1, s0  }
0x25c: {  	[tilespmem:s3], [sflag:$0x1] =	stream.linear.gather @!p0 [hbm4b:s0+s2], $0x6400, $0x38;
	[tilespmem:$0x1F800] =	vst v63  }
0x25d: {  	_ =	swait.ge [sflag:s18], $0x6400  }
0x25e: {  	[sflag:s18] =	ssyncset.done $0x0  }
0x25f: {  	s2 =	simm.s32 $0x0;
	[sflag:s18] =	ssyncadd.s32 $0xFFFF9C00  }
0x260: {  	v9 =	vld [tilespmem:s2+$0x194B0]  }
0x261: {  	v34 =	vld [tilespmem:s2+$0x19450]  }
0x262: {  	v60 =	vld [tilespmem:s2+$0x19460]  }
0x263: {  	v35 =	vld [tilespmem:s2+$0x19430]  }
0x264: {  	v8 =	vld [tilespmem:s2+$0x194A0]  }
0x265: {  	v21 =	vld [tilespmem:s2+$0x19490]  }
0x266: {  	v37 =	vld [tilespmem:s2+$0x19410]  }
0x267: {  	v61 =	vld [tilespmem:s2+$0x19400]  }
0x268: {  	v10 =	vld [tilespmem:s2+$0x19480]  }
0x269: {  	v19 =	vld [tilespmem:s2+$0x194D0];
	vm1 =	vlt.f32 v34, $0.0e+00;
	vm2 =	vgt.f32 v34, $0.0e+00;
	vm4 =	vlt.f32 v35, $0.0e+00  }
0x26a: {  	v53 =	vld [tilespmem:s2+$0x19440];
	vm0 =	vlt.f32 v60, $0.0e+00;
	vm5 =	vgt.f32 v35, $0.0e+00;
	vm3 =	vgt.f32 v60, $0.0e+00  }
0x26b: {  	vm7 =	vlt.f32 v21, $0.0e+00;
	vm8 =	vgt.f32 v21, $0.0e+00;
	vm9 =	vgt.f32 v9, $0.0e+00  }
0x26c: {  	v62 =	vld [tilespmem:s2+$0x19420];
	vm10 =	vgt.f32 v61, $0.0e+00;
	vm11 =	vlt.f32 v37, $0.0e+00;
	vm12 =	vgt.f32 v8, $0.0e+00  }
0x26d: {  	v52 =	vld [tilespmem:s2+$0x194F0];
	vm6 =	vmor vm5, vm4;
	vm5 =	vgt.f32 v10, $0.0e+00;
	vm4 =	vmor vm2, vm1  }
0x26e: {  	v0 =	vld [tilespmem:s2+$0xC0];
	vm2 =	vgt.f32 v37, $0.0e+00;
	vm1 =	vlt.f32 v9, $0.0e+00;
	vm7 =	vmor vm8, vm7  }
0x26f: {  	v14 =	vld [tilespmem:s2+$0x194C0];
	vm8 =	vlt.f32 v53, $0.0e+00;
	vm0 =	vmor vm3, vm0;
	vm3 =	vgt.f32 v19, $0.0e+00  }
0x270: {  	v1 =	vld [tilespmem:s2+$0xD0];
	vm1 =	vmor vm9, vm1;
	vm9 =	vlt.f32 v61, $0.0e+00;
	vm2 =	vmor vm2, vm11  }
0x271: {  	v27 =	vld [tilespmem:s2+$0x194E0];
	vm11 =	vlt.f32 v62, $0.0e+00;
	vm9 =	vmor vm10, vm9;
	vm10 =	vgt.f32 v62, $0.0e+00  }
0x272: {  	v54 =	vld [tilespmem:s2+$0x19470];
	vm9 =	vmor vm9, vm2;
	vm2 =	vgt.f32 v52, $0.0e+00;
	vm10 =	vmor vm10, vm11  }
0x273: {  	v20 =	vld [tilespmem:s2+$0xB0];
	vm11 =	vlt.f32 v10, $0.0e+00;
	vm9 =	vmor vm9, vm10;
	vm10 =	vlt.f32 v8, $0.0e+00  }
0x274: {  	s25 =	simm.s32 $0x100;
	v22 =	vld [tilespmem:s2+$0x90];
	vm11 =	vmor vm5, vm11;
	vm5 =	vlt.f32 v14, $0.0e+00;
	vm6 =	vmor vm9, vm6  }
0x275: {  	v28 =	vld [tilespmem:s25+$0x19400];
	vm9 =	vmor vm12, vm10;
	vm10 =	vgt.f32 v53, $0.0e+00;
	vm12 =	vlt.f32 v19, $0.0e+00  }
0x276: {  	v16 =	vld [tilespmem:s25+$0x19460];
	vm7 =	vmor vm11, vm7;
	vm8 =	vmor vm10, vm8;
	vm10 =	vgt.f32 v14, $0.0e+00  }
0x277: {  	v12 =	vld [tilespmem:s25+$0x194B0];
	vm3 =	vmor vm3, vm12;
	vm11 =	vmor vm7, vm9;
	vm6 =	vmor vm6, vm8  }
0x278: {  	v15 =	vld [tilespmem:s25+$0x19430];
	vm8 =	vgt.f32 v54, $0.0e+00;
	vm4 =	vmor vm6, vm4;
	vm6 =	vlt.f32 v54, $0.0e+00  }
0x279: {  	v13 =	vld [tilespmem:s2+$0x80];
	vm9 =	vgt.f32 v27, $0.0e+00;
	vm0 =	vmor vm4, vm0;
	vm4 =	vmor vm8, vm6  }
0x27a: {  	v11 =	vld [tilespmem:s25+$0x19450];
	vm12 =	vlt.f32 v28, $0.0e+00;
	vm1 =	vmor vm11, vm1;
	vm0 =	vmor vm0, vm4  }
0x27b: {  	v26 =	vld [tilespmem:s25+$0x19410];
	vm6 =	vlt.f32 v16, $0.0e+00;
	vm4 =	vlt.f32 v27, $0.0e+00;
	v18 =	vmpcnt.ones.xlane vm0  }
0x27c: {  	v23 =	vld [tilespmem:s2+$0xA0];
	vm0 =	vmor vm9, vm4;
	vm4 =	vmor vm10, vm5;
	vm5 =	vlt.f32 v52, $0.0e+00  }
0x27d: {  	v24 =	vld [tilespmem:s2+$0xF0];
	vm9 =	vgt.f32 v15, $0.0e+00;
	vm10 =	vgt.f32 v12, $0.0e+00;
	vm4 =	vmor vm1, vm4  }
0x27e: {  	v17 =	vld [tilespmem:s2+$0xE0];
	vm1 =	vmor vm2, vm5;
	vm5 =	vlt.f32 v15, $0.0e+00;
	vm11 =	vgt.s32 v18, $0x0  }
0x27f: {  	vm2 =	vmor vm4, vm3;
	vm3 =	vlt.f32 v11, $0.0e+00;
	vm4 =	vgt.f32 v11, $0.0e+00  }
0x280: {  	vm7 =	vmor vm9, vm5;
	vm9 =	vgt.f32 v26, $0.0e+00;
	v55 =	vsel vm11, v13, v63  }
0x281: {  	v30 =	vld [tilespmem:s25+$0x19420];
	v56 =	vsel vm11, v22, v58;
	v47 =	vsel vm11, v23, v2;
	v48 =	vsel vm11, v20, v3  }
0x282: {  	v29 =	vld [tilespmem:s25+$0xC0];
	v0 =	vsel vm11, v0, v4;
	v1 =	vsel vm11, v1, v5;
	v49 =	vsel vm11, v24, v7  }
0x283: {  	v32 =	vld [tilespmem:s25+$0x19470];
	v50 =	vsel vm11, v17, v6;
	vm5 =	vmor vm4, vm3;
	vm3 =	vlt.f32 v12, $0.0e+00  }
0x284: {  	v25 =	vld [tilespmem:s25+$0x194E0];
	vm11 =	vgt.f32 v28, $0.0e+00;
	vm2 =	vmor vm2, vm0;
	vm3 =	vmor vm10, vm3  }
0x285: {  	v18 =	vld [tilespmem:s25+$0x19480];
	vm10 =	vlt.f32 v26, $0.0e+00;
	vm11 =	vmor vm11, vm12;
	v45 =	vadd.f32 v55, v61  }
0x286: {  	v13 =	vld [tilespmem:s25+$0x19490];
	vm12 =	vlt.f32 v30, $0.0e+00;
	v41 =	vadd.f32 v47, v62;
	v44 =	vadd.f32 v49, v54  }
0x287: {  	v20 =	vld [tilespmem:s25+$0x194A0];
	vm1 =	vmor vm2, vm1;
	v36 =	vadd.f32 v50, v60;
	v48 =	vadd.f32 v48, v35  }
0x288: {  	v31 =	vld [tilespmem:s25+$0xD0];
	vm2 =	vlt.f32 v32, $0.0e+00;
	v61 =	vadd.f32 v56, v37;
	v1 =	vadd.f32 v1, v34  }
0x289: {  	v17 =	vld [tilespmem:s25+$0x194D0];
	v0 =	vadd.f32 v0, v53;
	vm9 =	vmor vm9, vm10;
	vm10 =	vgt.f32 v30, $0.0e+00  }
0x28a: {  	v38 =	vld [tilespmem:s2+$0x150];
	v60 =	vmpcnt.ones.xlane vm1;
	vm9 =	vmor vm11, vm9;
	vm10 =	vmor vm10, vm12  }
0x28b: {  	v23 =	vld [tilespmem:s25+$0x19440];
	vm8 =	vgt.f32 v18, $0.0e+00;
	vm9 =	vmor vm9, vm10;
	vm10 =	vlt.f32 v18, $0.0e+00  }
0x28c: {  	v43 =	vld [tilespmem:s2+$0x160];
	vm4 =	vlt.f32 v13, $0.0e+00;
	vm11 =	vgt.f32 v13, $0.0e+00;
	vm12 =	vgt.f32 v20, $0.0e+00  }
0x28d: {  	v42 =	vld [tilespmem:s2+$0x120];
	vm8 =	vmor vm8, vm10;
	vm10 =	vlt.f32 v20, $0.0e+00;
	vm7 =	vmor vm9, vm7  }
0x28e: {  	v39 =	vld [tilespmem:s2+$0x140];
	vm9 =	vlt.f32 v17, $0.0e+00;
	vm11 =	vmor vm11, vm4;
	vm4 =	vgt.f32 v17, $0.0e+00  }
0x28f: {  	v57 =	vld [tilespmem:s2+$0x170];
	vm10 =	vmor vm12, vm10;
	vm12 =	vgt.f32 v16, $0.0e+00;
	vm4 =	vmor vm4, vm9  }
0x290: {  	v24 =	vld [tilespmem:s25+$0x194C0];
	vm9 =	vlt.f32 v23, $0.0e+00;
	vm8 =	vmor vm8, vm11;
	vm11 =	vgt.f32 v23, $0.0e+00  }
0x291: {  	v22 =	vld [tilespmem:s25+$0x194F0];
	vm6 =	vmor vm12, vm6;
	vm9 =	vmor vm11, vm9;
	vm8 =	vmor vm8, vm10  }
0x292: {  	v59 =	vld [tilespmem:s2+$0x100];
	[tilespmem:s2+$0x19400] =	vst v45;
	vm10 =	vlt.f32 v25, $0.0e+00;
	vm7 =	vmor vm7, vm9;
	vm9 =	vgt.f32 v25, $0.0e+00  }
0x293: {  	v62 =	vld [tilespmem:s2+$0x110];
	[tilespmem:s2+$0x19420] =	vst v41;
	vm5 =	vmor vm7, vm5;
	vm12 =	vmor vm9, vm10;
	vm10 =	vgt.f32 v32, $0.0e+00  }
0x294: {  	v37 =	vld [tilespmem:s2+$0x130];
	[tilespmem:s2+$0x19460] =	vst v36;
	vm1 =	vmor vm8, vm3;
	vm5 =	vmor vm5, vm6;
	vm2 =	vmor vm10, vm2  }
0x295: {  	v34 =	vld [tilespmem:s25+$0xE0];
	[tilespmem:s2+$0x19410] =	vst v61;
	vm3 =	vlt.f32 v24, $0.0e+00;
	vm2 =	vmor vm5, vm2;
	vm5 =	vgt.f32 v24, $0.0e+00  }
0x296: {  	v35 =	vld [tilespmem:s25+$0xB0];
	[tilespmem:s2+$0x19470] =	vst v44;
	vm3 =	vmor vm5, vm3;
	vm5 =	vgt.f32 v22, $0.0e+00;
	v40 =	vmpcnt.ones.xlane vm2  }
0x297: {  	[tilespmem:s2+$0x19430] =	vst v48;
	v36 =	vld [tilespmem:s25+$0x90];
	vm2 =	vlt.f32 v22, $0.0e+00;
	vm11 =	vmor vm1, vm3;
	vm3 =	vgt.s32 v60, $0x0  }
0x298: {  	[tilespmem:s2+$0x19450] =	vst v1;
	v44 =	vld [tilespmem:s25+$0x80];
	vm2 =	vmor vm5, vm2;
	vm0 =	vmor vm11, vm4;
	v1 =	vsel vm3, v57, v7  }
0x299: {  	s0 =	simm.s32 $0x2;
	s3 =	simm.s32 $0x800;
	[tilespmem:s2+$0x19440] =	vst v0;
	v41 =	vld [tilespmem:s25+$0xA0];
	v45 =	vsel vm3, v59, v63;
	v46 =	vsel vm3, v62, v58;
	v33 =	vadd.f32 v1, v52  }
.LBB2_9:
0x29a: {  	v0 =	vimm.s32 $0x0;
	s26 =	sshra.s32 s3, $0x2  }
0x29b: {  	v1 =	vadd.f32 v45, v10;
	v10 =	vmovc v18;
	vm4 =	vgt.s32 v40, $0x0;
	v0 =	vsel vm12, $0xFFFFFFFF, v0;
	v62 =	vld [tilespmem:s26+$0x194B0];
	[tilespmem:s2+$0x194F0] =	vst v33  }
0x29c: {  	v18 =	vadd.f32 v46, v21;
	v52 =	vsel vm4, v29, v4;
	v31 =	vsel vm4, v31, v5;
	[tilespmem:$0x1FEB0] =	vst v0  }
0x29d: {  	v48 =	vld [tilespmem:s26+$0x19450];
	[tilespmem:s2+$0x19480] =	vst v1;
	v55 =	vadd.f32 v31, v11;
	v37 =	vsel vm3, v37, v3;
	v39 =	vsel vm3, v39, v4  }
0x29e: {  	v51 =	vld [tilespmem:s26+$0x19430];
	[tilespmem:s2+$0x19490] =	vst v18;
	v21 =	vsel vm3, v42, v2;
	v47 =	vsel vm3, v43, v6;
	v1 =	vadd.f32 v37, v9  }
0x29f: {  	v0 =	vld [tilespmem:s25+$0xF0];
	v49 =	vsel vm3, v38, v5;
	v9 =	vmovc v12;
	v12 =	vsel vm4, v44, v63;
	v27 =	vadd.f32 v47, v27  }
0x2a0: {  	v50 =	vld [tilespmem:s26+$0x19460];
	v36 =	vsel vm4, v36, v58;
	v35 =	vsel vm4, v35, v3;
	v28 =	vadd.f32 v12, v28;
	[tilespmem:s2+$0x194B0] =	vst v1  }
0x2a1: {  	v41 =	vsel vm4, v41, v2;
	v54 =	vadd.f32 v35, v15;
	v1 =	vadd.f32 v39, v14;
	v18 =	vld [tilespmem:s26+$0x19480];
	[tilespmem:s2+$0x194E0] =	vst v27  }
0x2a2: {  	v29 =	vsel vm4, v34, v6;
	v36 =	vadd.f32 v36, v26;
	v14 =	vadd.f32 v41, v30;
	[tilespmem:s25+$0x19400] =	vst v28;
	v27 =	vld [tilespmem:s26+$0x194A0]  }
0x2a3: {  	vm5 =	vlt.f32 v48, $0.0e+00;
	vm6 =	vgt.f32 v48, $0.0e+00;
	v30 =	vadd.f32 v21, v8;
	[tilespmem:s2+$0x194C0] =	vst v1;
	v53 =	vld [tilespmem:s26+$0x19410]  }
0x2a4: {  	vm7 =	vlt.f32 v51, $0.0e+00;
	v15 =	vmovc v51;
	v0 =	vsel vm4, v0, v7;
	v1 =	vadd.f32 v49, v19;
	v28 =	vld [tilespmem:s26+$0x19400];
	[tilespmem:s25+$0x19420] =	vst v14  }
0x2a5: {  	vm3 =	vlt.f32 v50, $0.0e+00;
	vm8 =	vgt.f32 v15, $0.0e+00;
	v0 =	vadd.f32 v0, v32;
	v19 =	vld [tilespmem:s26+$0x19490];
	[tilespmem:s2+$0x194A0] =	vst v30  }
0x2a6: {  	vm1 =	vmor vm6, vm5;
	vm5 =	vmmov vm2;
	v12 =	vmovc v62;
	[tilespmem:s2+$0x194D0] =	vst v1;
	v1 =	vadd.f32 v29, v16;
	v29 =	vld [tilespmem:s26+$0xC0];
	s2 =	smov.u32 s25;
	s25 =	smov.u32 s26  }
0x2a7: {  	vm8 =	vmor vm8, vm7;
	vm6 =	vlt.f32 v12, $0.0e+00;
	vm9 =	vgt.f32 v12, $0.0e+00;
	v16 =	vmovc v50;
	v30 =	vld [tilespmem:s25+$0x19420];
	[tilespmem:s2+$0x19470] =	vst v0  }
0x2a8: {  	v56 =	vld [tilespmem:$0x1FEB0];
	vm4 =	vgt.f32 v16, $0.0e+00;
	v0 =	vimm.s32 $0x0;
	[tilespmem:s2+$0x19460] =	vst v1;
	v1 =	vimm.s32 $0x0  }
0x2a9: {  	v14 =	vmovc v24;
	v24 =	vld [tilespmem:s25+$0x194C0];
	vm10 =	vgt.f32 v18, $0.0e+00;
	vm3 =	vmor vm4, vm3;
	v1 =	vsel vm1, $0xFFFFFFFF, v1  }
0x2aa: {  	v8 =	vmovc v20;
	v38 =	vld [tilespmem:s2+$0x150];
	vm7 =	vgt.f32 v53, $0.0e+00;
	vm14 =	vgt.f32 v28, $0.0e+00;
	vm1 =	vmor vm9, vm6  }
0x2ab: {  	v43 =	vld [tilespmem:s2+$0x160];
	v20 =	vmovc v27;
	v26 =	vmovc v53;
	vm6 =	vlt.f32 v28, $0.0e+00;
	vm11 =	vlt.f32 v19, $0.0e+00;
	vm12 =	vgt.f32 v19, $0.0e+00  }
0x2ac: {  	v21 =	vmovc v13;
	[tilespmem:s2+$0x19410] =	vst v36;
	v42 =	vld [tilespmem:s2+$0x120];
	vm13 =	vgt.f32 v20, $0.0e+00;
	v0 =	vsel vm1, $0xFFFFFFFF, v0;
	vm15 =	vlt.f32 v26, $0.0e+00  }
0x2ad: {  	[tilespmem:s2+$0x19430] =	vst v54;
	v13 =	vmovc v19;
	v19 =	vmovc v17;
	v17 =	vld [tilespmem:s25+$0x194D0];
	vm9 =	vmor vm14, vm6;
	vm6 =	vmmov vm0;
	vm1 =	vlt.f32 v20, $0.0e+00  }
0x2ae: {  	[tilespmem:$0x1FED0] =	vst v0;
	v0 =	vadd.f32 v52, v23;
	v23 =	vld [tilespmem:s25+$0x19440];
	vm7 =	vmor vm7, vm15;
	vm11 =	vmor vm12, vm11  }
0x2af: {  	v31 =	vld [tilespmem:s25+$0xD0];
	vm1 =	vmor vm13, vm1;
	vm15 =	vgt.f32 v30, $0.0e+00;
	vm0 =	vlt.f32 v30, $0.0e+00  }
0x2b0: {  	v27 =	vmovc v25;
	v25 =	vld [tilespmem:s25+$0x194E0];
	[tilespmem:$0x1FEC0] =	vst v1;
	vm14 =	vmor vm9, vm7;
	vm0 =	vmor vm15, vm0;
	vm15 =	vlt.f32 v18, $0.0e+00  }
0x2b1: {  	[tilespmem:s2+$0x19450] =	vst v55;
	v59 =	vld [tilespmem:$0x1FEC0];
	vm9 =	vlt.f32 v24, $0.0e+00;
	vm0 =	vmor vm14, vm0;
	vm14 =	vmor vm10, vm15  }
0x2b2: {  	v39 =	vld [tilespmem:s2+$0x140];
	[tilespmem:s2+$0x19440] =	vst v0;
	vm2 =	vlt.f32 v17, $0.0e+00;
	vm0 =	vmor vm0, vm8;
	vm8 =	vgt.f32 v17, $0.0e+00  }
0x2b3: {  	v32 =	vld [tilespmem:s25+$0x19470];
	vm4 =	vmor vm14, vm11;
	vm11 =	vnez.u8 v56;
	vm12 =	vlt.f32 v23, $0.0e+00  }
0x2b4: {  	v62 =	vld [tilespmem:$0x1FED0];
	vm8 =	vmor vm8, vm2;
	vm2 =	vgt.f32 v23, $0.0e+00;
	vm1 =	vmor vm4, vm1  }
0x2b5: {  	v1 =	vld [tilespmem:s25+$0x194F0];
	vm4 =	vlt.f32 v25, $0.0e+00;
	vm11 =	vmor vm6, vm11;
	vm2 =	vmor vm2, vm12  }
0x2b6: {  	v57 =	vld [tilespmem:s2+$0x100];
	vm6 =	vnez.u8 v59;
	vm0 =	vmor vm0, vm2;
	vm2 =	vgt.f32 v25, $0.0e+00  }
0x2b7: {  	v60 =	vld [tilespmem:s2+$0x110];
	vm10 =	vgt.f32 v24, $0.0e+00;
	vm0 =	vmor vm0, vm6;
	vm12 =	vmor vm2, vm4  }
0x2b8: {  	s0 =	sadd.s32 $0x2, s0;
	v0 =	vld [tilespmem:s2+$0x170];
	vm2 =	vmor vm11, vm5;
	vm4 =	vlt.f32 v32, $0.0e+00;
	vm5 =	vgt.f32 v32, $0.0e+00  }
0x2b9: {  	p1 =	slt.u32 s0, $0xC6;
	v37 =	vld [tilespmem:s2+$0x130];
	v61 =	vmpcnt.ones.xlane vm2;
	vm0 =	vmor vm0, vm3;
	vm3 =	vnez.u8 v62  }
.Ltmp5:
0x2ba: {  	v34 =	vld [tilespmem:s25+$0xE0];
	vm7 =	vgt.f32 v1, $0.0e+00;
	vm2 =	vmor vm5, vm4;
	vm1 =	vmor vm1, vm3;
	(pc) =	sbr.rel @p1 .LBB2_9-.Ltmp5, $4  }
0x2bb: {  	v35 =	vld [tilespmem:s25+$0xB0];
	vm0 =	vmor vm0, vm2;
	vm2 =	vlt.f32 v1, $0.0e+00;
	vm3 =	vgt.s32 v61, $0x0  }
0x2bc: {  	v36 =	vld [tilespmem:s25+$0x90];
	v40 =	vmpcnt.ones.xlane vm0;
	vm0 =	vmor vm10, vm9;
	vm2 =	vmor vm7, vm2  }
0x2bd: {  	v44 =	vld [tilespmem:s25+$0x80];
	vm0 =	vmor vm1, vm0;
	v45 =	vsel vm3, v57, v63;
	v0 =	vsel vm3, v0, v7  }
0x2be: {  	s3 =	sadd.s32 $0x400, s3;
	v11 =	vmovc v48;
	v41 =	vld [tilespmem:s25+$0xA0];
	v46 =	vsel vm3, v60, v58;
	vm0 =	vmor vm0, vm8;
	v33 =	vadd.f32 v0, v22;
	v22 =	vmovc v1  }
0x2bf: {  	v0 =	vadd.f32 v45, v10  }
0x2c0: {  	v1 =	vsel vm3, v37, v3;
	v62 =	vadd.f32 v46, v21;
	v37 =	vsel vm3, v43, v6;
	[tilespmem:s2+$0x194F0] =	vst v33  }
0x2c1: {  	v43 =	vadd.f32 v37, v27;
	[tilespmem:s2+$0x19480] =	vst v0  }
0x2c2: {  	v48 =	vsel vm3, v42, v2;
	v0 =	vadd.f32 v1, v9;
	[tilespmem:s2+$0x19490] =	vst v62  }
0x2c3: {  	vm4 =	vgt.s32 v40, $0x0;
	v8 =	vadd.f32 v48, v8;
	v1 =	vsel vm3, v39, v4;
	[tilespmem:s2+$0x194E0] =	vst v43  }
0x2c4: {  	v49 =	vsel vm4, v34, v6;
	[tilespmem:s2+$0x194B0] =	vst v0;
	v0 =	vadd.f32 v1, v14;
	v1 =	vld [tilespmem:s25+$0xF0]  }
0x2c5: {  	v46 =	vsel vm3, v38, v5;
	v50 =	vadd.f32 v49, v16;
	[tilespmem:s2+$0x194A0] =	vst v8  }
0x2c6: {  	v55 =	vsel vm4, v31, v5;
	[tilespmem:s2+$0x194C0] =	vst v0;
	v0 =	vadd.f32 v46, v19  }
0x2c7: {  	v56 =	vsel vm4, v29, v4;
	v11 =	vadd.f32 v55, v11;
	[tilespmem:s25+$0x19460] =	vst v50  }
0x2c8: {  	v51 =	vld [tilespmem:s25+$0x170];
	vm0 =	vmor vm0, vm12;
	v57 =	vadd.f32 v56, v23;
	[tilespmem:s2+$0x194D0] =	vst v0;
	v0 =	vsel vm4, v36, v58  }
0x2c9: {  	v53 =	vld [tilespmem:s25+$0x110];
	vm0 =	vmor vm0, vm2;
	[tilespmem:s25+$0x19450] =	vst v11;
	v1 =	vsel vm4, v1, v7;
	v0 =	vadd.f32 v0, v26  }
0x2ca: {  	v54 =	vmpcnt.ones.xlane vm0;
	v45 =	vsel vm4, v44, v63;
	v8 =	vld [tilespmem:s25+$0x100];
	[tilespmem:s25+$0x19440] =	vst v57;
	v1 =	vadd.f32 v1, v32  }
0x2cb: {  	v10 =	vadd.f32 v45, v28;
	v47 =	vsel vm4, v41, v2;
	[tilespmem:s25+$0x19410] =	vst v0;
	v0 =	vld [tilespmem:s25+$0x130]  }
0x2cc: {  	v52 =	vsel vm4, v35, v3;
	vm0 =	vgt.s32 v54, $0x0;
	v9 =	vadd.f32 v47, v30;
	[tilespmem:s25+$0x19470] =	vst v1;
	v1 =	vld [tilespmem:s25+$0x160]  }
0x2cd: {  	v59 =	vld [tilespmem:s25+$0x140];
	v14 =	vadd.f32 v52, v15;
	[tilespmem:s25+$0x19400] =	vst v10;
	v10 =	vsel vm0, v51, v7  }
0x2ce: {  	v60 =	vld [tilespmem:s25+$0x150];
	[tilespmem:s25+$0x19420] =	vst v9;
	v10 =	vadd.f32 v10, v22;
	v9 =	vsel vm0, v53, v58  }
0x2cf: {  	v61 =	vld [tilespmem:s25+$0x120];
	[tilespmem:s25+$0x19430] =	vst v14;
	v8 =	vsel vm0, v8, v63;
	v9 =	vadd.f32 v9, v13  }
0x2d0: {  	v8 =	vadd.f32 v8, v18;
	[tilespmem:s25+$0x194F0] =	vst v10;
	v0 =	vsel vm0, v0, v3  }
0x2d1: {  	[tilespmem:s25+$0x19490] =	vst v9;
	v1 =	vsel vm0, v1, v6;
	v0 =	vadd.f32 v0, v12  }
0x2d2: {  	[tilespmem:s25+$0x19480] =	vst v8;
	v8 =	vsel vm0, v59, v4;
	v1 =	vadd.f32 v1, v25  }
0x2d3: {  	v62 =	vsel vm0, v60, v5;
	[tilespmem:s25+$0x194B0] =	vst v0;
	v0 =	vadd.f32 v8, v24  }
0x2d4: {  	v8 =	vsel vm0, v61, v2;
	[tilespmem:s25+$0x194E0] =	vst v1;
	v1 =	vadd.f32 v62, v17  }
0x2d5: {  	[tilespmem:s25+$0x194C0] =	vst v0;
	v0 =	vadd.f32 v8, v20  }
0x2d6: {  	[tilespmem:s25+$0x194D0] =	vst v1  }
.Ltmp6:
0x2d7: {  	s0 =	sadd.s32 s4, s24;
	[tilespmem:s25+$0x194A0] =	vst v0;
	(pc) =	sbr.rel @p0 .LBB2_12-.Ltmp6, $4  }
0x2d8: {  	[hbm4b:s0+s6] =	stream.linear.scatter [tilespmem:s19], [sflag:$0x2], $0x6400, $0x38;
	[tilespmem:$0x1F800] =	vst v63  }
0x2d9: {  	_ =	swait.ge [sflag:s20], $0x6400  }
0x2da: {  	[sflag:s20] =	ssyncset.done $0x0  }
0x2db: {  	[sflag:s20] =	ssyncadd.s32 $0xFFFF9C00  }
.Ltmp7:
0x2dc: {  	s0 =	sadd.s32 s23, s12;
	(pc) =	sbr.rel .LBB2_2-.Ltmp7, $3  }
0x2dd: {  	s0 =	smul.u32 $0xC80, s0;
	_ =	sdelay $0x1  }
0x2de: {  	s22 =	sadd.s32 $0x1, s22;
	s0 =	sadd.s32 s1, s0  }
0x2df: {  	[tilespmem:s17], [sflag:$0x1] =	stream.linear.gather [hbm4b:s0+s6], $0x6400, $0x38;
	[tilespmem:$0x1F800] =	vst v63  }
.LBB2_13:
0x2e0: {  	_ =	sfence.sel $0x180000  }
0x2e1: {  	[bflag:$0x0] =	sbarrier.arrive $0xFFFF  }
0x2e2: {  	_ =	strace $0x90000047  }
0x2e3: {  	s0 =	stileid.u32;
	[bflag:$0x2] =	sbarrier.arrive $0xFFFF  }
0x2e4: {  	p0 =	sne.s32 s0, $0x0;
	s0 =	rddreg [dreg:$0x3]  }
0x2e5: {  	s0 =	sadd.s32 @!p0 $0x100000, s0  }
0x2e6: {  	[sflag:s0] =	ssyncadd.tile.s32 @!p0 $0x1;
	_ =	shalt  }
.Lfunc_end2:
_tile_overlayer_lowered:
.L_overlay_start_2:
0x2e7: {  	(tag) =	ssettag $0x2  }
0x2e8: {  	s0 =	rddreg [dreg:$0x0];
	s2 =	stileid.u32  }
0x2e9: {  	s1 =	rddreg [dreg:$0x1];
	p0 =	sne.s32 s2, $0x0  }
0x2ea: {  	s3 =	rddreg [dreg:$0x2];
	[bflag:$0x3] =	sbarrier.arrive $0xFFFF;
	s2 =	simm.s32 @!p0 $0x1C03  }
0x2eb: {  	[timem:s3], [sflag:s2] =	dma.local @!p0 [hbm:s0], s1  }
0x2ec: {  	s0 =	simm.s32 @!p0 $0x3  }
0x2ed: {  	_ =	swait.ge @!p0 [sflag:s0], s1  }
0x2ee: {  	s1 =	ssub.s32 @!p0 $0x0, s1;
	[sflag:s0] =	ssyncset.done @!p0 $0x0  }
0x2ef: {  	[sflag:s0] =	ssyncadd.s32 @!p0 s1  }
0x2f0: {  	[bflag:$0x3] =	sbarrier.arrive $0xFFFF  }
0x2f1: {  	_ =	shalt  }

</sc_bundles>
